<compile_context>
chip_gen: v7x
topology: tpu7x:2x2x1
jax: 0.10.2.dev20260603
libtpu: 0.0.44.dev20260713+nightly
codegen_flags: <defaults>
</compile_context>

<pallas_src>
import functools

import jax
import jax.numpy as jnp
from jax import lax
from jax.experimental import pallas as pl
from jax.experimental.pallas import tpu as pltpu
from jax.experimental.pallas import tpu_sc as plsc

NC = 2
NS = 16
NW = NC * NS
L = 16

_SC_PARAMS = pltpu.CompilerParams(
    needs_layout_passes=False, use_tc_tiling_on_sc=False
)


def _degree_call(src_idx, dst_idx, n, e):
    ec = e // NW
    deg_b = 2000
    mesh = plsc.VectorSubcoreMesh(core_axis_name="c", subcore_axis_name="s")

    @functools.partial(
        pl.kernel,
        out_type=jax.ShapeDtypeStruct((NW, 2, n), jnp.float32),
        mesh=mesh,
        compiler_params=_SC_PARAMS,
        scratch_types=[
            pltpu.VMEM((deg_b,), jnp.int32),
            pltpu.VMEM((n,), jnp.float32),
            pltpu.VMEM((n,), jnp.float32),
        ],
    )
    def deg_kernel(src_hbm, dst_hbm, out_hbm, idx_v, dgo_v, dgi_v):
        c = lax.axis_index("c")
        s = lax.axis_index("s")
        w = c * NS + s
        zero = jnp.zeros((L,), jnp.float32)
        ones = jnp.ones((L,), jnp.float32)

        @pl.loop(0, n // L)
        def _zero(i):
            dgo_v[pl.ds(i * L, L)] = zero
            dgi_v[pl.ds(i * L, L)] = zero

        @pl.loop(0, ec // deg_b)
        def _chunk(k):
            base = w * ec + k * deg_b
            pltpu.sync_copy(src_hbm.at[pl.ds(base, deg_b)], idx_v)

            @pl.loop(0, deg_b // L)
            def _src(j):
                iv = idx_v[pl.ds(j * L, L)]
                plsc.addupdate_scatter(dgo_v, [iv], ones)

            pltpu.sync_copy(dst_hbm.at[pl.ds(base, deg_b)], idx_v)

            @pl.loop(0, deg_b // L)
            def _dst(j):
                iv = idx_v[pl.ds(j * L, L)]
                plsc.addupdate_scatter(dgi_v, [iv], ones)

        pltpu.sync_copy(dgo_v, out_hbm.at[w, 0])
        pltpu.sync_copy(dgi_v, out_hbm.at[w, 1])

    return deg_kernel(src_idx, dst_idx)


def _node_tables_call(x, w_src, b_src, w_dst, b_dst, degp):
    n, d = x.shape
    h = d // 2
    nb = n
    grid = 1

    def body(x_ref, ws_ref, bs_ref, wd_ref, bd_ref, degp_ref, tsrc_ref, tdst_ref):
        xv = x_ref[...]
        es = jnp.dot(xv, ws_ref[...], preferred_element_type=jnp.float32) + bs_ref[...]
        deg_o = jnp.sum(degp_ref[:, 0, :], axis=0)
        inv_o = lax.rsqrt(jnp.maximum(deg_o, 1.0))
        fs = xv * inv_o[:, None]
        tsrc_ref[0, :, :h] = es[:, :h]
        tsrc_ref[0, :, h:] = fs[:, :h]
        tsrc_ref[1, :, :h] = es[:, h:]
        tsrc_ref[1, :, h:] = fs[:, h:]
        ed = jnp.dot(xv, wd_ref[...], preferred_element_type=jnp.float32) + bd_ref[...]
        tdst_ref[0] = ed[:, :h]
        tdst_ref[1] = ed[:, h:]

    return pl.pallas_call(
        body,
        grid=(grid,),
        in_specs=[
            pl.BlockSpec((nb, d), lambda i: (i, 0)),
            pl.BlockSpec((d, d), lambda i: (0, 0)),
            pl.BlockSpec((1, d), lambda i: (0, 0)),
            pl.BlockSpec((d, d), lambda i: (0, 0)),
            pl.BlockSpec((1, d), lambda i: (0, 0)),
            pl.BlockSpec((NW, 2, n), lambda i: (0, 0, 0)),
        ],
        out_specs=[
            pl.BlockSpec((NC, nb, d), lambda i: (0, i, 0)),
            pl.BlockSpec((NC, nb, h), lambda i: (0, i, 0)),
        ],
        out_shape=[
            jax.ShapeDtypeStruct((NC, n, d), jnp.float32),
            jax.ShapeDtypeStruct((NC, n, h), jnp.float32),
        ],
    )(x, w_src, b_src, w_dst, b_dst, degp)


def _edge_lin_call(edge_feats, w_edge, b_edge):
    e, d = edge_feats.shape
    h = d // 2
    be = 8000
    grid = e // be

    def body(ef_ref, we_ref, bb_ref, out_ref):
        lin = (
            jnp.dot(ef_ref[...], we_ref[...], preferred_element_type=jnp.float32)
            + bb_ref[...]
        )
        out_ref[0] = lin[:, :h]
        out_ref[1] = lin[:, h:]

    return pl.pallas_call(
        body,
        grid=(grid,),
        in_specs=[
            pl.BlockSpec((be, d), lambda i: (i, 0)),
            pl.BlockSpec((d, d), lambda i: (0, 0)),
            pl.BlockSpec((1, d), lambda i: (0, 0)),
        ],
        out_specs=pl.BlockSpec((NC, be, h), lambda i: (0, i, 0)),
        out_shape=jax.ShapeDtypeStruct((NC, e, h), jnp.float32),
    )(edge_feats, w_edge, b_edge)


def _edge_gather_scatter_call(src_idx, dst_idx, tsrc, tdst, el, n, e, d):
    h = d // 2
    ec = e // NS
    b = 80
    nchunk = ec // b
    nps = 624
    tail = n - NS * nps
    zr = 208
    mesh = plsc.VectorSubcoreMesh(core_axis_name="c", subcore_axis_name="s")

    @functools.partial(
        pl.kernel,
        out_type=(
            jax.ShapeDtypeStruct((e, d), jnp.float32),
            jax.ShapeDtypeStruct((NC, n, h), jnp.float32),
        ),
        mesh=mesh,
        compiler_params=_SC_PARAMS,
        scratch_types=[
            [pltpu.VMEM((1, b), jnp.int32)] * 2,
            [pltpu.VMEM((1, b), jnp.int32)] * 2,
            [pltpu.VMEM((b, d), jnp.float32)] * 2,
            [pltpu.VMEM((b, h), jnp.float32)] * 2,
            [pltpu.VMEM((b, h), jnp.float32)] * 2,
            [pltpu.VMEM((b, h), jnp.float32)] * 2,
            [pltpu.VMEM((b, h), jnp.float32)] * 2,
            pltpu.VMEM((zr, h), jnp.float32),
            pltpu.VMEM_SHARED((n, h), jnp.float32),
            [pltpu.SemaphoreType.DMA] * 2,
            [pltpu.SemaphoreType.DMA] * 2,
            [pltpu.SemaphoreType.DMA] * 2,
            [pltpu.SemaphoreType.DMA] * 2,
        ],
    )
    def edge_kernel(src_hbm, dst_hbm, tsrc_hbm, tdst_hbm, el_hbm, m_hbm, acc_hbm,
                    idx_sv, idx_dv, gsrc, gdst, elb, m_buf, msg, zbuf, acc_sh,
                    sem_g, sem_m, sem_s, sem_i):
        c = lax.axis_index("c")
        s = lax.axis_index("s")
        zero = jnp.zeros((L,), jnp.float32)

        @pl.loop(0, zr)
        def _zfill(r):
            for cc in range(h // L):
                zbuf[r, pl.ds(cc * L, L)] = zero

        for j in range(nps // zr):
            pltpu.sync_copy(zbuf, acc_sh.at[pl.ds(s * nps + j * zr, zr)])

        @pl.when(s == NS - 1)
        def _ztail():
            pltpu.sync_copy(zbuf.at[pl.ds(0, tail)], acc_sh.at[pl.ds(NS * nps, tail)])

        plsc.subcore_barrier()

        def issue_gathers(k, bb):
            base = s * ec + k * b
            g = s * nchunk + k
            pltpu.async_copy(src_hbm.at[pl.ds(g, 1)], idx_sv[bb], sem_i[bb])
            pltpu.async_copy(dst_hbm.at[pl.ds(g, 1)], idx_dv[bb], sem_i[bb])
            pltpu.make_async_copy(
                src_hbm.at[pl.ds(0, 1)], idx_sv[bb], sem_i[bb]).wait()
            pltpu.make_async_copy(
                dst_hbm.at[pl.ds(0, 1)], idx_dv[bb], sem_i[bb]).wait()
            pltpu.async_copy(tsrc_hbm.at[c].at[idx_sv[bb].at[0]], gsrc[bb], sem_g[bb])
            pltpu.async_copy(tdst_hbm.at[c].at[idx_dv[bb].at[0]], gdst[bb], sem_g[bb])
            pltpu.async_copy(el_hbm.at[c, pl.ds(base, b)], elb[bb], sem_g[bb])

        def wait_gathers(bb):
            pltpu.make_async_copy(
                tsrc_hbm.at[c].at[idx_sv[bb].at[0]], gsrc[bb], sem_g[bb]).wait()
            pltpu.make_async_copy(
                tdst_hbm.at[c].at[idx_dv[bb].at[0]], gdst[bb], sem_g[bb]).wait()
            pltpu.make_async_copy(
                el_hbm.at[c, pl.ds(0, b)], elb[bb], sem_g[bb]).wait()

        def wait_m(bb):
            pltpu.make_async_copy(
                m_buf[bb], m_hbm.at[pl.ds(0, b), pl.ds(c * h, h)], sem_m[bb]
            ).wait()

        def wait_s(bb):
            pltpu.make_async_copy(
                el_hbm.at[c, pl.ds(0, b)], msg[bb], sem_s[bb]).wait()

        issue_gathers(0, 0)

        @pl.loop(0, nchunk // 2)
        def _chunk2(kk):
            for half in range(2):
                k = kk * 2 + half
                other = 1 - half

                if half == 0:
                    @pl.when(kk >= 1)
                    def _wprev():
                        wait_m(other)
                        wait_s(other)
                else:
                    wait_m(other)
                    wait_s(other)

                if half == 0:
                    issue_gathers(k + 1, other)
                else:
                    @pl.when(kk + 1 < nchunk // 2)
                    def _pref():
                        issue_gathers(k + 1, other)

                wait_gathers(half)

                @plsc.parallel_loop(0, b, step=1)
                def _row(r):
                    for cc in range(h // L):
                        off = cc * L
                        es = gsrc[half][r, pl.ds(off, L)]
                        ed = gdst[half][r, pl.ds(off, L)]
                        ev = elb[half][r, pl.ds(off, L)]
                        mv = es + ed + ev
                        m_buf[half][r, pl.ds(off, L)] = mv
                        den = 1.0 + jnp.exp(-mv)
                        fs = gsrc[half][r, pl.ds(h + off, L)]
                        msg[half][r, pl.ds(off, L)] = fs / den

                base = s * ec + k * b
                pltpu.async_copy(
                    m_buf[half], m_hbm.at[pl.ds(base, b), pl.ds(c * h, h)],
                    sem_m[half],
                )
                pltpu.async_copy(
                    msg[half], acc_sh.at[idx_dv[half].at[0]], sem_s[half], add=True
                )

        wait_m(1)
        wait_s(1)
        plsc.subcore_barrier()
        pltpu.sync_copy(acc_sh.at[pl.ds(s * nps, nps)],
                        acc_hbm.at[c, pl.ds(s * nps, nps)])

        @pl.when(s == NS - 1)
        def _otail():
            pltpu.sync_copy(acc_sh.at[pl.ds(NS * nps, tail)],
                            acc_hbm.at[c, pl.ds(NS * nps, tail)])

    src2 = src_idx.reshape(e // b, b)
    dst2 = dst_idx.reshape(e // b, b)
    return edge_kernel(src2, dst2, tsrc, tdst, el)


def _final_call(x, acc, degp, weight, bias):
    n, d = x.shape
    h = d // 2
    nb = n
    grid = 1

    def body(x_ref, acc_ref, degp_ref, w_ref, bb_ref, out_ref):
        a = jnp.concatenate([acc_ref[0], acc_ref[1]], axis=1)
        r = jnp.dot(a, w_ref[...], preferred_element_type=jnp.float32)
        deg_i = jnp.sum(degp_ref[:, 1, :], axis=0)
        inv_i = lax.rsqrt(jnp.maximum(deg_i, 1.0))
        out_ref[...] = x_ref[...] + r * inv_i[:, None] + bb_ref[...]

    return pl.pallas_call(
        body,
        grid=(grid,),
        in_specs=[
            pl.BlockSpec((nb, d), lambda i: (i, 0)),
            pl.BlockSpec((NC, nb, h), lambda i: (0, i, 0)),
            pl.BlockSpec((NW, 2, n), lambda i: (0, 0, 0)),
            pl.BlockSpec((d, d), lambda i: (0, 0)),
            pl.BlockSpec((1, d), lambda i: (0, 0)),
        ],
        out_specs=pl.BlockSpec((nb, d), lambda i: (i, 0)),
        out_shape=jax.ShapeDtypeStruct((n, d), jnp.float32),
    )(x, acc, degp, weight, bias)


def kernel(node_feats, edge_index, edge_feats, W_src, b_src, W_dst, b_dst,
           W_edge, b_edge, weight, bias):
    n, d = node_feats.shape
    e = edge_index.shape[1]
    src_idx = edge_index[0]
    dst_idx = edge_index[1]
    degp = _degree_call(src_idx, dst_idx, n, e)
    tsrc, tdst = _node_tables_call(
        node_feats, W_src, b_src.reshape(1, d), W_dst, b_dst.reshape(1, d), degp
    )
    el = _edge_lin_call(edge_feats, W_edge, b_edge.reshape(1, d))
    m, acc = _edge_gather_scatter_call(src_idx, dst_idx, tsrc, tdst, el, n, e, d)
    rst = _final_call(node_feats, acc, degp, weight, bias.reshape(1, d))
    return (rst, m)

# --- scband reference (transcript-rebuilt; emitter-appended) ---
"""Pipeline reference for scband-pure-gnn-32031866093810 (READ-ONLY COPY).

The authoritative reference and input builder live on the scoring server;
editing this copy changes nothing except your own understanding.
"""

import jax, jax.numpy as jnp
import numpy as np

N = 10000
E = 320000
D = 128


def setup_inputs(seed: int = 0) -> dict:
    key = jax.random.key(seed)
    ks = jax.random.split(key, 12)
    s = 1.0 / np.sqrt(D)
    x = jax.random.normal(ks[0], (N, D), jnp.float32)
    edge_index = jax.random.randint(ks[1], (2, E), 0, N)
    edge_feats = jax.random.normal(ks[2], (E, D), jnp.float32)
    W_src = jax.random.normal(ks[3], (D, D), jnp.float32) * s
    b_src = jax.random.normal(ks[4], (D,), jnp.float32) * 0.01
    W_dst = jax.random.normal(ks[5], (D, D), jnp.float32) * s
    b_dst = jax.random.normal(ks[6], (D,), jnp.float32) * 0.01
    W_edge = jax.random.normal(ks[7], (D, D), jnp.float32) * s
    b_edge = jax.random.normal(ks[8], (D,), jnp.float32) * 0.01
    weight = jax.random.normal(ks[9], (D, D), jnp.float32) * s
    bias = jnp.zeros((D,), jnp.float32)
    return {"node_feats": x, "edge_index": edge_index, "edge_feats": edge_feats,
            "W_src": W_src, "b_src": b_src, "W_dst": W_dst, "b_dst": b_dst,
            "W_edge": W_edge, "b_edge": b_edge, "weight": weight, "bias": bias}


def reference(node_feats, edge_index, edge_feats, W_src, b_src, W_dst, b_dst, W_edge, b_edge, weight, bias):
    src = edge_index[0]
    dst = edge_index[1]
    n = node_feats.shape[0]
    # edge gating: sigma = sigmoid(src_gate(u) + dst_gate(v) + edge_gate(e))
    e_src = node_feats @ W_src + b_src
    e_dst = node_feats @ W_dst + b_dst
    m = e_src[src] + e_dst[dst] + (edge_feats @ W_edge + b_edge)
    sigma = jax.nn.sigmoid(m)
    # left norm (norm='both'): feat_src = x * out_deg^-0.5
    deg_out = jnp.maximum(jnp.bincount(src, length=n).astype(jnp.float32), 1.0)
    feat_src = node_feats * (deg_out ** -0.5)[:, None]
    # aggregate: sum_{j->i} feat_src[j] * sigma_ij  (in_feats == out_feats -> matmul after aggregation)
    msg = feat_src[src] * sigma
    rst = jnp.zeros((n, feat_src.shape[1]), node_feats.dtype).at[dst].add(msg)
    rst = rst @ weight
    # right norm: rst = rst * in_deg^-0.5
    deg_in = jnp.maximum(jnp.bincount(dst, length=n).astype(jnp.float32), 1.0)
    rst = rst * (deg_in ** -0.5)[:, None]
    rst = rst + bias
    # residual
    rst = node_feats + rst
    return (rst, m)

if __name__ == "__main__":
    import jax
    _d = setup_inputs()
    print(jax.jit(kernel)(*tuple(_d.values())))

</pallas_src>

<mosaic_0001>
#map = affine_map<(d0, d1) -> (0)>
#map1 = affine_map<(d0, d1) -> (0, 0, 0)>
module attributes {stable_mosaic.version = 14 : i64} {
  func.func @deg_kernel(%arg0: i32, %arg1: i32, %arg2: memref<320000xi32, #tpu.memory_space<hbm>>, %arg3: memref<320000xi32, #tpu.memory_space<hbm>>, %arg4: memref<32x2x10000xf32, #tpu.memory_space<hbm>>, %arg5: memref<2000xi32, #tpu.memory_space<vmem>>, %arg6: memref<10000xf32, #tpu.memory_space<vmem>>, %arg7: memref<10000xf32, #tpu.memory_space<vmem>>) attributes {dimension_semantics = [#tpu.dimension_semantics<core_parallel>, #tpu.dimension_semantics<subcore_parallel>], iteration_bounds = array<i64: 2, 16>, scalar_prefetch = 0 : i64, scratch_operands = 3 : i64, tpu.core_type = #tpu.core_type<sc_vector_subcore>, window_params = [{transform_indices = #map}, {transform_indices = #map}, {transform_indices = #map1}]} {
    %mul3A = arith.constant 16 : i32
    %mul3A_0 = arith.muli %arg0, %mul3A : i32
    %add3A = arith.addi %mul3A_0, %arg1 : i32
    %broadcast_in_dim3A = arith.constant 0.000000e+00 : f32
    %broadcast_in_dim3A_1 = vector.broadcast %broadcast_in_dim3A : f32 to vector<16xf32>
    %broadcast_in_dim3A_2 = arith.constant 1.000000e+00 : f32
    %broadcast_in_dim3A_3 = vector.broadcast %broadcast_in_dim3A_2 : f32 to vector<16xf32>
    %scan3A = arith.constant 0 : i32
    %scan3A_4 = arith.constant 625 : i32
    %scan3A_5 = arith.addi %scan3A, %scan3A_4 : i32
    %scan3A_6 = arith.constant 1 : i32
    scf.for %scan3A_14 = %scan3A to %scan3A_5 step %scan3A_6  : i32 {
      %mul3A_15 = arith.constant 1 : i32
      %mul3A_16 = arith.muli %scan3A_14, %mul3A_15 : i32
      %add3A_17 = arith.constant 0 : i32
      %add3A_18 = arith.addi %add3A_17, %mul3A_16 : i32
      %mul3A_19 = arith.constant 16 : i32
      %mul3A_20 = arith.muli %add3A_18, %mul3A_19 : i32
      %swap3A = arith.index_cast %mul3A_20 : i32 to index
      %swap3A_21 = tpu.vector_load %arg6[%swap3A] {strides = array<i32>} : memref<10000xf32, #tpu.memory_space<vmem>>, vector<16xf32>,
      tpu.vector_store %arg6[%swap3A], %broadcast_in_dim3A_1 {strides = array<i32>} : memref<10000xf32, #tpu.memory_space<vmem>>, vector<16xf32>,
      %mul3A_22 = arith.constant 16 : i32
      %mul3A_23 = arith.muli %add3A_18, %mul3A_22 : i32
      %swap3A_24 = arith.index_cast %mul3A_23 : i32 to index
      %swap3A_25 = tpu.vector_load %arg7[%swap3A_24] {strides = array<i32>} : memref<10000xf32, #tpu.memory_space<vmem>>, vector<16xf32>,
      tpu.vector_store %arg7[%swap3A_24], %broadcast_in_dim3A_1 {strides = array<i32>} : memref<10000xf32, #tpu.memory_space<vmem>>, vector<16xf32>,
    }
    %scan3A_7 = arith.constant 625 : i32
    %scan3A_8 = arith.constant 0 : i32
    %scan3A_9 = arith.constant 5 : i32
    %scan3A_10 = arith.addi %scan3A_8, %scan3A_9 : i32
    %scan3A_11 = arith.constant 1 : i32
    scf.for %scan3A_14 = %scan3A_8 to %scan3A_10 step %scan3A_11  : i32 {
      %mul3A_15 = arith.constant 1 : i32
      %mul3A_16 = arith.muli %scan3A_14, %mul3A_15 : i32
      %add3A_17 = arith.constant 0 : i32
      %add3A_18 = arith.addi %add3A_17, %mul3A_16 : i32
      %mul3A_19 = arith.constant 10000 : i32
      %mul3A_20 = arith.muli %add3A, %mul3A_19 : i32
      %mul3A_21 = arith.constant 2000 : i32
      %mul3A_22 = arith.muli %add3A_18, %mul3A_21 : i32
      %add3A_23 = arith.addi %mul3A_20, %mul3A_22 : i32
      "tpu.region"() ({
        %run_scoped3A_34 = tpu.sem_alloc : memref<!tpu.dma_semaphore, #tpu.memory_space<semaphore_mem>>
        %dma_start3A = tpu.memref_slice %arg2[%add3A_23] : memref<320000xi32, #tpu.memory_space<hbm>> -> memref<2000xi32, #tpu.memory_space<hbm>>
        %dma_start3A_35 = tpu.memref_slice %arg2[%add3A_23] : memref<320000xi32, #tpu.memory_space<hbm>> -> memref<2000xi32, #tpu.memory_space<hbm>>
        tpu.enqueue_dma source(%dma_start3A_35 : memref<2000xi32, #tpu.memory_space<hbm>>) target(%arg5 : memref<2000xi32, #tpu.memory_space<vmem>>) target_semaphore(%run_scoped3A_34 : memref<!tpu.dma_semaphore, #tpu.memory_space<semaphore_mem>>)
        %dma_wait3A = tpu.memref_slice %arg2[%add3A_23] : memref<320000xi32, #tpu.memory_space<hbm>> -> memref<2000xi32, #tpu.memory_space<hbm>>
        %dma_wait3A_36 = tpu.memref_slice %arg2[%add3A_23] : memref<320000xi32, #tpu.memory_space<hbm>> -> memref<2000xi32, #tpu.memory_space<hbm>>
        tpu.wait_dma2 semaphore(%run_scoped3A_34 : memref<!tpu.dma_semaphore, #tpu.memory_space<semaphore_mem>>) src(%dma_wait3A_36 : memref<2000xi32, #tpu.memory_space<hbm>>) dst(%arg5 : memref<2000xi32, #tpu.memory_space<vmem>>)
        tpu.yield
      }) : () -> ()
      %scan3A_24 = arith.constant 0 : i32
      %scan3A_25 = arith.constant 125 : i32
      %scan3A_26 = arith.addi %scan3A_24, %scan3A_25 : i32
      %scan3A_27 = arith.constant 1 : i32
      scf.for %scan3A_34 = %scan3A_24 to %scan3A_26 step %scan3A_27  : i32 {
        %mul3A_35 = arith.constant 1 : i32
        %mul3A_36 = arith.muli %scan3A_34, %mul3A_35 : i32
        %add3A_37 = arith.constant 0 : i32
        %add3A_38 = arith.addi %add3A_37, %mul3A_36 : i32
        %mul3A_39 = arith.constant 16 : i32
        %mul3A_40 = arith.muli %add3A_38, %mul3A_39 : i32
        %get3A = arith.index_cast %mul3A_40 : i32 to index
        %get3A_41 = tpu.vector_load %arg5[%get3A] {strides = array<i32>} : memref<2000xi32, #tpu.memory_space<vmem>>, vector<16xi32>,
        tpu.vector_store_idx %arg6[%get3A_41], %broadcast_in_dim3A_3 {add = true} : memref<10000xf32, #tpu.memory_space<vmem>>[vector<16xi32>], vector<16xf32>,
      }
      %scan3A_28 = arith.constant 125 : i32
      "tpu.region"() ({
        %run_scoped3A_34 = tpu.sem_alloc : memref<!tpu.dma_semaphore, #tpu.memory_space<semaphore_mem>>
        %dma_start3A = tpu.memref_slice %arg3[%add3A_23] : memref<320000xi32, #tpu.memory_space<hbm>> -> memref<2000xi32, #tpu.memory_space<hbm>>
        %dma_start3A_35 = tpu.memref_slice %arg3[%add3A_23] : memref<320000xi32, #tpu.memory_space<hbm>> -> memref<2000xi32, #tpu.memory_space<hbm>>
        tpu.enqueue_dma source(%dma_start3A_35 : memref<2000xi32, #tpu.memory_space<hbm>>) target(%arg5 : memref<2000xi32, #tpu.memory_space<vmem>>) target_semaphore(%run_scoped3A_34 : memref<!tpu.dma_semaphore, #tpu.memory_space<semaphore_mem>>)
        %dma_wait3A = tpu.memref_slice %arg3[%add3A_23] : memref<320000xi32, #tpu.memory_space<hbm>> -> memref<2000xi32, #tpu.memory_space<hbm>>
        %dma_wait3A_36 = tpu.memref_slice %arg3[%add3A_23] : memref<320000xi32, #tpu.memory_space<hbm>> -> memref<2000xi32, #tpu.memory_space<hbm>>
        tpu.wait_dma2 semaphore(%run_scoped3A_34 : memref<!tpu.dma_semaphore, #tpu.memory_space<semaphore_mem>>) src(%dma_wait3A_36 : memref<2000xi32, #tpu.memory_space<hbm>>) dst(%arg5 : memref<2000xi32, #tpu.memory_space<vmem>>)
        tpu.yield
      }) : () -> ()
      %scan3A_29 = arith.constant 0 : i32
      %scan3A_30 = arith.constant 125 : i32
      %scan3A_31 = arith.addi %scan3A_29, %scan3A_30 : i32
      %scan3A_32 = arith.constant 1 : i32
      scf.for %scan3A_34 = %scan3A_29 to %scan3A_31 step %scan3A_32  : i32 {
        %mul3A_35 = arith.constant 1 : i32
        %mul3A_36 = arith.muli %scan3A_34, %mul3A_35 : i32
        %add3A_37 = arith.constant 0 : i32
        %add3A_38 = arith.addi %add3A_37, %mul3A_36 : i32
        %mul3A_39 = arith.constant 16 : i32
        %mul3A_40 = arith.muli %add3A_38, %mul3A_39 : i32
        %get3A = arith.index_cast %mul3A_40 : i32 to index
        %get3A_41 = tpu.vector_load %arg5[%get3A] {strides = array<i32>} : memref<2000xi32, #tpu.memory_space<vmem>>, vector<16xi32>,
        tpu.vector_store_idx %arg7[%get3A_41], %broadcast_in_dim3A_3 {add = true} : memref<10000xf32, #tpu.memory_space<vmem>>[vector<16xi32>], vector<16xf32>,
      }
      %scan3A_33 = arith.constant 125 : i32
    }
    %scan3A_12 = arith.constant 5 : i32
    %run_scoped3A = arith.constant 0 : i32
    "tpu.region"() ({
      %run_scoped3A_14 = tpu.sem_alloc : memref<!tpu.dma_semaphore, #tpu.memory_space<semaphore_mem>>
      %dma_start3A = arith.constant 0 : i32
      %dma_start3A_15 = tpu.memref_slice %arg4[%add3A, %run_scoped3A, %dma_start3A] : memref<32x2x10000xf32, #tpu.memory_space<hbm>> -> memref<1x1x10000xf32, #tpu.memory_space<hbm>>
      %dma_start3A_16 = tpu.memref_squeeze %dma_start3A_15 : memref<1x1x10000xf32, #tpu.memory_space<hbm>> -> memref<10000xf32, #tpu.memory_space<hbm>>
      %dma_start3A_17 = arith.constant 0 : i32
      %dma_start3A_18 = tpu.memref_slice %arg4[%add3A, %run_scoped3A, %dma_start3A_17] : memref<32x2x10000xf32, #tpu.memory_space<hbm>> -> memref<1x1x10000xf32, #tpu.memory_space<hbm>>
      %dma_start3A_19 = tpu.memref_squeeze %dma_start3A_18 : memref<1x1x10000xf32, #tpu.memory_space<hbm>> -> memref<10000xf32, #tpu.memory_space<hbm>>
      tpu.enqueue_dma source(%arg6 : memref<10000xf32, #tpu.memory_space<vmem>>) target(%dma_start3A_19 : memref<10000xf32, #tpu.memory_space<hbm>>) target_semaphore(%run_scoped3A_14 : memref<!tpu.dma_semaphore, #tpu.memory_space<semaphore_mem>>)
      %dma_wait3A = arith.constant 0 : i32
      %dma_wait3A_20 = tpu.memref_slice %arg4[%add3A, %run_scoped3A, %dma_wait3A] : memref<32x2x10000xf32, #tpu.memory_space<hbm>> -> memref<1x1x10000xf32, #tpu.memory_space<hbm>>
      %dma_wait3A_21 = tpu.memref_squeeze %dma_wait3A_20 : memref<1x1x10000xf32, #tpu.memory_space<hbm>> -> memref<10000xf32, #tpu.memory_space<hbm>>
      %dma_wait3A_22 = arith.constant 0 : i32
      %dma_wait3A_23 = tpu.memref_slice %arg4[%add3A, %run_scoped3A, %dma_wait3A_22] : memref<32x2x10000xf32, #tpu.memory_space<hbm>> -> memref<1x1x10000xf32, #tpu.memory_space<hbm>>
      %dma_wait3A_24 = tpu.memref_squeeze %dma_wait3A_23 : memref<1x1x10000xf32, #tpu.memory_space<hbm>> -> memref<10000xf32, #tpu.memory_space<hbm>>
      tpu.wait_dma2 semaphore(%run_scoped3A_14 : memref<!tpu.dma_semaphore, #tpu.memory_space<semaphore_mem>>) src(%arg6 : memref<10000xf32, #tpu.memory_space<vmem>>) dst(%dma_wait3A_24 : memref<10000xf32, #tpu.memory_space<hbm>>)
      tpu.yield
    }) : () -> ()
    %run_scoped3A_13 = arith.constant 1 : i32
    "tpu.region"() ({
      %run_scoped3A_14 = tpu.sem_alloc : memref<!tpu.dma_semaphore, #tpu.memory_space<semaphore_mem>>
      %dma_start3A = arith.constant 0 : i32
      %dma_start3A_15 = tpu.memref_slice %arg4[%add3A, %run_scoped3A_13, %dma_start3A] : memref<32x2x10000xf32, #tpu.memory_space<hbm>> -> memref<1x1x10000xf32, #tpu.memory_space<hbm>>
      %dma_start3A_16 = tpu.memref_squeeze %dma_start3A_15 : memref<1x1x10000xf32, #tpu.memory_space<hbm>> -> memref<10000xf32, #tpu.memory_space<hbm>>
      %dma_start3A_17 = arith.constant 0 : i32
      %dma_start3A_18 = tpu.memref_slice %arg4[%add3A, %run_scoped3A_13, %dma_start3A_17] : memref<32x2x10000xf32, #tpu.memory_space<hbm>> -> memref<1x1x10000xf32, #tpu.memory_space<hbm>>
      %dma_start3A_19 = tpu.memref_squeeze %dma_start3A_18 : memref<1x1x10000xf32, #tpu.memory_space<hbm>> -> memref<10000xf32, #tpu.memory_space<hbm>>
      tpu.enqueue_dma source(%arg7 : memref<10000xf32, #tpu.memory_space<vmem>>) target(%dma_start3A_19 : memref<10000xf32, #tpu.memory_space<hbm>>) target_semaphore(%run_scoped3A_14 : memref<!tpu.dma_semaphore, #tpu.memory_space<semaphore_mem>>)
      %dma_wait3A = arith.constant 0 : i32
      %dma_wait3A_20 = tpu.memref_slice %arg4[%add3A, %run_scoped3A_13, %dma_wait3A] : memref<32x2x10000xf32, #tpu.memory_space<hbm>> -> memref<1x1x10000xf32, #tpu.memory_space<hbm>>
      %dma_wait3A_21 = tpu.memref_squeeze %dma_wait3A_20 : memref<1x1x10000xf32, #tpu.memory_space<hbm>> -> memref<10000xf32, #tpu.memory_space<hbm>>
      %dma_wait3A_22 = arith.constant 0 : i32
      %dma_wait3A_23 = tpu.memref_slice %arg4[%add3A, %run_scoped3A_13, %dma_wait3A_22] : memref<32x2x10000xf32, #tpu.memory_space<hbm>> -> memref<1x1x10000xf32, #tpu.memory_space<hbm>>
      %dma_wait3A_24 = tpu.memref_squeeze %dma_wait3A_23 : memref<1x1x10000xf32, #tpu.memory_space<hbm>> -> memref<10000xf32, #tpu.memory_space<hbm>>
      tpu.wait_dma2 semaphore(%run_scoped3A_14 : memref<!tpu.dma_semaphore, #tpu.memory_space<semaphore_mem>>) src(%arg7 : memref<10000xf32, #tpu.memory_space<vmem>>) dst(%dma_wait3A_24 : memref<10000xf32, #tpu.memory_space<hbm>>)
      tpu.yield
    }) : () -> ()
    return
  }
}

#map = affine_map<(d0, d1) -> (0, 0)>
#map1 = affine_map<(d0, d1) -> (0, 0, 0)>
module attributes {stable_mosaic.version = 14 : i64} {
  func.func @edge_kernel(%arg0: i32, %arg1: i32, %arg2: memref<4000x80xi32, #tpu.memory_space<hbm>>, %arg3: memref<4000x80xi32, #tpu.memory_space<hbm>>, %arg4: memref<2x10000x128xf32, #tpu.memory_space<hbm>>, %arg5: memref<2x10000x64xf32, #tpu.memory_space<hbm>>, %arg6: memref<2x320000x64xf32, #tpu.memory_space<hbm>>, %arg7: memref<320000x128xf32, #tpu.memory_space<hbm>>, %arg8: memref<2x10000x64xf32, #tpu.memory_space<hbm>>, %arg9: memref<1x80xi32, #tpu.memory_space<vmem>>, %arg10: memref<1x80xi32, #tpu.memory_space<vmem>>, %arg11: memref<1x80xi32, #tpu.memory_space<vmem>>, %arg12: memref<1x80xi32, #tpu.memory_space<vmem>>, %arg13: memref<80x128xf32, #tpu.memory_space<vmem>>, %arg14: memref<80x128xf32, #tpu.memory_space<vmem>>, %arg15: memref<80x64xf32, #tpu.memory_space<vmem>>, %arg16: memref<80x64xf32, #tpu.memory_space<vmem>>, %arg17: memref<80x64xf32, #tpu.memory_space<vmem>>, %arg18: memref<80x64xf32, #tpu.memory_space<vmem>>, %arg19: memref<80x64xf32, #tpu.memory_space<vmem>>, %arg20: memref<80x64xf32, #tpu.memory_space<vmem>>, %arg21: memref<80x64xf32, #tpu.memory_space<vmem>>, %arg22: memref<80x64xf32, #tpu.memory_space<vmem>>, %arg23: memref<208x64xf32, #tpu.memory_space<vmem>>, %arg24: memref<10000x64xf32, #tpu.memory_space<vmem_shared>>, %arg25: memref<!tpu.dma_semaphore, #tpu.memory_space<semaphore_mem>>, %arg26: memref<!tpu.dma_semaphore, #tpu.memory_space<semaphore_mem>>, %arg27: memref<!tpu.dma_semaphore, #tpu.memory_space<semaphore_mem>>, %arg28: memref<!tpu.dma_semaphore, #tpu.memory_space<semaphore_mem>>, %arg29: memref<!tpu.dma_semaphore, #tpu.memory_space<semaphore_mem>>, %arg30: memref<!tpu.dma_semaphore, #tpu.memory_space<semaphore_mem>>, %arg31: memref<!tpu.dma_semaphore, #tpu.memory_space<semaphore_mem>>, %arg32: memref<!tpu.dma_semaphore, #tpu.memory_space<semaphore_mem>>) attributes {dimension_semantics = [#tpu.dimension_semantics<core_parallel>, #tpu.dimension_semantics<subcore_parallel>], iteration_bounds = array<i64: 2, 16>, scalar_prefetch = 0 : i64, scratch_operands = 24 : i64, tpu.core_type = #tpu.core_type<sc_vector_subcore>, window_params = [{transform_indices = #map}, {transform_indices = #map}, {transform_indices = #map1}, {transform_indices = #map1}, {transform_indices = #map1}, {transform_indices = #map}, {transform_indices = #map1}]} {
    %broadcast_in_dim3A = arith.constant 0.000000e+00 : f32
    %broadcast_in_dim3A_0 = vector.broadcast %broadcast_in_dim3A : f32 to vector<16xf32>
    %scan3A = arith.constant 0 : i32
    %scan3A_1 = arith.constant 208 : i32
    %scan3A_2 = arith.addi %scan3A, %scan3A_1 : i32
    %scan3A_3 = arith.constant 1 : i32
    scf.for %scan3A_100 = %scan3A to %scan3A_2 step %scan3A_3  : i32 {
      %mul3A_101 = arith.constant 1 : i32
      %mul3A_102 = arith.muli %scan3A_100, %mul3A_101 : i32
      %add3A_103 = arith.constant 0 : i32
      %add3A_104 = arith.addi %add3A_103, %mul3A_102 : i32
      %swap3A = arith.index_cast %add3A_104 : i32 to index
      %swap3A_105 = arith.constant 0 : index
      %swap3A_106 = tpu.vector_load %arg23[%swap3A, %swap3A_105] {strides = array<i32>} : memref<208x64xf32, #tpu.memory_space<vmem>>, vector<16xf32>,
      tpu.vector_store %arg23[%swap3A, %swap3A_105], %broadcast_in_dim3A_0 {strides = array<i32>} : memref<208x64xf32, #tpu.memory_space<vmem>>, vector<16xf32>,
      %swap3A_107 = arith.index_cast %add3A_104 : i32 to index
      %swap3A_108 = arith.constant 16 : index
      %swap3A_109 = tpu.vector_load %arg23[%swap3A_107, %swap3A_108] {strides = array<i32>} : memref<208x64xf32, #tpu.memory_space<vmem>>, vector<16xf32>,
      tpu.vector_store %arg23[%swap3A_107, %swap3A_108], %broadcast_in_dim3A_0 {strides = array<i32>} : memref<208x64xf32, #tpu.memory_space<vmem>>, vector<16xf32>,
      %swap3A_110 = arith.index_cast %add3A_104 : i32 to index
      %swap3A_111 = arith.constant 32 : index
      %swap3A_112 = tpu.vector_load %arg23[%swap3A_110, %swap3A_111] {strides = array<i32>} : memref<208x64xf32, #tpu.memory_space<vmem>>, vector<16xf32>,
      tpu.vector_store %arg23[%swap3A_110, %swap3A_111], %broadcast_in_dim3A_0 {strides = array<i32>} : memref<208x64xf32, #tpu.memory_space<vmem>>, vector<16xf32>,
      %swap3A_113 = arith.index_cast %add3A_104 : i32 to index
      %swap3A_114 = arith.constant 48 : index
      %swap3A_115 = tpu.vector_load %arg23[%swap3A_113, %swap3A_114] {strides = array<i32>} : memref<208x64xf32, #tpu.memory_space<vmem>>, vector<16xf32>,
      tpu.vector_store %arg23[%swap3A_113, %swap3A_114], %broadcast_in_dim3A_0 {strides = array<i32>} : memref<208x64xf32, #tpu.memory_space<vmem>>, vector<16xf32>,
    }
    %scan3A_4 = arith.constant 208 : i32
    %mul3A = arith.constant 624 : i32
    %mul3A_5 = arith.muli %arg1, %mul3A : i32
    %add3A = arith.constant 0 : i32
    %add3A_6 = arith.addi %mul3A_5, %add3A : i32
    "tpu.region"() ({
      %run_scoped3A = tpu.sem_alloc : memref<!tpu.dma_semaphore, #tpu.memory_space<semaphore_mem>>
      %dma_start3A_100 = arith.constant 0 : i32
      %dma_start3A_101 = tpu.memref_slice %arg24[%add3A_6, %dma_start3A_100] : memref<10000x64xf32, #tpu.memory_space<vmem_shared>> -> memref<208x64xf32, #tpu.memory_space<vmem_shared>>
      %dma_start3A_102 = arith.constant 0 : i32
      %dma_start3A_103 = tpu.memref_slice %arg24[%add3A_6, %dma_start3A_102] : memref<10000x64xf32, #tpu.memory_space<vmem_shared>> -> memref<208x64xf32, #tpu.memory_space<vmem_shared>>
      tpu.enqueue_dma source(%arg23 : memref<208x64xf32, #tpu.memory_space<vmem>>) target(%dma_start3A_103 : memref<208x64xf32, #tpu.memory_space<vmem_shared>>) target_semaphore(%run_scoped3A : memref<!tpu.dma_semaphore, #tpu.memory_space<semaphore_mem>>)
      %dma_wait3A_104 = arith.constant 0 : i32
      %dma_wait3A_105 = tpu.memref_slice %arg24[%add3A_6, %dma_wait3A_104] : memref<10000x64xf32, #tpu.memory_space<vmem_shared>> -> memref<208x64xf32, #tpu.memory_space<vmem_shared>>
      %dma_wait3A_106 = arith.constant 0 : i32
      %dma_wait3A_107 = tpu.memref_slice %arg24[%add3A_6, %dma_wait3A_106] : memref<10000x64xf32, #tpu.memory_space<vmem_shared>> -> memref<208x64xf32, #tpu.memory_space<vmem_shared>>
      tpu.wait_dma2 semaphore(%run_scoped3A : memref<!tpu.dma_semaphore, #tpu.memory_space<semaphore_mem>>) src(%arg23 : memref<208x64xf32, #tpu.memory_space<vmem>>) dst(%dma_wait3A_107 : memref<208x64xf32, #tpu.memory_space<vmem_shared>>)
      tpu.yield
    }) : () -> ()
    %mul3A_7 = arith.constant 624 : i32
    %mul3A_8 = arith.muli %arg1, %mul3A_7 : i32
    %add3A_9 = arith.constant 208 : i32
    %add3A_10 = arith.addi %mul3A_8, %add3A_9 : i32
    "tpu.region"() ({
      %run_scoped3A = tpu.sem_alloc : memref<!tpu.dma_semaphore, #tpu.memory_space<semaphore_mem>>
      %dma_start3A_100 = arith.constant 0 : i32
      %dma_start3A_101 = tpu.memref_slice %arg24[%add3A_10, %dma_start3A_100] : memref<10000x64xf32, #tpu.memory_space<vmem_shared>> -> memref<208x64xf32, #tpu.memory_space<vmem_shared>>
      %dma_start3A_102 = arith.constant 0 : i32
      %dma_start3A_103 = tpu.memref_slice %arg24[%add3A_10, %dma_start3A_102] : memref<10000x64xf32, #tpu.memory_space<vmem_shared>> -> memref<208x64xf32, #tpu.memory_space<vmem_shared>>
      tpu.enqueue_dma source(%arg23 : memref<208x64xf32, #tpu.memory_space<vmem>>) target(%dma_start3A_103 : memref<208x64xf32, #tpu.memory_space<vmem_shared>>) target_semaphore(%run_scoped3A : memref<!tpu.dma_semaphore, #tpu.memory_space<semaphore_mem>>)
      %dma_wait3A_104 = arith.constant 0 : i32
      %dma_wait3A_105 = tpu.memref_slice %arg24[%add3A_10, %dma_wait3A_104] : memref<10000x64xf32, #tpu.memory_space<vmem_shared>> -> memref<208x64xf32, #tpu.memory_space<vmem_shared>>
      %dma_wait3A_106 = arith.constant 0 : i32
      %dma_wait3A_107 = tpu.memref_slice %arg24[%add3A_10, %dma_wait3A_106] : memref<10000x64xf32, #tpu.memory_space<vmem_shared>> -> memref<208x64xf32, #tpu.memory_space<vmem_shared>>
      tpu.wait_dma2 semaphore(%run_scoped3A : memref<!tpu.dma_semaphore, #tpu.memory_space<semaphore_mem>>) src(%arg23 : memref<208x64xf32, #tpu.memory_space<vmem>>) dst(%dma_wait3A_107 : memref<208x64xf32, #tpu.memory_space<vmem_shared>>)
      tpu.yield
    }) : () -> ()
    %mul3A_11 = arith.constant 624 : i32
    %mul3A_12 = arith.muli %arg1, %mul3A_11 : i32
    %add3A_13 = arith.constant 416 : i32
    %add3A_14 = arith.addi %mul3A_12, %add3A_13 : i32
    "tpu.region"() ({
      %run_scoped3A = tpu.sem_alloc : memref<!tpu.dma_semaphore, #tpu.memory_space<semaphore_mem>>
      %dma_start3A_100 = arith.constant 0 : i32
      %dma_start3A_101 = tpu.memref_slice %arg24[%add3A_14, %dma_start3A_100] : memref<10000x64xf32, #tpu.memory_space<vmem_shared>> -> memref<208x64xf32, #tpu.memory_space<vmem_shared>>
      %dma_start3A_102 = arith.constant 0 : i32
      %dma_start3A_103 = tpu.memref_slice %arg24[%add3A_14, %dma_start3A_102] : memref<10000x64xf32, #tpu.memory_space<vmem_shared>> -> memref<208x64xf32, #tpu.memory_space<vmem_shared>>
      tpu.enqueue_dma source(%arg23 : memref<208x64xf32, #tpu.memory_space<vmem>>) target(%dma_start3A_103 : memref<208x64xf32, #tpu.memory_space<vmem_shared>>) target_semaphore(%run_scoped3A : memref<!tpu.dma_semaphore, #tpu.memory_space<semaphore_mem>>)
      %dma_wait3A_104 = arith.constant 0 : i32
      %dma_wait3A_105 = tpu.memref_slice %arg24[%add3A_14, %dma_wait3A_104] : memref<10000x64xf32, #tpu.memory_space<vmem_shared>> -> memref<208x64xf32, #tpu.memory_space<vmem_shared>>
      %dma_wait3A_106 = arith.constant 0 : i32
      %dma_wait3A_107 = tpu.memref_slice %arg24[%add3A_14, %dma_wait3A_106] : memref<10000x64xf32, #tpu.memory_space<vmem_shared>> -> memref<208x64xf32, #tpu.memory_space<vmem_shared>>
      tpu.wait_dma2 semaphore(%run_scoped3A : memref<!tpu.dma_semaphore, #tpu.memory_space<semaphore_mem>>) src(%arg23 : memref<208x64xf32, #tpu.memory_space<vmem>>) dst(%dma_wait3A_107 : memref<208x64xf32, #tpu.memory_space<vmem_shared>>)
      tpu.yield
    }) : () -> ()
    %eq3A = arith.constant 15 : i32
    %eq3A_15 = arith.cmpi eq, %arg1, %eq3A : i32
    %convert_element_type3A = arith.extui %eq3A_15 : i1 to i32
    %cond3A = arith.constant 0 : i32
    %cond3A_16 = arith.cmpi ne, %convert_element_type3A, %cond3A : i32
    scf.if %cond3A_16 {
      "tpu.region"() ({
        %run_scoped3A = tpu.sem_alloc : memref<!tpu.dma_semaphore, #tpu.memory_space<semaphore_mem>>
        %dma_start3A_100 = arith.constant 0 : i32
        %dma_start3A_101 = arith.constant 0 : i32
        %dma_start3A_102 = tpu.memref_slice %arg23[%dma_start3A_100, %dma_start3A_101] : memref<208x64xf32, #tpu.memory_space<vmem>> -> memref<16x64xf32, #tpu.memory_space<vmem>>
        %dma_start3A_103 = arith.constant 9984 : i32
        %dma_start3A_104 = arith.constant 0 : i32
        %dma_start3A_105 = tpu.memref_slice %arg24[%dma_start3A_103, %dma_start3A_104] : memref<10000x64xf32, #tpu.memory_space<vmem_shared>> -> memref<16x64xf32, #tpu.memory_space<vmem_shared>>
        %dma_start3A_106 = arith.constant 9984 : i32
        %dma_start3A_107 = arith.constant 0 : i32
        %dma_start3A_108 = tpu.memref_slice %arg24[%dma_start3A_106, %dma_start3A_107] : memref<10000x64xf32, #tpu.memory_space<vmem_shared>> -> memref<16x64xf32, #tpu.memory_space<vmem_shared>>
        %dma_start3A_109 = arith.constant 0 : i32
        %dma_start3A_110 = arith.constant 0 : i32
        %dma_start3A_111 = tpu.memref_slice %arg23[%dma_start3A_109, %dma_start3A_110] : memref<208x64xf32, #tpu.memory_space<vmem>> -> memref<16x64xf32, #tpu.memory_space<vmem>>
        tpu.enqueue_dma source(%dma_start3A_111 : memref<16x64xf32, #tpu.memory_space<vmem>>) target(%dma_start3A_108 : memref<16x64xf32, #tpu.memory_space<vmem_shared>>) target_semaphore(%run_scoped3A : memref<!tpu.dma_semaphore, #tpu.memory_space<semaphore_mem>>)
        %dma_wait3A_112 = arith.constant 0 : i32
        %dma_wait3A_113 = arith.constant 0 : i32
        %dma_wait3A_114 = tpu.memref_slice %arg23[%dma_wait3A_112, %dma_wait3A_113] : memref<208x64xf32, #tpu.memory_space<vmem>> -> memref<16x64xf32, #tpu.memory_space<vmem>>
        %dma_wait3A_115 = arith.constant 9984 : i32
        %dma_wait3A_116 = arith.constant 0 : i32
        %dma_wait3A_117 = tpu.memref_slice %arg24[%dma_wait3A_115, %dma_wait3A_116] : memref<10000x64xf32, #tpu.memory_space<vmem_shared>> -> memref<16x64xf32, #tpu.memory_space<vmem_shared>>
        %dma_wait3A_118 = arith.constant 9984 : i32
        %dma_wait3A_119 = arith.constant 0 : i32
        %dma_wait3A_120 = tpu.memref_slice %arg24[%dma_wait3A_118, %dma_wait3A_119] : memref<10000x64xf32, #tpu.memory_space<vmem_shared>> -> memref<16x64xf32, #tpu.memory_space<vmem_shared>>
        %dma_wait3A_121 = arith.constant 0 : i32
        %dma_wait3A_122 = arith.constant 0 : i32
        %dma_wait3A_123 = tpu.memref_slice %arg23[%dma_wait3A_121, %dma_wait3A_122] : memref<208x64xf32, #tpu.memory_space<vmem>> -> memref<16x64xf32, #tpu.memory_space<vmem>>
        tpu.wait_dma2 semaphore(%run_scoped3A : memref<!tpu.dma_semaphore, #tpu.memory_space<semaphore_mem>>) src(%dma_wait3A_123 : memref<16x64xf32, #tpu.memory_space<vmem>>) dst(%dma_wait3A_120 : memref<16x64xf32, #tpu.memory_space<vmem_shared>>)
        tpu.yield
      }) : () -> ()
    } else {
    }
    %barrier3A = arith.constant 0 : index
    tpu.barrier barrier_id(%barrier3A)
    %mul3A_17 = arith.constant 20000 : i32
    %mul3A_18 = arith.muli %arg1, %mul3A_17 : i32
    %add3A_19 = arith.constant 0 : i32
    %add3A_20 = arith.addi %mul3A_18, %add3A_19 : i32
    %mul3A_21 = arith.constant 250 : i32
    %mul3A_22 = arith.muli %arg1, %mul3A_21 : i32
    %add3A_23 = arith.constant 0 : i32
    %add3A_24 = arith.addi %mul3A_22, %add3A_23 : i32
    %dma_start3A = arith.constant 0 : i32
    %dma_start3A_25 = tpu.memref_slice %arg2[%add3A_24, %dma_start3A] : memref<4000x80xi32, #tpu.memory_space<hbm>> -> memref<1x80xi32, #tpu.memory_space<hbm>>
    %dma_start3A_26 = arith.constant 0 : i32
    %dma_start3A_27 = tpu.memref_slice %arg2[%add3A_24, %dma_start3A_26] : memref<4000x80xi32, #tpu.memory_space<hbm>> -> memref<1x80xi32, #tpu.memory_space<hbm>>
    tpu.enqueue_dma source(%dma_start3A_27 : memref<1x80xi32, #tpu.memory_space<hbm>>) target(%arg9 : memref<1x80xi32, #tpu.memory_space<vmem>>) target_semaphore(%arg31 : memref<!tpu.dma_semaphore, #tpu.memory_space<semaphore_mem>>)
    %dma_start3A_28 = arith.constant 0 : i32
    %dma_start3A_29 = tpu.memref_slice %arg3[%add3A_24, %dma_start3A_28] : memref<4000x80xi32, #tpu.memory_space<hbm>> -> memref<1x80xi32, #tpu.memory_space<hbm>>
    %dma_start3A_30 = arith.constant 0 : i32
    %dma_start3A_31 = tpu.memref_slice %arg3[%add3A_24, %dma_start3A_30] : memref<4000x80xi32, #tpu.memory_space<hbm>> -> memref<1x80xi32, #tpu.memory_space<hbm>>
    tpu.enqueue_dma source(%dma_start3A_31 : memref<1x80xi32, #tpu.memory_space<hbm>>) target(%arg11 : memref<1x80xi32, #tpu.memory_space<vmem>>) target_semaphore(%arg31 : memref<!tpu.dma_semaphore, #tpu.memory_space<semaphore_mem>>)
    %dma_wait3A = arith.constant 0 : i32
    %dma_wait3A_32 = arith.constant 0 : i32
    %dma_wait3A_33 = tpu.memref_slice %arg2[%dma_wait3A, %dma_wait3A_32] : memref<4000x80xi32, #tpu.memory_space<hbm>> -> memref<1x80xi32, #tpu.memory_space<hbm>>
    %dma_wait3A_34 = arith.constant 0 : i32
    %dma_wait3A_35 = arith.constant 0 : i32
    %dma_wait3A_36 = tpu.memref_slice %arg2[%dma_wait3A_34, %dma_wait3A_35] : memref<4000x80xi32, #tpu.memory_space<hbm>> -> memref<1x80xi32, #tpu.memory_space<hbm>>
    tpu.wait_dma2 semaphore(%arg31 : memref<!tpu.dma_semaphore, #tpu.memory_space<semaphore_mem>>) src(%dma_wait3A_36 : memref<1x80xi32, #tpu.memory_space<hbm>>) dst(%arg9 : memref<1x80xi32, #tpu.memory_space<vmem>>)
    %dma_wait3A_37 = arith.constant 0 : i32
    %dma_wait3A_38 = arith.constant 0 : i32
    %dma_wait3A_39 = tpu.memref_slice %arg3[%dma_wait3A_37, %dma_wait3A_38] : memref<4000x80xi32, #tpu.memory_space<hbm>> -> memref<1x80xi32, #tpu.memory_space<hbm>>
    %dma_wait3A_40 = arith.constant 0 : i32
    %dma_wait3A_41 = arith.constant 0 : i32
    %dma_wait3A_42 = tpu.memref_slice %arg3[%dma_wait3A_40, %dma_wait3A_41] : memref<4000x80xi32, #tpu.memory_space<hbm>> -> memref<1x80xi32, #tpu.memory_space<hbm>>
    tpu.wait_dma2 semaphore(%arg31 : memref<!tpu.dma_semaphore, #tpu.memory_space<semaphore_mem>>) src(%dma_wait3A_42 : memref<1x80xi32, #tpu.memory_space<hbm>>) dst(%arg11 : memref<1x80xi32, #tpu.memory_space<vmem>>)
    %dma_start3A_43 = arith.constant 0 : i32
    %dma_start3A_44 = arith.constant 0 : i32
    %dma_start3A_45 = tpu.memref_slice %arg9[%dma_start3A_43, %dma_start3A_44] : memref<1x80xi32, #tpu.memory_space<vmem>> -> memref<1x80xi32, #tpu.memory_space<vmem>>
    %dma_start3A_46 = tpu.memref_squeeze %dma_start3A_45 : memref<1x80xi32, #tpu.memory_space<vmem>> -> memref<80xi32, #tpu.memory_space<vmem>>
    %dma_start3A_47 = arith.constant 0 : i32
    %dma_start3A_48 = arith.constant 0 : i32
    %dma_start3A_49 = tpu.memref_slice %arg4[%arg0, %dma_start3A_47, %dma_start3A_48] : memref<2x10000x128xf32, #tpu.memory_space<hbm>> -> memref<1x10000x128xf32, #tpu.memory_space<hbm>>
    %dma_start3A_50 = tpu.memref_squeeze %dma_start3A_49 : memref<1x10000x128xf32, #tpu.memory_space<hbm>> -> memref<10000x128xf32, #tpu.memory_space<hbm>>
    %dma_start3A_51 = arith.constant 0 : i32
    %dma_start3A_52 = arith.constant 0 : i32
    %dma_start3A_53 = tpu.memref_slice %dma_start3A_50[%dma_start3A_51, %dma_start3A_52] : memref<10000x128xf32, #tpu.memory_space<hbm>> -> memref<10000x128xf32, #tpu.memory_space<hbm>>
    tpu.enqueue_indirect_dma source(%dma_start3A_53 : memref<10000x128xf32, #tpu.memory_space<hbm>>) target(%arg13 : memref<80x128xf32, #tpu.memory_space<vmem>>) offsets(%dma_start3A_46 : memref<80xi32, #tpu.memory_space<vmem>>) semaphore(%arg25 : memref<!tpu.dma_semaphore, #tpu.memory_space<semaphore_mem>>)
    %dma_start3A_54 = arith.constant 0 : i32
    %dma_start3A_55 = arith.constant 0 : i32
    %dma_start3A_56 = tpu.memref_slice %arg11[%dma_start3A_54, %dma_start3A_55] : memref<1x80xi32, #tpu.memory_space<vmem>> -> memref<1x80xi32, #tpu.memory_space<vmem>>
    %dma_start3A_57 = tpu.memref_squeeze %dma_start3A_56 : memref<1x80xi32, #tpu.memory_space<vmem>> -> memref<80xi32, #tpu.memory_space<vmem>>
    %dma_start3A_58 = arith.constant 0 : i32
    %dma_start3A_59 = arith.constant 0 : i32
    %dma_start3A_60 = tpu.memref_slice %arg5[%arg0, %dma_start3A_58, %dma_start3A_59] : memref<2x10000x64xf32, #tpu.memory_space<hbm>> -> memref<1x10000x64xf32, #tpu.memory_space<hbm>>
    %dma_start3A_61 = tpu.memref_squeeze %dma_start3A_60 : memref<1x10000x64xf32, #tpu.memory_space<hbm>> -> memref<10000x64xf32, #tpu.memory_space<hbm>>
    %dma_start3A_62 = arith.constant 0 : i32
    %dma_start3A_63 = arith.constant 0 : i32
    %dma_start3A_64 = tpu.memref_slice %dma_start3A_61[%dma_start3A_62, %dma_start3A_63] : memref<10000x64xf32, #tpu.memory_space<hbm>> -> memref<10000x64xf32, #tpu.memory_space<hbm>>
    tpu.enqueue_indirect_dma source(%dma_start3A_64 : memref<10000x64xf32, #tpu.memory_space<hbm>>) target(%arg15 : memref<80x64xf32, #tpu.memory_space<vmem>>) offsets(%dma_start3A_57 : memref<80xi32, #tpu.memory_space<vmem>>) semaphore(%arg25 : memref<!tpu.dma_semaphore, #tpu.memory_space<semaphore_mem>>)
    %dma_start3A_65 = arith.constant 0 : i32
    %dma_start3A_66 = tpu.memref_slice %arg6[%arg0, %add3A_20, %dma_start3A_65] : memref<2x320000x64xf32, #tpu.memory_space<hbm>> -> memref<1x80x64xf32, #tpu.memory_space<hbm>>
    %dma_start3A_67 = tpu.memref_squeeze %dma_start3A_66 : memref<1x80x64xf32, #tpu.memory_space<hbm>> -> memref<80x64xf32, #tpu.memory_space<hbm>>
    %dma_start3A_68 = arith.constant 0 : i32
    %dma_start3A_69 = tpu.memref_slice %arg6[%arg0, %add3A_20, %dma_start3A_68] : memref<2x320000x64xf32, #tpu.memory_space<hbm>> -> memref<1x80x64xf32, #tpu.memory_space<hbm>>
    %dma_start3A_70 = tpu.memref_squeeze %dma_start3A_69 : memref<1x80x64xf32, #tpu.memory_space<hbm>> -> memref<80x64xf32, #tpu.memory_space<hbm>>
    tpu.enqueue_dma source(%dma_start3A_70 : memref<80x64xf32, #tpu.memory_space<hbm>>) target(%arg17 : memref<80x64xf32, #tpu.memory_space<vmem>>) target_semaphore(%arg25 : memref<!tpu.dma_semaphore, #tpu.memory_space<semaphore_mem>>)
    %scan3A_71 = arith.constant 0 : i32
    %scan3A_72 = arith.constant 125 : i32
    %scan3A_73 = arith.addi %scan3A_71, %scan3A_72 : i32
    %scan3A_74 = arith.constant 1 : i32
    scf.for %scan3A_100 = %scan3A_71 to %scan3A_73 step %scan3A_74  : i32 {
      %mul3A_101 = arith.constant 1 : i32
      %mul3A_102 = arith.muli %scan3A_100, %mul3A_101 : i32
      %add3A_103 = arith.constant 0 : i32
      %add3A_104 = arith.addi %add3A_103, %mul3A_102 : i32
      %mul3A_105 = arith.constant 2 : i32
      %mul3A_106 = arith.muli %add3A_104, %mul3A_105 : i32
      %add3A_107 = arith.constant 0 : i32
      %add3A_108 = arith.addi %mul3A_106, %add3A_107 : i32
      %ge3A = arith.constant 1 : i32
      %ge3A_109 = arith.cmpi sge, %add3A_104, %ge3A : i32
      %convert_element_type3A_110 = arith.extui %ge3A_109 : i1 to i32
      %cond3A_111 = arith.constant 0 : i32
      %cond3A_112 = arith.cmpi ne, %convert_element_type3A_110, %cond3A_111 : i32
      scf.if %cond3A_112 {
        %mul3A_292 = arith.constant 64 : i32
        %mul3A_293 = arith.muli %arg0, %mul3A_292 : i32
        %dma_wait3A_294 = arith.constant 0 : i32
        %dma_wait3A_295 = tpu.memref_slice %arg7[%dma_wait3A_294, %mul3A_293] : memref<320000x128xf32, #tpu.memory_space<hbm>> -> memref<80x64xf32, #tpu.memory_space<hbm>>
        %dma_wait3A_296 = arith.constant 0 : i32
        %dma_wait3A_297 = tpu.memref_slice %arg7[%dma_wait3A_296, %mul3A_293] : memref<320000x128xf32, #tpu.memory_space<hbm>> -> memref<80x64xf32, #tpu.memory_space<hbm>>
        tpu.wait_dma2 semaphore(%arg28 : memref<!tpu.dma_semaphore, #tpu.memory_space<semaphore_mem>>) src(%arg20 : memref<80x64xf32, #tpu.memory_space<vmem>>) dst(%dma_wait3A_297 : memref<80x64xf32, #tpu.memory_space<hbm>>)
        %dma_wait3A_298 = arith.constant 0 : i32
        %dma_wait3A_299 = arith.constant 0 : i32
        %dma_wait3A_300 = tpu.memref_slice %arg6[%arg0, %dma_wait3A_298, %dma_wait3A_299] : memref<2x320000x64xf32, #tpu.memory_space<hbm>> -> memref<1x80x64xf32, #tpu.memory_space<hbm>>
        %dma_wait3A_301 = tpu.memref_squeeze %dma_wait3A_300 : memref<1x80x64xf32, #tpu.memory_space<hbm>> -> memref<80x64xf32, #tpu.memory_space<hbm>>
        %dma_wait3A_302 = arith.constant 0 : i32
        %dma_wait3A_303 = arith.constant 0 : i32
        %dma_wait3A_304 = tpu.memref_slice %arg6[%arg0, %dma_wait3A_302, %dma_wait3A_303] : memref<2x320000x64xf32, #tpu.memory_space<hbm>> -> memref<1x80x64xf32, #tpu.memory_space<hbm>>
        %dma_wait3A_305 = tpu.memref_squeeze %dma_wait3A_304 : memref<1x80x64xf32, #tpu.memory_space<hbm>> -> memref<80x64xf32, #tpu.memory_space<hbm>>
        tpu.wait_dma2 semaphore(%arg30 : memref<!tpu.dma_semaphore, #tpu.memory_space<semaphore_mem>>) src(%dma_wait3A_305 : memref<80x64xf32, #tpu.memory_space<hbm>>) dst(%arg22 : memref<80x64xf32, #tpu.memory_space<vmem>>)
      } else {
      }
      %add3A_113 = arith.constant 1 : i32
      %add3A_114 = arith.addi %add3A_108, %add3A_113 : i32
      %mul3A_115 = arith.constant 20000 : i32
      %mul3A_116 = arith.muli %arg1, %mul3A_115 : i32
      %mul3A_117 = arith.constant 80 : i32
      %mul3A_118 = arith.muli %add3A_114, %mul3A_117 : i32
      %add3A_119 = arith.addi %mul3A_116, %mul3A_118 : i32
      %mul3A_120 = arith.constant 250 : i32
      %mul3A_121 = arith.muli %arg1, %mul3A_120 : i32
      %add3A_122 = arith.addi %mul3A_121, %add3A_114 : i32
      %dma_start3A_123 = arith.constant 0 : i32
      %dma_start3A_124 = tpu.memref_slice %arg2[%add3A_122, %dma_start3A_123] : memref<4000x80xi32, #tpu.memory_space<hbm>> -> memref<1x80xi32, #tpu.memory_space<hbm>>
      %dma_start3A_125 = arith.constant 0 : i32
      %dma_start3A_126 = tpu.memref_slice %arg2[%add3A_122, %dma_start3A_125] : memref<4000x80xi32, #tpu.memory_space<hbm>> -> memref<1x80xi32, #tpu.memory_space<hbm>>
      tpu.enqueue_dma source(%dma_start3A_126 : memref<1x80xi32, #tpu.memory_space<hbm>>) target(%arg10 : memref<1x80xi32, #tpu.memory_space<vmem>>) target_semaphore(%arg32 : memref<!tpu.dma_semaphore, #tpu.memory_space<semaphore_mem>>)
      %dma_start3A_127 = arith.constant 0 : i32
      %dma_start3A_128 = tpu.memref_slice %arg3[%add3A_122, %dma_start3A_127] : memref<4000x80xi32, #tpu.memory_space<hbm>> -> memref<1x80xi32, #tpu.memory_space<hbm>>
      %dma_start3A_129 = arith.constant 0 : i32
      %dma_start3A_130 = tpu.memref_slice %arg3[%add3A_122, %dma_start3A_129] : memref<4000x80xi32, #tpu.memory_space<hbm>> -> memref<1x80xi32, #tpu.memory_space<hbm>>
      tpu.enqueue_dma source(%dma_start3A_130 : memref<1x80xi32, #tpu.memory_space<hbm>>) target(%arg12 : memref<1x80xi32, #tpu.memory_space<vmem>>) target_semaphore(%arg32 : memref<!tpu.dma_semaphore, #tpu.memory_space<semaphore_mem>>)
      %dma_wait3A_131 = arith.constant 0 : i32
      %dma_wait3A_132 = arith.constant 0 : i32
      %dma_wait3A_133 = tpu.memref_slice %arg2[%dma_wait3A_131, %dma_wait3A_132] : memref<4000x80xi32, #tpu.memory_space<hbm>> -> memref<1x80xi32, #tpu.memory_space<hbm>>
      %dma_wait3A_134 = arith.constant 0 : i32
      %dma_wait3A_135 = arith.constant 0 : i32
      %dma_wait3A_136 = tpu.memref_slice %arg2[%dma_wait3A_134, %dma_wait3A_135] : memref<4000x80xi32, #tpu.memory_space<hbm>> -> memref<1x80xi32, #tpu.memory_space<hbm>>
      tpu.wait_dma2 semaphore(%arg32 : memref<!tpu.dma_semaphore, #tpu.memory_space<semaphore_mem>>) src(%dma_wait3A_136 : memref<1x80xi32, #tpu.memory_space<hbm>>) dst(%arg10 : memref<1x80xi32, #tpu.memory_space<vmem>>)
      %dma_wait3A_137 = arith.constant 0 : i32
      %dma_wait3A_138 = arith.constant 0 : i32
      %dma_wait3A_139 = tpu.memref_slice %arg3[%dma_wait3A_137, %dma_wait3A_138] : memref<4000x80xi32, #tpu.memory_space<hbm>> -> memref<1x80xi32, #tpu.memory_space<hbm>>
      %dma_wait3A_140 = arith.constant 0 : i32
      %dma_wait3A_141 = arith.constant 0 : i32
      %dma_wait3A_142 = tpu.memref_slice %arg3[%dma_wait3A_140, %dma_wait3A_141] : memref<4000x80xi32, #tpu.memory_space<hbm>> -> memref<1x80xi32, #tpu.memory_space<hbm>>
      tpu.wait_dma2 semaphore(%arg32 : memref<!tpu.dma_semaphore, #tpu.memory_space<semaphore_mem>>) src(%dma_wait3A_142 : memref<1x80xi32, #tpu.memory_space<hbm>>) dst(%arg12 : memref<1x80xi32, #tpu.memory_space<vmem>>)
      %dma_start3A_143 = arith.constant 0 : i32
      %dma_start3A_144 = arith.constant 0 : i32
      %dma_start3A_145 = tpu.memref_slice %arg10[%dma_start3A_143, %dma_start3A_144] : memref<1x80xi32, #tpu.memory_space<vmem>> -> memref<1x80xi32, #tpu.memory_space<vmem>>
      %dma_start3A_146 = tpu.memref_squeeze %dma_start3A_145 : memref<1x80xi32, #tpu.memory_space<vmem>> -> memref<80xi32, #tpu.memory_space<vmem>>
      %dma_start3A_147 = arith.constant 0 : i32
      %dma_start3A_148 = arith.constant 0 : i32
      %dma_start3A_149 = tpu.memref_slice %arg4[%arg0, %dma_start3A_147, %dma_start3A_148] : memref<2x10000x128xf32, #tpu.memory_space<hbm>> -> memref<1x10000x128xf32, #tpu.memory_space<hbm>>
      %dma_start3A_150 = tpu.memref_squeeze %dma_start3A_149 : memref<1x10000x128xf32, #tpu.memory_space<hbm>> -> memref<10000x128xf32, #tpu.memory_space<hbm>>
      %dma_start3A_151 = arith.constant 0 : i32
      %dma_start3A_152 = arith.constant 0 : i32
      %dma_start3A_153 = tpu.memref_slice %dma_start3A_150[%dma_start3A_151, %dma_start3A_152] : memref<10000x128xf32, #tpu.memory_space<hbm>> -> memref<10000x128xf32, #tpu.memory_space<hbm>>
      tpu.enqueue_indirect_dma source(%dma_start3A_153 : memref<10000x128xf32, #tpu.memory_space<hbm>>) target(%arg14 : memref<80x128xf32, #tpu.memory_space<vmem>>) offsets(%dma_start3A_146 : memref<80xi32, #tpu.memory_space<vmem>>) semaphore(%arg26 : memref<!tpu.dma_semaphore, #tpu.memory_space<semaphore_mem>>)
      %dma_start3A_154 = arith.constant 0 : i32
      %dma_start3A_155 = arith.constant 0 : i32
      %dma_start3A_156 = tpu.memref_slice %arg12[%dma_start3A_154, %dma_start3A_155] : memref<1x80xi32, #tpu.memory_space<vmem>> -> memref<1x80xi32, #tpu.memory_space<vmem>>
      %dma_start3A_157 = tpu.memref_squeeze %dma_start3A_156 : memref<1x80xi32, #tpu.memory_space<vmem>> -> memref<80xi32, #tpu.memory_space<vmem>>
      %dma_start3A_158 = arith.constant 0 : i32
      %dma_start3A_159 = arith.constant 0 : i32
      %dma_start3A_160 = tpu.memref_slice %arg5[%arg0, %dma_start3A_158, %dma_start3A_159] : memref<2x10000x64xf32, #tpu.memory_space<hbm>> -> memref<1x10000x64xf32, #tpu.memory_space<hbm>>
      %dma_start3A_161 = tpu.memref_squeeze %dma_start3A_160 : memref<1x10000x64xf32, #tpu.memory_space<hbm>> -> memref<10000x64xf32, #tpu.memory_space<hbm>>
      %dma_start3A_162 = arith.constant 0 : i32
      %dma_start3A_163 = arith.constant 0 : i32
      %dma_start3A_164 = tpu.memref_slice %dma_start3A_161[%dma_start3A_162, %dma_start3A_163] : memref<10000x64xf32, #tpu.memory_space<hbm>> -> memref<10000x64xf32, #tpu.memory_space<hbm>>
      tpu.enqueue_indirect_dma source(%dma_start3A_164 : memref<10000x64xf32, #tpu.memory_space<hbm>>) target(%arg16 : memref<80x64xf32, #tpu.memory_space<vmem>>) offsets(%dma_start3A_157 : memref<80xi32, #tpu.memory_space<vmem>>) semaphore(%arg26 : memref<!tpu.dma_semaphore, #tpu.memory_space<semaphore_mem>>)
      %dma_start3A_165 = arith.constant 0 : i32
      %dma_start3A_166 = tpu.memref_slice %arg6[%arg0, %add3A_119, %dma_start3A_165] : memref<2x320000x64xf32, #tpu.memory_space<hbm>> -> memref<1x80x64xf32, #tpu.memory_space<hbm>>
      %dma_start3A_167 = tpu.memref_squeeze %dma_start3A_166 : memref<1x80x64xf32, #tpu.memory_space<hbm>> -> memref<80x64xf32, #tpu.memory_space<hbm>>
      %dma_start3A_168 = arith.constant 0 : i32
      %dma_start3A_169 = tpu.memref_slice %arg6[%arg0, %add3A_119, %dma_start3A_168] : memref<2x320000x64xf32, #tpu.memory_space<hbm>> -> memref<1x80x64xf32, #tpu.memory_space<hbm>>
      %dma_start3A_170 = tpu.memref_squeeze %dma_start3A_169 : memref<1x80x64xf32, #tpu.memory_space<hbm>> -> memref<80x64xf32, #tpu.memory_space<hbm>>
      tpu.enqueue_dma source(%dma_start3A_170 : memref<80x64xf32, #tpu.memory_space<hbm>>) target(%arg18 : memref<80x64xf32, #tpu.memory_space<vmem>>) target_semaphore(%arg26 : memref<!tpu.dma_semaphore, #tpu.memory_space<semaphore_mem>>)
      %dma_wait3A_171 = arith.constant 0 : i32
      %dma_wait3A_172 = arith.constant 0 : i32
      %dma_wait3A_173 = tpu.memref_slice %arg9[%dma_wait3A_171, %dma_wait3A_172] : memref<1x80xi32, #tpu.memory_space<vmem>> -> memref<1x80xi32, #tpu.memory_space<vmem>>
      %dma_wait3A_174 = tpu.memref_squeeze %dma_wait3A_173 : memref<1x80xi32, #tpu.memory_space<vmem>> -> memref<80xi32, #tpu.memory_space<vmem>>
      %dma_wait3A_175 = arith.constant 0 : i32
      %dma_wait3A_176 = arith.constant 0 : i32
      %dma_wait3A_177 = tpu.memref_slice %arg4[%arg0, %dma_wait3A_175, %dma_wait3A_176] : memref<2x10000x128xf32, #tpu.memory_space<hbm>> -> memref<1x10000x128xf32, #tpu.memory_space<hbm>>
      %dma_wait3A_178 = tpu.memref_squeeze %dma_wait3A_177 : memref<1x10000x128xf32, #tpu.memory_space<hbm>> -> memref<10000x128xf32, #tpu.memory_space<hbm>>
      %dma_wait3A_179 = arith.constant 0 : i32
      %dma_wait3A_180 = arith.constant 0 : i32
      %dma_wait3A_181 = tpu.memref_slice %dma_wait3A_178[%dma_wait3A_179, %dma_wait3A_180] : memref<10000x128xf32, #tpu.memory_space<hbm>> -> memref<10000x128xf32, #tpu.memory_space<hbm>>
      tpu.wait_indirect_dma semaphore(%arg25 : memref<!tpu.dma_semaphore, #tpu.memory_space<semaphore_mem>>) src(%dma_wait3A_181 : memref<10000x128xf32, #tpu.memory_space<hbm>>) dst(%arg13 : memref<80x128xf32, #tpu.memory_space<vmem>>)
      %dma_wait3A_182 = arith.constant 0 : i32
      %dma_wait3A_183 = arith.constant 0 : i32
      %dma_wait3A_184 = tpu.memref_slice %arg11[%dma_wait3A_182, %dma_wait3A_183] : memref<1x80xi32, #tpu.memory_space<vmem>> -> memref<1x80xi32, #tpu.memory_space<vmem>>
      %dma_wait3A_185 = tpu.memref_squeeze %dma_wait3A_184 : memref<1x80xi32, #tpu.memory_space<vmem>> -> memref<80xi32, #tpu.memory_space<vmem>>
      %dma_wait3A_186 = arith.constant 0 : i32
      %dma_wait3A_187 = arith.constant 0 : i32
      %dma_wait3A_188 = tpu.memref_slice %arg5[%arg0, %dma_wait3A_186, %dma_wait3A_187] : memref<2x10000x64xf32, #tpu.memory_space<hbm>> -> memref<1x10000x64xf32, #tpu.memory_space<hbm>>
      %dma_wait3A_189 = tpu.memref_squeeze %dma_wait3A_188 : memref<1x10000x64xf32, #tpu.memory_space<hbm>> -> memref<10000x64xf32, #tpu.memory_space<hbm>>
      %dma_wait3A_190 = arith.constant 0 : i32
      %dma_wait3A_191 = arith.constant 0 : i32
      %dma_wait3A_192 = tpu.memref_slice %dma_wait3A_189[%dma_wait3A_190, %dma_wait3A_191] : memref<10000x64xf32, #tpu.memory_space<hbm>> -> memref<10000x64xf32, #tpu.memory_space<hbm>>
      tpu.wait_indirect_dma semaphore(%arg25 : memref<!tpu.dma_semaphore, #tpu.memory_space<semaphore_mem>>) src(%dma_wait3A_192 : memref<10000x64xf32, #tpu.memory_space<hbm>>) dst(%arg15 : memref<80x64xf32, #tpu.memory_space<vmem>>)
      %dma_wait3A_193 = arith.constant 0 : i32
      %dma_wait3A_194 = arith.constant 0 : i32
      %dma_wait3A_195 = tpu.memref_slice %arg6[%arg0, %dma_wait3A_193, %dma_wait3A_194] : memref<2x320000x64xf32, #tpu.memory_space<hbm>> -> memref<1x80x64xf32, #tpu.memory_space<hbm>>
      %dma_wait3A_196 = tpu.memref_squeeze %dma_wait3A_195 : memref<1x80x64xf32, #tpu.memory_space<hbm>> -> memref<80x64xf32, #tpu.memory_space<hbm>>
      %dma_wait3A_197 = arith.constant 0 : i32
      %dma_wait3A_198 = arith.constant 0 : i32
      %dma_wait3A_199 = tpu.memref_slice %arg6[%arg0, %dma_wait3A_197, %dma_wait3A_198] : memref<2x320000x64xf32, #tpu.memory_space<hbm>> -> memref<1x80x64xf32, #tpu.memory_space<hbm>>
      %dma_wait3A_200 = tpu.memref_squeeze %dma_wait3A_199 : memref<1x80x64xf32, #tpu.memory_space<hbm>> -> memref<80x64xf32, #tpu.memory_space<hbm>>
      tpu.wait_dma2 semaphore(%arg25 : memref<!tpu.dma_semaphore, #tpu.memory_space<semaphore_mem>>) src(%dma_wait3A_200 : memref<80x64xf32, #tpu.memory_space<hbm>>) dst(%arg17 : memref<80x64xf32, #tpu.memory_space<vmem>>)
      %parallel_loop3A = arith.constant 0 : i32
      %parallel_loop3A_201 = arith.constant 80 : i32
      %parallel_loop3A_202 = arith.constant 1 : i32
      scf.for %parallel_loop3A_292 = %parallel_loop3A to %parallel_loop3A_201 step %parallel_loop3A_202  : i32 {
        %parallel_loop3A_293 = arith.index_cast %parallel_loop3A_292 : i32 to index
        %parallel_loop3A_294 = arith.constant 0 : index
        %parallel_loop3A_295 = tpu.vector_load %arg13[%parallel_loop3A_293, %parallel_loop3A_294] {strides = array<i32>} : memref<80x128xf32, #tpu.memory_space<vmem>>, vector<16xf32>,
        %parallel_loop3A_296 = arith.index_cast %parallel_loop3A_292 : i32 to index
        %parallel_loop3A_297 = arith.constant 0 : index
        %parallel_loop3A_298 = tpu.vector_load %arg15[%parallel_loop3A_296, %parallel_loop3A_297] {strides = array<i32>} : memref<80x64xf32, #tpu.memory_space<vmem>>, vector<16xf32>,
        %parallel_loop3A_299 = arith.index_cast %parallel_loop3A_292 : i32 to index
        %parallel_loop3A_300 = arith.constant 0 : index
        %parallel_loop3A_301 = tpu.vector_load %arg17[%parallel_loop3A_299, %parallel_loop3A_300] {strides = array<i32>} : memref<80x64xf32, #tpu.memory_space<vmem>>, vector<16xf32>,
        %parallel_loop3A_302 = arith.addf %parallel_loop3A_295, %parallel_loop3A_298 : vector<16xf32>
        %parallel_loop3A_303 = arith.addf %parallel_loop3A_302, %parallel_loop3A_301 : vector<16xf32>
        %parallel_loop3A_304 = arith.index_cast %parallel_loop3A_292 : i32 to index
        %parallel_loop3A_305 = arith.constant 0 : index
        %parallel_loop3A_306 = tpu.vector_load %arg19[%parallel_loop3A_304, %parallel_loop3A_305] {strides = array<i32>} : memref<80x64xf32, #tpu.memory_space<vmem>>, vector<16xf32>,
        tpu.vector_store %arg19[%parallel_loop3A_304, %parallel_loop3A_305], %parallel_loop3A_303 {strides = array<i32>} : memref<80x64xf32, #tpu.memory_space<vmem>>, vector<16xf32>,
        %parallel_loop3A_307 = arith.constant 0.000000e+00 : f32
        %parallel_loop3A_308 = vector.broadcast %parallel_loop3A_307 : f32 to vector<16xf32>
        %parallel_loop3A_309 = arith.subf %parallel_loop3A_308, %parallel_loop3A_303 : vector<16xf32>
        %parallel_loop3A_310 = math.exp %parallel_loop3A_309 : vector<16xf32>
        %parallel_loop3A_311 = arith.constant 1.000000e+00 : f32
        %parallel_loop3A_312 = vector.broadcast %parallel_loop3A_311 : f32 to vector<16xf32>
        %parallel_loop3A_313 = arith.addf %parallel_loop3A_312, %parallel_loop3A_310 : vector<16xf32>
        %parallel_loop3A_314 = arith.index_cast %parallel_loop3A_292 : i32 to index
        %parallel_loop3A_315 = arith.constant 64 : index
        %parallel_loop3A_316 = tpu.vector_load %arg13[%parallel_loop3A_314, %parallel_loop3A_315] {strides = array<i32>} : memref<80x128xf32, #tpu.memory_space<vmem>>, vector<16xf32>,
        %parallel_loop3A_317 = arith.divf %parallel_loop3A_316, %parallel_loop3A_313 : vector<16xf32>
        %parallel_loop3A_318 = arith.index_cast %parallel_loop3A_292 : i32 to index
        %parallel_loop3A_319 = arith.constant 0 : index
        %parallel_loop3A_320 = tpu.vector_load %arg21[%parallel_loop3A_318, %parallel_loop3A_319] {strides = array<i32>} : memref<80x64xf32, #tpu.memory_space<vmem>>, vector<16xf32>,
        tpu.vector_store %arg21[%parallel_loop3A_318, %parallel_loop3A_319], %parallel_loop3A_317 {strides = array<i32>} : memref<80x64xf32, #tpu.memory_space<vmem>>, vector<16xf32>,
        %parallel_loop3A_321 = arith.index_cast %parallel_loop3A_292 : i32 to index
        %parallel_loop3A_322 = arith.constant 16 : index
        %parallel_loop3A_323 = tpu.vector_load %arg13[%parallel_loop3A_321, %parallel_loop3A_322] {strides = array<i32>} : memref<80x128xf32, #tpu.memory_space<vmem>>, vector<16xf32>,
        %parallel_loop3A_324 = arith.index_cast %parallel_loop3A_292 : i32 to index
        %parallel_loop3A_325 = arith.constant 16 : index
        %parallel_loop3A_326 = tpu.vector_load %arg15[%parallel_loop3A_324, %parallel_loop3A_325] {strides = array<i32>} : memref<80x64xf32, #tpu.memory_space<vmem>>, vector<16xf32>,
        %parallel_loop3A_327 = arith.index_cast %parallel_loop3A_292 : i32 to index
        %parallel_loop3A_328 = arith.constant 16 : index
        %parallel_loop3A_329 = tpu.vector_load %arg17[%parallel_loop3A_327, %parallel_loop3A_328] {strides = array<i32>} : memref<80x64xf32, #tpu.memory_space<vmem>>, vector<16xf32>,
        %parallel_loop3A_330 = arith.addf %parallel_loop3A_323, %parallel_loop3A_326 : vector<16xf32>
        %parallel_loop3A_331 = arith.addf %parallel_loop3A_330, %parallel_loop3A_329 : vector<16xf32>
        %parallel_loop3A_332 = arith.index_cast %parallel_loop3A_292 : i32 to index
        %parallel_loop3A_333 = arith.constant 16 : index
        %parallel_loop3A_334 = tpu.vector_load %arg19[%parallel_loop3A_332, %parallel_loop3A_333] {strides = array<i32>} : memref<80x64xf32, #tpu.memory_space<vmem>>, vector<16xf32>,
        tpu.vector_store %arg19[%parallel_loop3A_332, %parallel_loop3A_333], %parallel_loop3A_331 {strides = array<i32>} : memref<80x64xf32, #tpu.memory_space<vmem>>, vector<16xf32>,
        %parallel_loop3A_335 = arith.constant 0.000000e+00 : f32
        %parallel_loop3A_336 = vector.broadcast %parallel_loop3A_335 : f32 to vector<16xf32>
        %parallel_loop3A_337 = arith.subf %parallel_loop3A_336, %parallel_loop3A_331 : vector<16xf32>
        %parallel_loop3A_338 = math.exp %parallel_loop3A_337 : vector<16xf32>
        %parallel_loop3A_339 = arith.constant 1.000000e+00 : f32
        %parallel_loop3A_340 = vector.broadcast %parallel_loop3A_339 : f32 to vector<16xf32>
        %parallel_loop3A_341 = arith.addf %parallel_loop3A_340, %parallel_loop3A_338 : vector<16xf32>
        %parallel_loop3A_342 = arith.index_cast %parallel_loop3A_292 : i32 to index
        %parallel_loop3A_343 = arith.constant 80 : index
        %parallel_loop3A_344 = tpu.vector_load %arg13[%parallel_loop3A_342, %parallel_loop3A_343] {strides = array<i32>} : memref<80x128xf32, #tpu.memory_space<vmem>>, vector<16xf32>,
        %parallel_loop3A_345 = arith.divf %parallel_loop3A_344, %parallel_loop3A_341 : vector<16xf32>
        %parallel_loop3A_346 = arith.index_cast %parallel_loop3A_292 : i32 to index
        %parallel_loop3A_347 = arith.constant 16 : index
        %parallel_loop3A_348 = tpu.vector_load %arg21[%parallel_loop3A_346, %parallel_loop3A_347] {strides = array<i32>} : memref<80x64xf32, #tpu.memory_space<vmem>>, vector<16xf32>,
        tpu.vector_store %arg21[%parallel_loop3A_346, %parallel_loop3A_347], %parallel_loop3A_345 {strides = array<i32>} : memref<80x64xf32, #tpu.memory_space<vmem>>, vector<16xf32>,
        %parallel_loop3A_349 = arith.index_cast %parallel_loop3A_292 : i32 to index
        %parallel_loop3A_350 = arith.constant 32 : index
        %parallel_loop3A_351 = tpu.vector_load %arg13[%parallel_loop3A_349, %parallel_loop3A_350] {strides = array<i32>} : memref<80x128xf32, #tpu.memory_space<vmem>>, vector<16xf32>,
        %parallel_loop3A_352 = arith.index_cast %parallel_loop3A_292 : i32 to index
        %parallel_loop3A_353 = arith.constant 32 : index
        %parallel_loop3A_354 = tpu.vector_load %arg15[%parallel_loop3A_352, %parallel_loop3A_353] {strides = array<i32>} : memref<80x64xf32, #tpu.memory_space<vmem>>, vector<16xf32>,
        %parallel_loop3A_355 = arith.index_cast %parallel_loop3A_292 : i32 to index
        %parallel_loop3A_356 = arith.constant 32 : index
        %parallel_loop3A_357 = tpu.vector_load %arg17[%parallel_loop3A_355, %parallel_loop3A_356] {strides = array<i32>} : memref<80x64xf32, #tpu.memory_space<vmem>>, vector<16xf32>,
        %parallel_loop3A_358 = arith.addf %parallel_loop3A_351, %parallel_loop3A_354 : vector<16xf32>
        %parallel_loop3A_359 = arith.addf %parallel_loop3A_358, %parallel_loop3A_357 : vector<16xf32>
        %parallel_loop3A_360 = arith.index_cast %parallel_loop3A_292 : i32 to index
        %parallel_loop3A_361 = arith.constant 32 : index
        %parallel_loop3A_362 = tpu.vector_load %arg19[%parallel_loop3A_360, %parallel_loop3A_361] {strides = array<i32>} : memref<80x64xf32, #tpu.memory_space<vmem>>, vector<16xf32>,
        tpu.vector_store %arg19[%parallel_loop3A_360, %parallel_loop3A_361], %parallel_loop3A_359 {strides = array<i32>} : memref<80x64xf32, #tpu.memory_space<vmem>>, vector<16xf32>,
        %parallel_loop3A_363 = arith.constant 0.000000e+00 : f32
        %parallel_loop3A_364 = vector.broadcast %parallel_loop3A_363 : f32 to vector<16xf32>
        %parallel_loop3A_365 = arith.subf %parallel_loop3A_364, %parallel_loop3A_359 : vector<16xf32>
        %parallel_loop3A_366 = math.exp %parallel_loop3A_365 : vector<16xf32>
        %parallel_loop3A_367 = arith.constant 1.000000e+00 : f32
        %parallel_loop3A_368 = vector.broadcast %parallel_loop3A_367 : f32 to vector<16xf32>
        %parallel_loop3A_369 = arith.addf %parallel_loop3A_368, %parallel_loop3A_366 : vector<16xf32>
        %parallel_loop3A_370 = arith.index_cast %parallel_loop3A_292 : i32 to index
        %parallel_loop3A_371 = arith.constant 96 : index
        %parallel_loop3A_372 = tpu.vector_load %arg13[%parallel_loop3A_370, %parallel_loop3A_371] {strides = array<i32>} : memref<80x128xf32, #tpu.memory_space<vmem>>, vector<16xf32>,
        %parallel_loop3A_373 = arith.divf %parallel_loop3A_372, %parallel_loop3A_369 : vector<16xf32>
        %parallel_loop3A_374 = arith.index_cast %parallel_loop3A_292 : i32 to index
        %parallel_loop3A_375 = arith.constant 32 : index
        %parallel_loop3A_376 = tpu.vector_load %arg21[%parallel_loop3A_374, %parallel_loop3A_375] {strides = array<i32>} : memref<80x64xf32, #tpu.memory_space<vmem>>, vector<16xf32>,
        tpu.vector_store %arg21[%parallel_loop3A_374, %parallel_loop3A_375], %parallel_loop3A_373 {strides = array<i32>} : memref<80x64xf32, #tpu.memory_space<vmem>>, vector<16xf32>,
        %parallel_loop3A_377 = arith.index_cast %parallel_loop3A_292 : i32 to index
        %parallel_loop3A_378 = arith.constant 48 : index
        %parallel_loop3A_379 = tpu.vector_load %arg13[%parallel_loop3A_377, %parallel_loop3A_378] {strides = array<i32>} : memref<80x128xf32, #tpu.memory_space<vmem>>, vector<16xf32>,
        %parallel_loop3A_380 = arith.index_cast %parallel_loop3A_292 : i32 to index
        %parallel_loop3A_381 = arith.constant 48 : index
        %parallel_loop3A_382 = tpu.vector_load %arg15[%parallel_loop3A_380, %parallel_loop3A_381] {strides = array<i32>} : memref<80x64xf32, #tpu.memory_space<vmem>>, vector<16xf32>,
        %parallel_loop3A_383 = arith.index_cast %parallel_loop3A_292 : i32 to index
        %parallel_loop3A_384 = arith.constant 48 : index
        %parallel_loop3A_385 = tpu.vector_load %arg17[%parallel_loop3A_383, %parallel_loop3A_384] {strides = array<i32>} : memref<80x64xf32, #tpu.memory_space<vmem>>, vector<16xf32>,
        %parallel_loop3A_386 = arith.addf %parallel_loop3A_379, %parallel_loop3A_382 : vector<16xf32>
        %parallel_loop3A_387 = arith.addf %parallel_loop3A_386, %parallel_loop3A_385 : vector<16xf32>
        %parallel_loop3A_388 = arith.index_cast %parallel_loop3A_292 : i32 to index
        %parallel_loop3A_389 = arith.constant 48 : index
        %parallel_loop3A_390 = tpu.vector_load %arg19[%parallel_loop3A_388, %parallel_loop3A_389] {strides = array<i32>} : memref<80x64xf32, #tpu.memory_space<vmem>>, vector<16xf32>,
        tpu.vector_store %arg19[%parallel_loop3A_388, %parallel_loop3A_389], %parallel_loop3A_387 {strides = array<i32>} : memref<80x64xf32, #tpu.memory_space<vmem>>, vector<16xf32>,
        %parallel_loop3A_391 = arith.constant 0.000000e+00 : f32
        %parallel_loop3A_392 = vector.broadcast %parallel_loop3A_391 : f32 to vector<16xf32>
        %parallel_loop3A_393 = arith.subf %parallel_loop3A_392, %parallel_loop3A_387 : vector<16xf32>
        %parallel_loop3A_394 = math.exp %parallel_loop3A_393 : vector<16xf32>
        %parallel_loop3A_395 = arith.constant 1.000000e+00 : f32
        %parallel_loop3A_396 = vector.broadcast %parallel_loop3A_395 : f32 to vector<16xf32>
        %parallel_loop3A_397 = arith.addf %parallel_loop3A_396, %parallel_loop3A_394 : vector<16xf32>
        %parallel_loop3A_398 = arith.index_cast %parallel_loop3A_292 : i32 to index
        %parallel_loop3A_399 = arith.constant 112 : index
        %parallel_loop3A_400 = tpu.vector_load %arg13[%parallel_loop3A_398, %parallel_loop3A_399] {strides = array<i32>} : memref<80x128xf32, #tpu.memory_space<vmem>>, vector<16xf32>,
        %parallel_loop3A_401 = arith.divf %parallel_loop3A_400, %parallel_loop3A_397 : vector<16xf32>
        %parallel_loop3A_402 = arith.index_cast %parallel_loop3A_292 : i32 to index
        %parallel_loop3A_403 = arith.constant 48 : index
        %parallel_loop3A_404 = tpu.vector_load %arg21[%parallel_loop3A_402, %parallel_loop3A_403] {strides = array<i32>} : memref<80x64xf32, #tpu.memory_space<vmem>>, vector<16xf32>,
        tpu.vector_store %arg21[%parallel_loop3A_402, %parallel_loop3A_403], %parallel_loop3A_401 {strides = array<i32>} : memref<80x64xf32, #tpu.memory_space<vmem>>, vector<16xf32>,
      } {sc.loop_unroll_factor = 1 : i64, sc.parallel_access}
      %mul3A_203 = arith.constant 20000 : i32
      %mul3A_204 = arith.muli %arg1, %mul3A_203 : i32
      %mul3A_205 = arith.constant 80 : i32
      %mul3A_206 = arith.muli %add3A_108, %mul3A_205 : i32
      %add3A_207 = arith.addi %mul3A_204, %mul3A_206 : i32
      %mul3A_208 = arith.constant 64 : i32
      %mul3A_209 = arith.muli %arg0, %mul3A_208 : i32
      %dma_start3A_210 = tpu.memref_slice %arg7[%add3A_207, %mul3A_209] : memref<320000x128xf32, #tpu.memory_space<hbm>> -> memref<80x64xf32, #tpu.memory_space<hbm>>
      %dma_start3A_211 = tpu.memref_slice %arg7[%add3A_207, %mul3A_209] : memref<320000x128xf32, #tpu.memory_space<hbm>> -> memref<80x64xf32, #tpu.memory_space<hbm>>
      tpu.enqueue_dma source(%arg19 : memref<80x64xf32, #tpu.memory_space<vmem>>) target(%dma_start3A_211 : memref<80x64xf32, #tpu.memory_space<hbm>>) target_semaphore(%arg27 : memref<!tpu.dma_semaphore, #tpu.memory_space<semaphore_mem>>)
      %dma_start3A_212 = arith.constant 0 : i32
      %dma_start3A_213 = arith.constant 0 : i32
      %dma_start3A_214 = tpu.memref_slice %arg11[%dma_start3A_212, %dma_start3A_213] : memref<1x80xi32, #tpu.memory_space<vmem>> -> memref<1x80xi32, #tpu.memory_space<vmem>>
      %dma_start3A_215 = tpu.memref_squeeze %dma_start3A_214 : memref<1x80xi32, #tpu.memory_space<vmem>> -> memref<80xi32, #tpu.memory_space<vmem>>
      %dma_start3A_216 = arith.constant 0 : i32
      %dma_start3A_217 = arith.constant 0 : i32
      %dma_start3A_218 = tpu.memref_slice %arg24[%dma_start3A_216, %dma_start3A_217] : memref<10000x64xf32, #tpu.memory_space<vmem_shared>> -> memref<10000x64xf32, #tpu.memory_space<vmem_shared>>
      tpu.enqueue_indirect_dma source(%arg21 : memref<80x64xf32, #tpu.memory_space<vmem>>) target(%dma_start3A_218 : memref<10000x64xf32, #tpu.memory_space<vmem_shared>>) offsets(%dma_start3A_215 : memref<80xi32, #tpu.memory_space<vmem>>) semaphore(%arg29 : memref<!tpu.dma_semaphore, #tpu.memory_space<semaphore_mem>>) {add = true}
      %mul3A_219 = arith.constant 2 : i32
      %mul3A_220 = arith.muli %add3A_104, %mul3A_219 : i32
      %add3A_221 = arith.constant 1 : i32
      %add3A_222 = arith.addi %mul3A_220, %add3A_221 : i32
      %mul3A_223 = arith.constant 64 : i32
      %mul3A_224 = arith.muli %arg0, %mul3A_223 : i32
      %dma_wait3A_225 = arith.constant 0 : i32
      %dma_wait3A_226 = tpu.memref_slice %arg7[%dma_wait3A_225, %mul3A_224] : memref<320000x128xf32, #tpu.memory_space<hbm>> -> memref<80x64xf32, #tpu.memory_space<hbm>>
      %dma_wait3A_227 = arith.constant 0 : i32
      %dma_wait3A_228 = tpu.memref_slice %arg7[%dma_wait3A_227, %mul3A_224] : memref<320000x128xf32, #tpu.memory_space<hbm>> -> memref<80x64xf32, #tpu.memory_space<hbm>>
      tpu.wait_dma2 semaphore(%arg27 : memref<!tpu.dma_semaphore, #tpu.memory_space<semaphore_mem>>) src(%arg19 : memref<80x64xf32, #tpu.memory_space<vmem>>) dst(%dma_wait3A_228 : memref<80x64xf32, #tpu.memory_space<hbm>>)
      %dma_wait3A_229 = arith.constant 0 : i32
      %dma_wait3A_230 = arith.constant 0 : i32
      %dma_wait3A_231 = tpu.memref_slice %arg6[%arg0, %dma_wait3A_229, %dma_wait3A_230] : memref<2x320000x64xf32, #tpu.memory_space<hbm>> -> memref<1x80x64xf32, #tpu.memory_space<hbm>>
      %dma_wait3A_232 = tpu.memref_squeeze %dma_wait3A_231 : memref<1x80x64xf32, #tpu.memory_space<hbm>> -> memref<80x64xf32, #tpu.memory_space<hbm>>
      %dma_wait3A_233 = arith.constant 0 : i32
      %dma_wait3A_234 = arith.constant 0 : i32
      %dma_wait3A_235 = tpu.memref_slice %arg6[%arg0, %dma_wait3A_233, %dma_wait3A_234] : memref<2x320000x64xf32, #tpu.memory_space<hbm>> -> memref<1x80x64xf32, #tpu.memory_space<hbm>>
      %dma_wait3A_236 = tpu.memref_squeeze %dma_wait3A_235 : memref<1x80x64xf32, #tpu.memory_space<hbm>> -> memref<80x64xf32, #tpu.memory_space<hbm>>
      tpu.wait_dma2 semaphore(%arg29 : memref<!tpu.dma_semaphore, #tpu.memory_space<semaphore_mem>>) src(%dma_wait3A_236 : memref<80x64xf32, #tpu.memory_space<hbm>>) dst(%arg21 : memref<80x64xf32, #tpu.memory_space<vmem>>)
      %add3A_237 = arith.constant 1 : i32
      %add3A_238 = arith.addi %add3A_104, %add3A_237 : i32
      %lt3A = arith.constant 125 : i32
      %lt3A_239 = arith.cmpi slt, %add3A_238, %lt3A : i32
      %convert_element_type3A_240 = arith.extui %lt3A_239 : i1 to i32
      %cond3A_241 = arith.constant 0 : i32
      %cond3A_242 = arith.cmpi ne, %convert_element_type3A_240, %cond3A_241 : i32
      scf.if %cond3A_242 {
        %add3A_292 = arith.constant 1 : i32
        %add3A_293 = arith.addi %add3A_222, %add3A_292 : i32
        %mul3A_294 = arith.constant 20000 : i32
        %mul3A_295 = arith.muli %arg1, %mul3A_294 : i32
        %mul3A_296 = arith.constant 80 : i32
        %mul3A_297 = arith.muli %add3A_293, %mul3A_296 : i32
        %add3A_298 = arith.addi %mul3A_295, %mul3A_297 : i32
        %mul3A_299 = arith.constant 250 : i32
        %mul3A_300 = arith.muli %arg1, %mul3A_299 : i32
        %add3A_301 = arith.addi %mul3A_300, %add3A_293 : i32
        %dma_start3A_302 = arith.constant 0 : i32
        %dma_start3A_303 = tpu.memref_slice %arg2[%add3A_301, %dma_start3A_302] : memref<4000x80xi32, #tpu.memory_space<hbm>> -> memref<1x80xi32, #tpu.memory_space<hbm>>
        %dma_start3A_304 = arith.constant 0 : i32
        %dma_start3A_305 = tpu.memref_slice %arg2[%add3A_301, %dma_start3A_304] : memref<4000x80xi32, #tpu.memory_space<hbm>> -> memref<1x80xi32, #tpu.memory_space<hbm>>
        tpu.enqueue_dma source(%dma_start3A_305 : memref<1x80xi32, #tpu.memory_space<hbm>>) target(%arg9 : memref<1x80xi32, #tpu.memory_space<vmem>>) target_semaphore(%arg31 : memref<!tpu.dma_semaphore, #tpu.memory_space<semaphore_mem>>)
        %dma_start3A_306 = arith.constant 0 : i32
        %dma_start3A_307 = tpu.memref_slice %arg3[%add3A_301, %dma_start3A_306] : memref<4000x80xi32, #tpu.memory_space<hbm>> -> memref<1x80xi32, #tpu.memory_space<hbm>>
        %dma_start3A_308 = arith.constant 0 : i32
        %dma_start3A_309 = tpu.memref_slice %arg3[%add3A_301, %dma_start3A_308] : memref<4000x80xi32, #tpu.memory_space<hbm>> -> memref<1x80xi32, #tpu.memory_space<hbm>>
        tpu.enqueue_dma source(%dma_start3A_309 : memref<1x80xi32, #tpu.memory_space<hbm>>) target(%arg11 : memref<1x80xi32, #tpu.memory_space<vmem>>) target_semaphore(%arg31 : memref<!tpu.dma_semaphore, #tpu.memory_space<semaphore_mem>>)
        %dma_wait3A_310 = arith.constant 0 : i32
        %dma_wait3A_311 = arith.constant 0 : i32
        %dma_wait3A_312 = tpu.memref_slice %arg2[%dma_wait3A_310, %dma_wait3A_311] : memref<4000x80xi32, #tpu.memory_space<hbm>> -> memref<1x80xi32, #tpu.memory_space<hbm>>
        %dma_wait3A_313 = arith.constant 0 : i32
        %dma_wait3A_314 = arith.constant 0 : i32
        %dma_wait3A_315 = tpu.memref_slice %arg2[%dma_wait3A_313, %dma_wait3A_314] : memref<4000x80xi32, #tpu.memory_space<hbm>> -> memref<1x80xi32, #tpu.memory_space<hbm>>
        tpu.wait_dma2 semaphore(%arg31 : memref<!tpu.dma_semaphore, #tpu.memory_space<semaphore_mem>>) src(%dma_wait3A_315 : memref<1x80xi32, #tpu.memory_space<hbm>>) dst(%arg9 : memref<1x80xi32, #tpu.memory_space<vmem>>)
        %dma_wait3A_316 = arith.constant 0 : i32
        %dma_wait3A_317 = arith.constant 0 : i32
        %dma_wait3A_318 = tpu.memref_slice %arg3[%dma_wait3A_316, %dma_wait3A_317] : memref<4000x80xi32, #tpu.memory_space<hbm>> -> memref<1x80xi32, #tpu.memory_space<hbm>>
        %dma_wait3A_319 = arith.constant 0 : i32
        %dma_wait3A_320 = arith.constant 0 : i32
        %dma_wait3A_321 = tpu.memref_slice %arg3[%dma_wait3A_319, %dma_wait3A_320] : memref<4000x80xi32, #tpu.memory_space<hbm>> -> memref<1x80xi32, #tpu.memory_space<hbm>>
        tpu.wait_dma2 semaphore(%arg31 : memref<!tpu.dma_semaphore, #tpu.memory_space<semaphore_mem>>) src(%dma_wait3A_321 : memref<1x80xi32, #tpu.memory_space<hbm>>) dst(%arg11 : memref<1x80xi32, #tpu.memory_space<vmem>>)
        %dma_start3A_322 = arith.constant 0 : i32
        %dma_start3A_323 = arith.constant 0 : i32
        %dma_start3A_324 = tpu.memref_slice %arg9[%dma_start3A_322, %dma_start3A_323] : memref<1x80xi32, #tpu.memory_space<vmem>> -> memref<1x80xi32, #tpu.memory_space<vmem>>
        %dma_start3A_325 = tpu.memref_squeeze %dma_start3A_324 : memref<1x80xi32, #tpu.memory_space<vmem>> -> memref<80xi32, #tpu.memory_space<vmem>>
        %dma_start3A_326 = arith.constant 0 : i32
        %dma_start3A_327 = arith.constant 0 : i32
        %dma_start3A_328 = tpu.memref_slice %arg4[%arg0, %dma_start3A_326, %dma_start3A_327] : memref<2x10000x128xf32, #tpu.memory_space<hbm>> -> memref<1x10000x128xf32, #tpu.memory_space<hbm>>
        %dma_start3A_329 = tpu.memref_squeeze %dma_start3A_328 : memref<1x10000x128xf32, #tpu.memory_space<hbm>> -> memref<10000x128xf32, #tpu.memory_space<hbm>>
        %dma_start3A_330 = arith.constant 0 : i32
        %dma_start3A_331 = arith.constant 0 : i32
        %dma_start3A_332 = tpu.memref_slice %dma_start3A_329[%dma_start3A_330, %dma_start3A_331] : memref<10000x128xf32, #tpu.memory_space<hbm>> -> memref<10000x128xf32, #tpu.memory_space<hbm>>
        tpu.enqueue_indirect_dma source(%dma_start3A_332 : memref<10000x128xf32, #tpu.memory_space<hbm>>) target(%arg13 : memref<80x128xf32, #tpu.memory_space<vmem>>) offsets(%dma_start3A_325 : memref<80xi32, #tpu.memory_space<vmem>>) semaphore(%arg25 : memref<!tpu.dma_semaphore, #tpu.memory_space<semaphore_mem>>)
        %dma_start3A_333 = arith.constant 0 : i32
        %dma_start3A_334 = arith.constant 0 : i32
        %dma_start3A_335 = tpu.memref_slice %arg11[%dma_start3A_333, %dma_start3A_334] : memref<1x80xi32, #tpu.memory_space<vmem>> -> memref<1x80xi32, #tpu.memory_space<vmem>>
        %dma_start3A_336 = tpu.memref_squeeze %dma_start3A_335 : memref<1x80xi32, #tpu.memory_space<vmem>> -> memref<80xi32, #tpu.memory_space<vmem>>
        %dma_start3A_337 = arith.constant 0 : i32
        %dma_start3A_338 = arith.constant 0 : i32
        %dma_start3A_339 = tpu.memref_slice %arg5[%arg0, %dma_start3A_337, %dma_start3A_338] : memref<2x10000x64xf32, #tpu.memory_space<hbm>> -> memref<1x10000x64xf32, #tpu.memory_space<hbm>>
        %dma_start3A_340 = tpu.memref_squeeze %dma_start3A_339 : memref<1x10000x64xf32, #tpu.memory_space<hbm>> -> memref<10000x64xf32, #tpu.memory_space<hbm>>
        %dma_start3A_341 = arith.constant 0 : i32
        %dma_start3A_342 = arith.constant 0 : i32
        %dma_start3A_343 = tpu.memref_slice %dma_start3A_340[%dma_start3A_341, %dma_start3A_342] : memref<10000x64xf32, #tpu.memory_space<hbm>> -> memref<10000x64xf32, #tpu.memory_space<hbm>>
        tpu.enqueue_indirect_dma source(%dma_start3A_343 : memref<10000x64xf32, #tpu.memory_space<hbm>>) target(%arg15 : memref<80x64xf32, #tpu.memory_space<vmem>>) offsets(%dma_start3A_336 : memref<80xi32, #tpu.memory_space<vmem>>) semaphore(%arg25 : memref<!tpu.dma_semaphore, #tpu.memory_space<semaphore_mem>>)
        %dma_start3A_344 = arith.constant 0 : i32
        %dma_start3A_345 = tpu.memref_slice %arg6[%arg0, %add3A_298, %dma_start3A_344] : memref<2x320000x64xf32, #tpu.memory_space<hbm>> -> memref<1x80x64xf32, #tpu.memory_space<hbm>>
        %dma_start3A_346 = tpu.memref_squeeze %dma_start3A_345 : memref<1x80x64xf32, #tpu.memory_space<hbm>> -> memref<80x64xf32, #tpu.memory_space<hbm>>
        %dma_start3A_347 = arith.constant 0 : i32
        %dma_start3A_348 = tpu.memref_slice %arg6[%arg0, %add3A_298, %dma_start3A_347] : memref<2x320000x64xf32, #tpu.memory_space<hbm>> -> memref<1x80x64xf32, #tpu.memory_space<hbm>>
        %dma_start3A_349 = tpu.memref_squeeze %dma_start3A_348 : memref<1x80x64xf32, #tpu.memory_space<hbm>> -> memref<80x64xf32, #tpu.memory_space<hbm>>
        tpu.enqueue_dma source(%dma_start3A_349 : memref<80x64xf32, #tpu.memory_space<hbm>>) target(%arg17 : memref<80x64xf32, #tpu.memory_space<vmem>>) target_semaphore(%arg25 : memref<!tpu.dma_semaphore, #tpu.memory_space<semaphore_mem>>)
      } else {
      }
      %dma_wait3A_243 = arith.constant 0 : i32
      %dma_wait3A_244 = arith.constant 0 : i32
      %dma_wait3A_245 = tpu.memref_slice %arg10[%dma_wait3A_243, %dma_wait3A_244] : memref<1x80xi32, #tpu.memory_space<vmem>> -> memref<1x80xi32, #tpu.memory_space<vmem>>
      %dma_wait3A_246 = tpu.memref_squeeze %dma_wait3A_245 : memref<1x80xi32, #tpu.memory_space<vmem>> -> memref<80xi32, #tpu.memory_space<vmem>>
      %dma_wait3A_247 = arith.constant 0 : i32
      %dma_wait3A_248 = arith.constant 0 : i32
      %dma_wait3A_249 = tpu.memref_slice %arg4[%arg0, %dma_wait3A_247, %dma_wait3A_248] : memref<2x10000x128xf32, #tpu.memory_space<hbm>> -> memref<1x10000x128xf32, #tpu.memory_space<hbm>>
      %dma_wait3A_250 = tpu.memref_squeeze %dma_wait3A_249 : memref<1x10000x128xf32, #tpu.memory_space<hbm>> -> memref<10000x128xf32, #tpu.memory_space<hbm>>
      %dma_wait3A_251 = arith.constant 0 : i32
      %dma_wait3A_252 = arith.constant 0 : i32
      %dma_wait3A_253 = tpu.memref_slice %dma_wait3A_250[%dma_wait3A_251, %dma_wait3A_252] : memref<10000x128xf32, #tpu.memory_space<hbm>> -> memref<10000x128xf32, #tpu.memory_space<hbm>>
      tpu.wait_indirect_dma semaphore(%arg26 : memref<!tpu.dma_semaphore, #tpu.memory_space<semaphore_mem>>) src(%dma_wait3A_253 : memref<10000x128xf32, #tpu.memory_space<hbm>>) dst(%arg14 : memref<80x128xf32, #tpu.memory_space<vmem>>)
      %dma_wait3A_254 = arith.constant 0 : i32
      %dma_wait3A_255 = arith.constant 0 : i32
      %dma_wait3A_256 = tpu.memref_slice %arg12[%dma_wait3A_254, %dma_wait3A_255] : memref<1x80xi32, #tpu.memory_space<vmem>> -> memref<1x80xi32, #tpu.memory_space<vmem>>
      %dma_wait3A_257 = tpu.memref_squeeze %dma_wait3A_256 : memref<1x80xi32, #tpu.memory_space<vmem>> -> memref<80xi32, #tpu.memory_space<vmem>>
      %dma_wait3A_258 = arith.constant 0 : i32
      %dma_wait3A_259 = arith.constant 0 : i32
      %dma_wait3A_260 = tpu.memref_slice %arg5[%arg0, %dma_wait3A_258, %dma_wait3A_259] : memref<2x10000x64xf32, #tpu.memory_space<hbm>> -> memref<1x10000x64xf32, #tpu.memory_space<hbm>>
      %dma_wait3A_261 = tpu.memref_squeeze %dma_wait3A_260 : memref<1x10000x64xf32, #tpu.memory_space<hbm>> -> memref<10000x64xf32, #tpu.memory_space<hbm>>
      %dma_wait3A_262 = arith.constant 0 : i32
      %dma_wait3A_263 = arith.constant 0 : i32
      %dma_wait3A_264 = tpu.memref_slice %dma_wait3A_261[%dma_wait3A_262, %dma_wait3A_263] : memref<10000x64xf32, #tpu.memory_space<hbm>> -> memref<10000x64xf32, #tpu.memory_space<hbm>>
      tpu.wait_indirect_dma semaphore(%arg26 : memref<!tpu.dma_semaphore, #tpu.memory_space<semaphore_mem>>) src(%dma_wait3A_264 : memref<10000x64xf32, #tpu.memory_space<hbm>>) dst(%arg16 : memref<80x64xf32, #tpu.memory_space<vmem>>)
      %dma_wait3A_265 = arith.constant 0 : i32
      %dma_wait3A_266 = arith.constant 0 : i32
      %dma_wait3A_267 = tpu.memref_slice %arg6[%arg0, %dma_wait3A_265, %dma_wait3A_266] : memref<2x320000x64xf32, #tpu.memory_space<hbm>> -> memref<1x80x64xf32, #tpu.memory_space<hbm>>
      %dma_wait3A_268 = tpu.memref_squeeze %dma_wait3A_267 : memref<1x80x64xf32, #tpu.memory_space<hbm>> -> memref<80x64xf32, #tpu.memory_space<hbm>>
      %dma_wait3A_269 = arith.constant 0 : i32
      %dma_wait3A_270 = arith.constant 0 : i32
      %dma_wait3A_271 = tpu.memref_slice %arg6[%arg0, %dma_wait3A_269, %dma_wait3A_270] : memref<2x320000x64xf32, #tpu.memory_space<hbm>> -> memref<1x80x64xf32, #tpu.memory_space<hbm>>
      %dma_wait3A_272 = tpu.memref_squeeze %dma_wait3A_271 : memref<1x80x64xf32, #tpu.memory_space<hbm>> -> memref<80x64xf32, #tpu.memory_space<hbm>>
      tpu.wait_dma2 semaphore(%arg26 : memref<!tpu.dma_semaphore, #tpu.memory_space<semaphore_mem>>) src(%dma_wait3A_272 : memref<80x64xf32, #tpu.memory_space<hbm>>) dst(%arg18 : memref<80x64xf32, #tpu.memory_space<vmem>>)
      %parallel_loop3A_273 = arith.constant 0 : i32
      %parallel_loop3A_274 = arith.constant 80 : i32
      %parallel_loop3A_275 = arith.constant 1 : i32
      scf.for %parallel_loop3A_292 = %parallel_loop3A_273 to %parallel_loop3A_274 step %parallel_loop3A_275  : i32 {
        %parallel_loop3A_293 = arith.index_cast %parallel_loop3A_292 : i32 to index
        %parallel_loop3A_294 = arith.constant 0 : index
        %parallel_loop3A_295 = tpu.vector_load %arg14[%parallel_loop3A_293, %parallel_loop3A_294] {strides = array<i32>} : memref<80x128xf32, #tpu.memory_space<vmem>>, vector<16xf32>,
        %parallel_loop3A_296 = arith.index_cast %parallel_loop3A_292 : i32 to index
        %parallel_loop3A_297 = arith.constant 0 : index
        %parallel_loop3A_298 = tpu.vector_load %arg16[%parallel_loop3A_296, %parallel_loop3A_297] {strides = array<i32>} : memref<80x64xf32, #tpu.memory_space<vmem>>, vector<16xf32>,
        %parallel_loop3A_299 = arith.index_cast %parallel_loop3A_292 : i32 to index
        %parallel_loop3A_300 = arith.constant 0 : index
        %parallel_loop3A_301 = tpu.vector_load %arg18[%parallel_loop3A_299, %parallel_loop3A_300] {strides = array<i32>} : memref<80x64xf32, #tpu.memory_space<vmem>>, vector<16xf32>,
        %parallel_loop3A_302 = arith.addf %parallel_loop3A_295, %parallel_loop3A_298 : vector<16xf32>
        %parallel_loop3A_303 = arith.addf %parallel_loop3A_302, %parallel_loop3A_301 : vector<16xf32>
        %parallel_loop3A_304 = arith.index_cast %parallel_loop3A_292 : i32 to index
        %parallel_loop3A_305 = arith.constant 0 : index
        %parallel_loop3A_306 = tpu.vector_load %arg20[%parallel_loop3A_304, %parallel_loop3A_305] {strides = array<i32>} : memref<80x64xf32, #tpu.memory_space<vmem>>, vector<16xf32>,
        tpu.vector_store %arg20[%parallel_loop3A_304, %parallel_loop3A_305], %parallel_loop3A_303 {strides = array<i32>} : memref<80x64xf32, #tpu.memory_space<vmem>>, vector<16xf32>,
        %parallel_loop3A_307 = arith.constant 0.000000e+00 : f32
        %parallel_loop3A_308 = vector.broadcast %parallel_loop3A_307 : f32 to vector<16xf32>
        %parallel_loop3A_309 = arith.subf %parallel_loop3A_308, %parallel_loop3A_303 : vector<16xf32>
        %parallel_loop3A_310 = math.exp %parallel_loop3A_309 : vector<16xf32>
        %parallel_loop3A_311 = arith.constant 1.000000e+00 : f32
        %parallel_loop3A_312 = vector.broadcast %parallel_loop3A_311 : f32 to vector<16xf32>
        %parallel_loop3A_313 = arith.addf %parallel_loop3A_312, %parallel_loop3A_310 : vector<16xf32>
        %parallel_loop3A_314 = arith.index_cast %parallel_loop3A_292 : i32 to index
        %parallel_loop3A_315 = arith.constant 64 : index
        %parallel_loop3A_316 = tpu.vector_load %arg14[%parallel_loop3A_314, %parallel_loop3A_315] {strides = array<i32>} : memref<80x128xf32, #tpu.memory_space<vmem>>, vector<16xf32>,
        %parallel_loop3A_317 = arith.divf %parallel_loop3A_316, %parallel_loop3A_313 : vector<16xf32>
        %parallel_loop3A_318 = arith.index_cast %parallel_loop3A_292 : i32 to index
        %parallel_loop3A_319 = arith.constant 0 : index
        %parallel_loop3A_320 = tpu.vector_load %arg22[%parallel_loop3A_318, %parallel_loop3A_319] {strides = array<i32>} : memref<80x64xf32, #tpu.memory_space<vmem>>, vector<16xf32>,
        tpu.vector_store %arg22[%parallel_loop3A_318, %parallel_loop3A_319], %parallel_loop3A_317 {strides = array<i32>} : memref<80x64xf32, #tpu.memory_space<vmem>>, vector<16xf32>,
        %parallel_loop3A_321 = arith.index_cast %parallel_loop3A_292 : i32 to index
        %parallel_loop3A_322 = arith.constant 16 : index
        %parallel_loop3A_323 = tpu.vector_load %arg14[%parallel_loop3A_321, %parallel_loop3A_322] {strides = array<i32>} : memref<80x128xf32, #tpu.memory_space<vmem>>, vector<16xf32>,
        %parallel_loop3A_324 = arith.index_cast %parallel_loop3A_292 : i32 to index
        %parallel_loop3A_325 = arith.constant 16 : index
        %parallel_loop3A_326 = tpu.vector_load %arg16[%parallel_loop3A_324, %parallel_loop3A_325] {strides = array<i32>} : memref<80x64xf32, #tpu.memory_space<vmem>>, vector<16xf32>,
        %parallel_loop3A_327 = arith.index_cast %parallel_loop3A_292 : i32 to index
        %parallel_loop3A_328 = arith.constant 16 : index
        %parallel_loop3A_329 = tpu.vector_load %arg18[%parallel_loop3A_327, %parallel_loop3A_328] {strides = array<i32>} : memref<80x64xf32, #tpu.memory_space<vmem>>, vector<16xf32>,
        %parallel_loop3A_330 = arith.addf %parallel_loop3A_323, %parallel_loop3A_326 : vector<16xf32>
        %parallel_loop3A_331 = arith.addf %parallel_loop3A_330, %parallel_loop3A_329 : vector<16xf32>
        %parallel_loop3A_332 = arith.index_cast %parallel_loop3A_292 : i32 to index
        %parallel_loop3A_333 = arith.constant 16 : index
        %parallel_loop3A_334 = tpu.vector_load %arg20[%parallel_loop3A_332, %parallel_loop3A_333] {strides = array<i32>} : memref<80x64xf32, #tpu.memory_space<vmem>>, vector<16xf32>,
        tpu.vector_store %arg20[%parallel_loop3A_332, %parallel_loop3A_333], %parallel_loop3A_331 {strides = array<i32>} : memref<80x64xf32, #tpu.memory_space<vmem>>, vector<16xf32>,
        %parallel_loop3A_335 = arith.constant 0.000000e+00 : f32
        %parallel_loop3A_336 = vector.broadcast %parallel_loop3A_335 : f32 to vector<16xf32>
        %parallel_loop3A_337 = arith.subf %parallel_loop3A_336, %parallel_loop3A_331 : vector<16xf32>
        %parallel_loop3A_338 = math.exp %parallel_loop3A_337 : vector<16xf32>
        %parallel_loop3A_339 = arith.constant 1.000000e+00 : f32
        %parallel_loop3A_340 = vector.broadcast %parallel_loop3A_339 : f32 to vector<16xf32>
        %parallel_loop3A_341 = arith.addf %parallel_loop3A_340, %parallel_loop3A_338 : vector<16xf32>
        %parallel_loop3A_342 = arith.index_cast %parallel_loop3A_292 : i32 to index
        %parallel_loop3A_343 = arith.constant 80 : index
        %parallel_loop3A_344 = tpu.vector_load %arg14[%parallel_loop3A_342, %parallel_loop3A_343] {strides = array<i32>} : memref<80x128xf32, #tpu.memory_space<vmem>>, vector<16xf32>,
        %parallel_loop3A_345 = arith.divf %parallel_loop3A_344, %parallel_loop3A_341 : vector<16xf32>
        %parallel_loop3A_346 = arith.index_cast %parallel_loop3A_292 : i32 to index
        %parallel_loop3A_347 = arith.constant 16 : index
        %parallel_loop3A_348 = tpu.vector_load %arg22[%parallel_loop3A_346, %parallel_loop3A_347] {strides = array<i32>} : memref<80x64xf32, #tpu.memory_space<vmem>>, vector<16xf32>,
        tpu.vector_store %arg22[%parallel_loop3A_346, %parallel_loop3A_347], %parallel_loop3A_345 {strides = array<i32>} : memref<80x64xf32, #tpu.memory_space<vmem>>, vector<16xf32>,
        %parallel_loop3A_349 = arith.index_cast %parallel_loop3A_292 : i32 to index
        %parallel_loop3A_350 = arith.constant 32 : index
        %parallel_loop3A_351 = tpu.vector_load %arg14[%parallel_loop3A_349, %parallel_loop3A_350] {strides = array<i32>} : memref<80x128xf32, #tpu.memory_space<vmem>>, vector<16xf32>,
        %parallel_loop3A_352 = arith.index_cast %parallel_loop3A_292 : i32 to index
        %parallel_loop3A_353 = arith.constant 32 : index
        %parallel_loop3A_354 = tpu.vector_load %arg16[%parallel_loop3A_352, %parallel_loop3A_353] {strides = array<i32>} : memref<80x64xf32, #tpu.memory_space<vmem>>, vector<16xf32>,
        %parallel_loop3A_355 = arith.index_cast %parallel_loop3A_292 : i32 to index
        %parallel_loop3A_356 = arith.constant 32 : index
        %parallel_loop3A_357 = tpu.vector_load %arg18[%parallel_loop3A_355, %parallel_loop3A_356] {strides = array<i32>} : memref<80x64xf32, #tpu.memory_space<vmem>>, vector<16xf32>,
        %parallel_loop3A_358 = arith.addf %parallel_loop3A_351, %parallel_loop3A_354 : vector<16xf32>
        %parallel_loop3A_359 = arith.addf %parallel_loop3A_358, %parallel_loop3A_357 : vector<16xf32>
        %parallel_loop3A_360 = arith.index_cast %parallel_loop3A_292 : i32 to index
        %parallel_loop3A_361 = arith.constant 32 : index
        %parallel_loop3A_362 = tpu.vector_load %arg20[%parallel_loop3A_360, %parallel_loop3A_361] {strides = array<i32>} : memref<80x64xf32, #tpu.memory_space<vmem>>, vector<16xf32>,
        tpu.vector_store %arg20[%parallel_loop3A_360, %parallel_loop3A_361], %parallel_loop3A_359 {strides = array<i32>} : memref<80x64xf32, #tpu.memory_space<vmem>>, vector<16xf32>,
        %parallel_loop3A_363 = arith.constant 0.000000e+00 : f32
        %parallel_loop3A_364 = vector.broadcast %parallel_loop3A_363 : f32 to vector<16xf32>
        %parallel_loop3A_365 = arith.subf %parallel_loop3A_364, %parallel_loop3A_359 : vector<16xf32>
        %parallel_loop3A_366 = math.exp %parallel_loop3A_365 : vector<16xf32>
        %parallel_loop3A_367 = arith.constant 1.000000e+00 : f32
        %parallel_loop3A_368 = vector.broadcast %parallel_loop3A_367 : f32 to vector<16xf32>
        %parallel_loop3A_369 = arith.addf %parallel_loop3A_368, %parallel_loop3A_366 : vector<16xf32>
        %parallel_loop3A_370 = arith.index_cast %parallel_loop3A_292 : i32 to index
        %parallel_loop3A_371 = arith.constant 96 : index
        %parallel_loop3A_372 = tpu.vector_load %arg14[%parallel_loop3A_370, %parallel_loop3A_371] {strides = array<i32>} : memref<80x128xf32, #tpu.memory_space<vmem>>, vector<16xf32>,
        %parallel_loop3A_373 = arith.divf %parallel_loop3A_372, %parallel_loop3A_369 : vector<16xf32>
        %parallel_loop3A_374 = arith.index_cast %parallel_loop3A_292 : i32 to index
        %parallel_loop3A_375 = arith.constant 32 : index
        %parallel_loop3A_376 = tpu.vector_load %arg22[%parallel_loop3A_374, %parallel_loop3A_375] {strides = array<i32>} : memref<80x64xf32, #tpu.memory_space<vmem>>, vector<16xf32>,
        tpu.vector_store %arg22[%parallel_loop3A_374, %parallel_loop3A_375], %parallel_loop3A_373 {strides = array<i32>} : memref<80x64xf32, #tpu.memory_space<vmem>>, vector<16xf32>,
        %parallel_loop3A_377 = arith.index_cast %parallel_loop3A_292 : i32 to index
        %parallel_loop3A_378 = arith.constant 48 : index
        %parallel_loop3A_379 = tpu.vector_load %arg14[%parallel_loop3A_377, %parallel_loop3A_378] {strides = array<i32>} : memref<80x128xf32, #tpu.memory_space<vmem>>, vector<16xf32>,
        %parallel_loop3A_380 = arith.index_cast %parallel_loop3A_292 : i32 to index
        %parallel_loop3A_381 = arith.constant 48 : index
        %parallel_loop3A_382 = tpu.vector_load %arg16[%parallel_loop3A_380, %parallel_loop3A_381] {strides = array<i32>} : memref<80x64xf32, #tpu.memory_space<vmem>>, vector<16xf32>,
        %parallel_loop3A_383 = arith.index_cast %parallel_loop3A_292 : i32 to index
        %parallel_loop3A_384 = arith.constant 48 : index
        %parallel_loop3A_385 = tpu.vector_load %arg18[%parallel_loop3A_383, %parallel_loop3A_384] {strides = array<i32>} : memref<80x64xf32, #tpu.memory_space<vmem>>, vector<16xf32>,
        %parallel_loop3A_386 = arith.addf %parallel_loop3A_379, %parallel_loop3A_382 : vector<16xf32>
        %parallel_loop3A_387 = arith.addf %parallel_loop3A_386, %parallel_loop3A_385 : vector<16xf32>
        %parallel_loop3A_388 = arith.index_cast %parallel_loop3A_292 : i32 to index
        %parallel_loop3A_389 = arith.constant 48 : index
        %parallel_loop3A_390 = tpu.vector_load %arg20[%parallel_loop3A_388, %parallel_loop3A_389] {strides = array<i32>} : memref<80x64xf32, #tpu.memory_space<vmem>>, vector<16xf32>,
        tpu.vector_store %arg20[%parallel_loop3A_388, %parallel_loop3A_389], %parallel_loop3A_387 {strides = array<i32>} : memref<80x64xf32, #tpu.memory_space<vmem>>, vector<16xf32>,
        %parallel_loop3A_391 = arith.constant 0.000000e+00 : f32
        %parallel_loop3A_392 = vector.broadcast %parallel_loop3A_391 : f32 to vector<16xf32>
        %parallel_loop3A_393 = arith.subf %parallel_loop3A_392, %parallel_loop3A_387 : vector<16xf32>
        %parallel_loop3A_394 = math.exp %parallel_loop3A_393 : vector<16xf32>
        %parallel_loop3A_395 = arith.constant 1.000000e+00 : f32
        %parallel_loop3A_396 = vector.broadcast %parallel_loop3A_395 : f32 to vector<16xf32>
        %parallel_loop3A_397 = arith.addf %parallel_loop3A_396, %parallel_loop3A_394 : vector<16xf32>
        %parallel_loop3A_398 = arith.index_cast %parallel_loop3A_292 : i32 to index
        %parallel_loop3A_399 = arith.constant 112 : index
        %parallel_loop3A_400 = tpu.vector_load %arg14[%parallel_loop3A_398, %parallel_loop3A_399] {strides = array<i32>} : memref<80x128xf32, #tpu.memory_space<vmem>>, vector<16xf32>,
        %parallel_loop3A_401 = arith.divf %parallel_loop3A_400, %parallel_loop3A_397 : vector<16xf32>
        %parallel_loop3A_402 = arith.index_cast %parallel_loop3A_292 : i32 to index
        %parallel_loop3A_403 = arith.constant 48 : index
        %parallel_loop3A_404 = tpu.vector_load %arg22[%parallel_loop3A_402, %parallel_loop3A_403] {strides = array<i32>} : memref<80x64xf32, #tpu.memory_space<vmem>>, vector<16xf32>,
        tpu.vector_store %arg22[%parallel_loop3A_402, %parallel_loop3A_403], %parallel_loop3A_401 {strides = array<i32>} : memref<80x64xf32, #tpu.memory_space<vmem>>, vector<16xf32>,
      } {sc.loop_unroll_factor = 1 : i64, sc.parallel_access}
      %mul3A_276 = arith.constant 20000 : i32
      %mul3A_277 = arith.muli %arg1, %mul3A_276 : i32
      %mul3A_278 = arith.constant 80 : i32
      %mul3A_279 = arith.muli %add3A_222, %mul3A_278 : i32
      %add3A_280 = arith.addi %mul3A_277, %mul3A_279 : i32
      %mul3A_281 = arith.constant 64 : i32
      %mul3A_282 = arith.muli %arg0, %mul3A_281 : i32
      %dma_start3A_283 = tpu.memref_slice %arg7[%add3A_280, %mul3A_282] : memref<320000x128xf32, #tpu.memory_space<hbm>> -> memref<80x64xf32, #tpu.memory_space<hbm>>
      %dma_start3A_284 = tpu.memref_slice %arg7[%add3A_280, %mul3A_282] : memref<320000x128xf32, #tpu.memory_space<hbm>> -> memref<80x64xf32, #tpu.memory_space<hbm>>
      tpu.enqueue_dma source(%arg20 : memref<80x64xf32, #tpu.memory_space<vmem>>) target(%dma_start3A_284 : memref<80x64xf32, #tpu.memory_space<hbm>>) target_semaphore(%arg28 : memref<!tpu.dma_semaphore, #tpu.memory_space<semaphore_mem>>)
      %dma_start3A_285 = arith.constant 0 : i32
      %dma_start3A_286 = arith.constant 0 : i32
      %dma_start3A_287 = tpu.memref_slice %arg12[%dma_start3A_285, %dma_start3A_286] : memref<1x80xi32, #tpu.memory_space<vmem>> -> memref<1x80xi32, #tpu.memory_space<vmem>>
      %dma_start3A_288 = tpu.memref_squeeze %dma_start3A_287 : memref<1x80xi32, #tpu.memory_space<vmem>> -> memref<80xi32, #tpu.memory_space<vmem>>
      %dma_start3A_289 = arith.constant 0 : i32
      %dma_start3A_290 = arith.constant 0 : i32
      %dma_start3A_291 = tpu.memref_slice %arg24[%dma_start3A_289, %dma_start3A_290] : memref<10000x64xf32, #tpu.memory_space<vmem_shared>> -> memref<10000x64xf32, #tpu.memory_space<vmem_shared>>
      tpu.enqueue_indirect_dma source(%arg22 : memref<80x64xf32, #tpu.memory_space<vmem>>) target(%dma_start3A_291 : memref<10000x64xf32, #tpu.memory_space<vmem_shared>>) offsets(%dma_start3A_288 : memref<80xi32, #tpu.memory_space<vmem>>) semaphore(%arg30 : memref<!tpu.dma_semaphore, #tpu.memory_space<semaphore_mem>>) {add = true}
    }
    %scan3A_75 = arith.constant 125 : i32
    %mul3A_76 = arith.constant 64 : i32
    %mul3A_77 = arith.muli %arg0, %mul3A_76 : i32
    %dma_wait3A_78 = arith.constant 0 : i32
    %dma_wait3A_79 = tpu.memref_slice %arg7[%dma_wait3A_78, %mul3A_77] : memref<320000x128xf32, #tpu.memory_space<hbm>> -> memref<80x64xf32, #tpu.memory_space<hbm>>
    %dma_wait3A_80 = arith.constant 0 : i32
    %dma_wait3A_81 = tpu.memref_slice %arg7[%dma_wait3A_80, %mul3A_77] : memref<320000x128xf32, #tpu.memory_space<hbm>> -> memref<80x64xf32, #tpu.memory_space<hbm>>
    tpu.wait_dma2 semaphore(%arg28 : memref<!tpu.dma_semaphore, #tpu.memory_space<semaphore_mem>>) src(%arg20 : memref<80x64xf32, #tpu.memory_space<vmem>>) dst(%dma_wait3A_81 : memref<80x64xf32, #tpu.memory_space<hbm>>)
    %dma_wait3A_82 = arith.constant 0 : i32
    %dma_wait3A_83 = arith.constant 0 : i32
    %dma_wait3A_84 = tpu.memref_slice %arg6[%arg0, %dma_wait3A_82, %dma_wait3A_83] : memref<2x320000x64xf32, #tpu.memory_space<hbm>> -> memref<1x80x64xf32, #tpu.memory_space<hbm>>
    %dma_wait3A_85 = tpu.memref_squeeze %dma_wait3A_84 : memref<1x80x64xf32, #tpu.memory_space<hbm>> -> memref<80x64xf32, #tpu.memory_space<hbm>>
    %dma_wait3A_86 = arith.constant 0 : i32
    %dma_wait3A_87 = arith.constant 0 : i32
    %dma_wait3A_88 = tpu.memref_slice %arg6[%arg0, %dma_wait3A_86, %dma_wait3A_87] : memref<2x320000x64xf32, #tpu.memory_space<hbm>> -> memref<1x80x64xf32, #tpu.memory_space<hbm>>
    %dma_wait3A_89 = tpu.memref_squeeze %dma_wait3A_88 : memref<1x80x64xf32, #tpu.memory_space<hbm>> -> memref<80x64xf32, #tpu.memory_space<hbm>>
    tpu.wait_dma2 semaphore(%arg30 : memref<!tpu.dma_semaphore, #tpu.memory_space<semaphore_mem>>) src(%dma_wait3A_89 : memref<80x64xf32, #tpu.memory_space<hbm>>) dst(%arg22 : memref<80x64xf32, #tpu.memory_space<vmem>>)
    %barrier3A_90 = arith.constant 0 : index
    tpu.barrier barrier_id(%barrier3A_90)
    %mul3A_91 = arith.constant 624 : i32
    %mul3A_92 = arith.muli %arg1, %mul3A_91 : i32
    %mul3A_93 = arith.constant 624 : i32
    %mul3A_94 = arith.muli %arg1, %mul3A_93 : i32
    "tpu.region"() ({
      %run_scoped3A = tpu.sem_alloc : memref<!tpu.dma_semaphore, #tpu.memory_space<semaphore_mem>>
      %dma_start3A_100 = arith.constant 0 : i32
      %dma_start3A_101 = tpu.memref_slice %arg8[%arg0, %mul3A_94, %dma_start3A_100] : memref<2x10000x64xf32, #tpu.memory_space<hbm>> -> memref<1x624x64xf32, #tpu.memory_space<hbm>>
      %dma_start3A_102 = tpu.memref_squeeze %dma_start3A_101 : memref<1x624x64xf32, #tpu.memory_space<hbm>> -> memref<624x64xf32, #tpu.memory_space<hbm>>
      %dma_start3A_103 = arith.constant 0 : i32
      %dma_start3A_104 = tpu.memref_slice %arg24[%mul3A_92, %dma_start3A_103] : memref<10000x64xf32, #tpu.memory_space<vmem_shared>> -> memref<624x64xf32, #tpu.memory_space<vmem_shared>>
      tpu.enqueue_dma source(%dma_start3A_104 : memref<624x64xf32, #tpu.memory_space<vmem_shared>>) target(%dma_start3A_102 : memref<624x64xf32, #tpu.memory_space<hbm>>) target_semaphore(%run_scoped3A : memref<!tpu.dma_semaphore, #tpu.memory_space<semaphore_mem>>)
      %dma_wait3A_105 = arith.constant 0 : i32
      %dma_wait3A_106 = tpu.memref_slice %arg8[%arg0, %mul3A_94, %dma_wait3A_105] : memref<2x10000x64xf32, #tpu.memory_space<hbm>> -> memref<1x624x64xf32, #tpu.memory_space<hbm>>
      %dma_wait3A_107 = tpu.memref_squeeze %dma_wait3A_106 : memref<1x624x64xf32, #tpu.memory_space<hbm>> -> memref<624x64xf32, #tpu.memory_space<hbm>>
      %dma_wait3A_108 = arith.constant 0 : i32
      %dma_wait3A_109 = tpu.memref_slice %arg24[%mul3A_92, %dma_wait3A_108] : memref<10000x64xf32, #tpu.memory_space<vmem_shared>> -> memref<624x64xf32, #tpu.memory_space<vmem_shared>>
      tpu.wait_dma2 semaphore(%run_scoped3A : memref<!tpu.dma_semaphore, #tpu.memory_space<semaphore_mem>>) src(%dma_wait3A_109 : memref<624x64xf32, #tpu.memory_space<vmem_shared>>) dst(%dma_wait3A_107 : memref<624x64xf32, #tpu.memory_space<hbm>>)
      tpu.yield
    }) : () -> ()
    %eq3A_95 = arith.constant 15 : i32
    %eq3A_96 = arith.cmpi eq, %arg1, %eq3A_95 : i32
    %convert_element_type3A_97 = arith.extui %eq3A_96 : i1 to i32
    %cond3A_98 = arith.constant 0 : i32
    %cond3A_99 = arith.cmpi ne, %convert_element_type3A_97, %cond3A_98 : i32
    scf.if %cond3A_99 {
      "tpu.region"() ({
        %run_scoped3A = tpu.sem_alloc : memref<!tpu.dma_semaphore, #tpu.memory_space<semaphore_mem>>
        %dma_start3A_100 = arith.constant 9984 : i32
        %dma_start3A_101 = arith.constant 0 : i32
        %dma_start3A_102 = tpu.memref_slice %arg8[%arg0, %dma_start3A_100, %dma_start3A_101] : memref<2x10000x64xf32, #tpu.memory_space<hbm>> -> memref<1x16x64xf32, #tpu.memory_space<hbm>>
        %dma_start3A_103 = tpu.memref_squeeze %dma_start3A_102 : memref<1x16x64xf32, #tpu.memory_space<hbm>> -> memref<16x64xf32, #tpu.memory_space<hbm>>
        %dma_start3A_104 = arith.constant 9984 : i32
        %dma_start3A_105 = arith.constant 0 : i32
        %dma_start3A_106 = tpu.memref_slice %arg24[%dma_start3A_104, %dma_start3A_105] : memref<10000x64xf32, #tpu.memory_space<vmem_shared>> -> memref<16x64xf32, #tpu.memory_space<vmem_shared>>
        tpu.enqueue_dma source(%dma_start3A_106 : memref<16x64xf32, #tpu.memory_space<vmem_shared>>) target(%dma_start3A_103 : memref<16x64xf32, #tpu.memory_space<hbm>>) target_semaphore(%run_scoped3A : memref<!tpu.dma_semaphore, #tpu.memory_space<semaphore_mem>>)
        %dma_wait3A_107 = arith.constant 9984 : i32
        %dma_wait3A_108 = arith.constant 0 : i32
        %dma_wait3A_109 = tpu.memref_slice %arg8[%arg0, %dma_wait3A_107, %dma_wait3A_108] : memref<2x10000x64xf32, #tpu.memory_space<hbm>> -> memref<1x16x64xf32, #tpu.memory_space<hbm>>
        %dma_wait3A_110 = tpu.memref_squeeze %dma_wait3A_109 : memref<1x16x64xf32, #tpu.memory_space<hbm>> -> memref<16x64xf32, #tpu.memory_space<hbm>>
        %dma_wait3A_111 = arith.constant 9984 : i32
        %dma_wait3A_112 = arith.constant 0 : i32
        %dma_wait3A_113 = tpu.memref_slice %arg24[%dma_wait3A_111, %dma_wait3A_112] : memref<10000x64xf32, #tpu.memory_space<vmem_shared>> -> memref<16x64xf32, #tpu.memory_space<vmem_shared>>
        tpu.wait_dma2 semaphore(%run_scoped3A : memref<!tpu.dma_semaphore, #tpu.memory_space<semaphore_mem>>) src(%dma_wait3A_113 : memref<16x64xf32, #tpu.memory_space<vmem_shared>>) dst(%dma_wait3A_110 : memref<16x64xf32, #tpu.memory_space<hbm>>)
        tpu.yield
      }) : () -> ()
    } else {
    }
    return
  }
}

module attributes {stable_mosaic.version = 14 : i64} {
  func.func @body(%arg0: i32, %arg1: memref<8000x128xf32, #tpu.memory_space<vmem>>, %arg2: memref<128x128xf32, #tpu.memory_space<vmem>>, %arg3: memref<1x128xf32, #tpu.memory_space<vmem>>, %arg4: memref<2x8000x64xf32, #tpu.memory_space<vmem>>) attributes {dimension_semantics = [#tpu.dimension_semantics<arbitrary>], iteration_bounds = array<i64: 40>, scalar_prefetch = 0 : i64, scratch_operands = 0 : i64, tpu.core_type = #tpu.core_type<tc>, window_params = [{transform_indices = @transform_0, window_bounds = array<i64: 8000, 128>}, {pipeline_mode = #tpu.pipeline_mode<synchronous>, transform_indices = @transform_1, window_bounds = array<i64: 128, 128>}, {pipeline_mode = #tpu.pipeline_mode<synchronous>, transform_indices = @transform_2, window_bounds = array<i64: 1, 128>}, {transform_indices = @transform_3, window_bounds = array<i64: 2, 8000, 64>}]} {
    %get3A = arith.constant 0 : index
    %get3A_0 = arith.constant 0 : index
    %get3A_1 = vector.load %arg1[%get3A, %get3A_0] : memref<8000x128xf32, #tpu.memory_space<vmem>>, vector<8000x128xf32>
    %get3A_2 = arith.constant 0 : index
    %get3A_3 = arith.constant 0 : index
    %get3A_4 = vector.load %arg2[%get3A_2, %get3A_3] : memref<128x128xf32, #tpu.memory_space<vmem>>, vector<128x128xf32>
    %dot_general3A = arith.constant dense<0.000000e+00> : vector<8000x128xf32>
    %dot_general3A_5 = tpu.matmul %get3A_1, %get3A_4, %dot_general3A {dimension_numbers = #tpu.dot_dimension_numbers<[1], [0], [0], [1], [0, 0, 1, 1], [], []>, transpose_lhs_hint = false} : vector<8000x128xf32>, vector<128x128xf32>, vector<8000x128xf32> -> vector<8000x128xf32>
    %get3A_6 = arith.constant 0 : index
    %get3A_7 = arith.constant 0 : index
    %get3A_8 = vector.load %arg3[%get3A_6, %get3A_7] : memref<1x128xf32, #tpu.memory_space<vmem>>, vector<1x128xf32>
    %add3A = vector.broadcast %get3A_8 : vector<1x128xf32> to vector<8000x128xf32>
    %add3A_9 = arith.addf %dot_general3A_5, %add3A : vector<8000x128xf32>
    %slice3A = vector.extract_strided_slice %add3A_9 {offsets = [0, 0], sizes = [8000, 64], strides = [1, 1]} : vector<8000x128xf32> to vector<8000x64xf32>
    %swap3A = arith.constant 0 : index
    %swap3A_10 = arith.constant 0 : index
    %swap3A_11 = arith.constant 0 : index
    %swap3A_12 = vector.load %arg4[%swap3A, %swap3A_10, %swap3A_11] : memref<2x8000x64xf32, #tpu.memory_space<vmem>>, vector<1x8000x64xf32>
    %swap3A_13 = vector.shape_cast %swap3A_12 : vector<1x8000x64xf32> to vector<8000x64xf32>
    %swap3A_14 = vector.shape_cast %slice3A : vector<8000x64xf32> to vector<1x8000x64xf32>
    tpu.vector_store %arg4[%swap3A, %swap3A_10, %swap3A_11], %swap3A_14 {strides = array<i32>} : memref<2x8000x64xf32, #tpu.memory_space<vmem>>, vector<1x8000x64xf32>,
    %slice3A_15 = vector.extract_strided_slice %add3A_9 {offsets = [0, 64], sizes = [8000, 64], strides = [1, 1]} : vector<8000x128xf32> to vector<8000x64xf32>
    %swap3A_16 = arith.constant 1 : index
    %swap3A_17 = arith.constant 0 : index
    %swap3A_18 = arith.constant 0 : index
    %swap3A_19 = vector.load %arg4[%swap3A_16, %swap3A_17, %swap3A_18] : memref<2x8000x64xf32, #tpu.memory_space<vmem>>, vector<1x8000x64xf32>
    %swap3A_20 = vector.shape_cast %swap3A_19 : vector<1x8000x64xf32> to vector<8000x64xf32>
    %swap3A_21 = vector.shape_cast %slice3A_15 : vector<8000x64xf32> to vector<1x8000x64xf32>
    tpu.vector_store %arg4[%swap3A_16, %swap3A_17, %swap3A_18], %swap3A_21 {strides = array<i32>} : memref<2x8000x64xf32, #tpu.memory_space<vmem>>, vector<1x8000x64xf32>,
    return
  }
  func.func @transform_0(%arg0: i32) -> (i32, i32) {
    %c0_i32 = arith.constant 0 : i32
    %c0_i32_0 = arith.constant 0 : i32
    return %arg0, %c0_i32 : i32, i32
  }
  func.func @transform_1(%arg0: i32) -> (i32, i32) {
    %c0_i32 = arith.constant 0 : i32
    %c0_i32_0 = arith.constant 0 : i32
    %c0_i32_1 = arith.constant 0 : i32
    return %c0_i32, %c0_i32_0 : i32, i32
  }
  func.func @transform_2(%arg0: i32) -> (i32, i32) {
    %c0_i32 = arith.constant 0 : i32
    %c0_i32_0 = arith.constant 0 : i32
    %c0_i32_1 = arith.constant 0 : i32
    return %c0_i32, %c0_i32_0 : i32, i32
  }
  func.func @transform_3(%arg0: i32) -> (i32, i32, i32) {
    %c0_i32 = arith.constant 0 : i32
    %c0_i32_0 = arith.constant 0 : i32
    %c0_i32_1 = arith.constant 0 : i32
    return %c0_i32, %arg0, %c0_i32_0 : i32, i32, i32
  }
}

module attributes {stable_mosaic.version = 14 : i64} {
  func.func @body(%arg0: i32, %arg1: memref<10000x128xf32, #tpu.memory_space<vmem>>, %arg2: memref<128x128xf32, #tpu.memory_space<vmem>>, %arg3: memref<1x128xf32, #tpu.memory_space<vmem>>, %arg4: memref<128x128xf32, #tpu.memory_space<vmem>>, %arg5: memref<1x128xf32, #tpu.memory_space<vmem>>, %arg6: memref<32x2x10000xf32, #tpu.memory_space<vmem>>, %arg7: memref<2x10000x128xf32, #tpu.memory_space<vmem>>, %arg8: memref<2x10000x64xf32, #tpu.memory_space<vmem>>) attributes {dimension_semantics = [#tpu.dimension_semantics<arbitrary>], iteration_bounds = array<i64: 1>, scalar_prefetch = 0 : i64, scratch_operands = 0 : i64, tpu.core_type = #tpu.core_type<tc>, window_params = [{transform_indices = @transform_0, window_bounds = array<i64: 10000, 128>}, {pipeline_mode = #tpu.pipeline_mode<synchronous>, transform_indices = @transform_1, window_bounds = array<i64: 128, 128>}, {pipeline_mode = #tpu.pipeline_mode<synchronous>, transform_indices = @transform_2, window_bounds = array<i64: 1, 128>}, {pipeline_mode = #tpu.pipeline_mode<synchronous>, transform_indices = @transform_3, window_bounds = array<i64: 128, 128>}, {pipeline_mode = #tpu.pipeline_mode<synchronous>, transform_indices = @transform_4, window_bounds = array<i64: 1, 128>}, {pipeline_mode = #tpu.pipeline_mode<synchronous>, transform_indices = @transform_5, window_bounds = array<i64: 32, 2, 10000>}, {transform_indices = @transform_6, window_bounds = array<i64: 2, 10000, 128>}, {transform_indices = @transform_7, window_bounds = array<i64: 2, 10000, 64>}]} {
    %get3A = arith.constant 0 : index
    %get3A_0 = arith.constant 0 : index
    %get3A_1 = vector.load %arg1[%get3A, %get3A_0] : memref<10000x128xf32, #tpu.memory_space<vmem>>, vector<10000x128xf32>
    %get3A_2 = arith.constant 0 : index
    %get3A_3 = arith.constant 0 : index
    %get3A_4 = vector.load %arg2[%get3A_2, %get3A_3] : memref<128x128xf32, #tpu.memory_space<vmem>>, vector<128x128xf32>
    %dot_general3A = arith.constant dense<0.000000e+00> : vector<10000x128xf32>
    %dot_general3A_5 = tpu.matmul %get3A_1, %get3A_4, %dot_general3A {dimension_numbers = #tpu.dot_dimension_numbers<[1], [0], [0], [1], [0, 0, 1, 1], [], []>, transpose_lhs_hint = false} : vector<10000x128xf32>, vector<128x128xf32>, vector<10000x128xf32> -> vector<10000x128xf32>
    %get3A_6 = arith.constant 0 : index
    %get3A_7 = arith.constant 0 : index
    %get3A_8 = vector.load %arg3[%get3A_6, %get3A_7] : memref<1x128xf32, #tpu.memory_space<vmem>>, vector<1x128xf32>
    %add3A = vector.broadcast %get3A_8 : vector<1x128xf32> to vector<10000x128xf32>
    %add3A_9 = arith.addf %dot_general3A_5, %add3A : vector<10000x128xf32>
    %get3A_10 = arith.constant 0 : index
    %get3A_11 = arith.constant 0 : index
    %get3A_12 = arith.constant 0 : index
    %get3A_13 = vector.load %arg6[%get3A_10, %get3A_11, %get3A_12] : memref<32x2x10000xf32, #tpu.memory_space<vmem>>, vector<32x1x10000xf32>
    %get3A_14 = vector.shape_cast %get3A_13 : vector<32x1x10000xf32> to vector<32x10000xf32>
    %reduce_sum3A = arith.constant dense<0.000000e+00> : vector<10000xf32>
    %reduce_sum3A_15 = vector.multi_reduction <add>, %get3A_14, %reduce_sum3A [0] : vector<32x10000xf32> to vector<10000xf32>
    %max3A = arith.constant 1.000000e+00 : f32
    %max3A_16 = vector.broadcast %max3A : f32 to vector<10000xf32>
    %max3A_17 = arith.maximumf %reduce_sum3A_15, %max3A_16 : vector<10000xf32>
    %rsqrt3A = math.rsqrt %max3A_17 : vector<10000xf32>
    %broadcast_in_dim3A = vector.shape_cast %rsqrt3A : vector<10000xf32> to vector<10000x1xf32>
    %mul3A = vector.broadcast %broadcast_in_dim3A : vector<10000x1xf32> to vector<10000x128xf32>
    %mul3A_18 = arith.mulf %get3A_1, %mul3A : vector<10000x128xf32>
    %slice3A = vector.extract_strided_slice %add3A_9 {offsets = [0, 0], sizes = [10000, 64], strides = [1, 1]} : vector<10000x128xf32> to vector<10000x64xf32>
    %swap3A = arith.constant 0 : index
    %swap3A_19 = arith.constant 0 : index
    %swap3A_20 = arith.constant 0 : index
    %swap3A_21 = vector.load %arg7[%swap3A, %swap3A_19, %swap3A_20] : memref<2x10000x128xf32, #tpu.memory_space<vmem>>, vector<1x10000x64xf32>
    %swap3A_22 = vector.shape_cast %swap3A_21 : vector<1x10000x64xf32> to vector<10000x64xf32>
    %swap3A_23 = vector.shape_cast %slice3A : vector<10000x64xf32> to vector<1x10000x64xf32>
    tpu.vector_store %arg7[%swap3A, %swap3A_19, %swap3A_20], %swap3A_23 {strides = array<i32>} : memref<2x10000x128xf32, #tpu.memory_space<vmem>>, vector<1x10000x64xf32>,
    %slice3A_24 = vector.extract_strided_slice %mul3A_18 {offsets = [0, 0], sizes = [10000, 64], strides = [1, 1]} : vector<10000x128xf32> to vector<10000x64xf32>
    %swap3A_25 = arith.constant 0 : index
    %swap3A_26 = arith.constant 0 : index
    %swap3A_27 = arith.constant 64 : index
    %swap3A_28 = vector.load %arg7[%swap3A_25, %swap3A_26, %swap3A_27] : memref<2x10000x128xf32, #tpu.memory_space<vmem>>, vector<1x10000x64xf32>
    %swap3A_29 = vector.shape_cast %swap3A_28 : vector<1x10000x64xf32> to vector<10000x64xf32>
    %swap3A_30 = vector.shape_cast %slice3A_24 : vector<10000x64xf32> to vector<1x10000x64xf32>
    tpu.vector_store %arg7[%swap3A_25, %swap3A_26, %swap3A_27], %swap3A_30 {strides = array<i32>} : memref<2x10000x128xf32, #tpu.memory_space<vmem>>, vector<1x10000x64xf32>,
    %slice3A_31 = vector.extract_strided_slice %add3A_9 {offsets = [0, 64], sizes = [10000, 64], strides = [1, 1]} : vector<10000x128xf32> to vector<10000x64xf32>
    %swap3A_32 = arith.constant 1 : index
    %swap3A_33 = arith.constant 0 : index
    %swap3A_34 = arith.constant 0 : index
    %swap3A_35 = vector.load %arg7[%swap3A_32, %swap3A_33, %swap3A_34] : memref<2x10000x128xf32, #tpu.memory_space<vmem>>, vector<1x10000x64xf32>
    %swap3A_36 = vector.shape_cast %swap3A_35 : vector<1x10000x64xf32> to vector<10000x64xf32>
    %swap3A_37 = vector.shape_cast %slice3A_31 : vector<10000x64xf32> to vector<1x10000x64xf32>
    tpu.vector_store %arg7[%swap3A_32, %swap3A_33, %swap3A_34], %swap3A_37 {strides = array<i32>} : memref<2x10000x128xf32, #tpu.memory_space<vmem>>, vector<1x10000x64xf32>,
    %slice3A_38 = vector.extract_strided_slice %mul3A_18 {offsets = [0, 64], sizes = [10000, 64], strides = [1, 1]} : vector<10000x128xf32> to vector<10000x64xf32>
    %swap3A_39 = arith.constant 1 : index
    %swap3A_40 = arith.constant 0 : index
    %swap3A_41 = arith.constant 64 : index
    %swap3A_42 = vector.load %arg7[%swap3A_39, %swap3A_40, %swap3A_41] : memref<2x10000x128xf32, #tpu.memory_space<vmem>>, vector<1x10000x64xf32>
    %swap3A_43 = vector.shape_cast %swap3A_42 : vector<1x10000x64xf32> to vector<10000x64xf32>
    %swap3A_44 = vector.shape_cast %slice3A_38 : vector<10000x64xf32> to vector<1x10000x64xf32>
    tpu.vector_store %arg7[%swap3A_39, %swap3A_40, %swap3A_41], %swap3A_44 {strides = array<i32>} : memref<2x10000x128xf32, #tpu.memory_space<vmem>>, vector<1x10000x64xf32>,
    %get3A_45 = arith.constant 0 : index
    %get3A_46 = arith.constant 0 : index
    %get3A_47 = vector.load %arg4[%get3A_45, %get3A_46] : memref<128x128xf32, #tpu.memory_space<vmem>>, vector<128x128xf32>
    %dot_general3A_48 = arith.constant dense<0.000000e+00> : vector<10000x128xf32>
    %dot_general3A_49 = tpu.matmul %get3A_1, %get3A_47, %dot_general3A_48 {dimension_numbers = #tpu.dot_dimension_numbers<[1], [0], [0], [1], [0, 0, 1, 1], [], []>, transpose_lhs_hint = false} : vector<10000x128xf32>, vector<128x128xf32>, vector<10000x128xf32> -> vector<10000x128xf32>
    %get3A_50 = arith.constant 0 : index
    %get3A_51 = arith.constant 0 : index
    %get3A_52 = vector.load %arg5[%get3A_50, %get3A_51] : memref<1x128xf32, #tpu.memory_space<vmem>>, vector<1x128xf32>
    %add3A_53 = vector.broadcast %get3A_52 : vector<1x128xf32> to vector<10000x128xf32>
    %add3A_54 = arith.addf %dot_general3A_49, %add3A_53 : vector<10000x128xf32>
    %slice3A_55 = vector.extract_strided_slice %add3A_54 {offsets = [0, 0], sizes = [10000, 64], strides = [1, 1]} : vector<10000x128xf32> to vector<10000x64xf32>
    %swap3A_56 = arith.constant 0 : index
    %swap3A_57 = arith.constant 0 : index
    %swap3A_58 = arith.constant 0 : index
    %swap3A_59 = vector.load %arg8[%swap3A_56, %swap3A_57, %swap3A_58] : memref<2x10000x64xf32, #tpu.memory_space<vmem>>, vector<1x10000x64xf32>
    %swap3A_60 = vector.shape_cast %swap3A_59 : vector<1x10000x64xf32> to vector<10000x64xf32>
    %swap3A_61 = vector.shape_cast %slice3A_55 : vector<10000x64xf32> to vector<1x10000x64xf32>
    tpu.vector_store %arg8[%swap3A_56, %swap3A_57, %swap3A_58], %swap3A_61 {strides = array<i32>} : memref<2x10000x64xf32, #tpu.memory_space<vmem>>, vector<1x10000x64xf32>,
    %slice3A_62 = vector.extract_strided_slice %add3A_54 {offsets = [0, 64], sizes = [10000, 64], strides = [1, 1]} : vector<10000x128xf32> to vector<10000x64xf32>
    %swap3A_63 = arith.constant 1 : index
    %swap3A_64 = arith.constant 0 : index
    %swap3A_65 = arith.constant 0 : index
    %swap3A_66 = vector.load %arg8[%swap3A_63, %swap3A_64, %swap3A_65] : memref<2x10000x64xf32, #tpu.memory_space<vmem>>, vector<1x10000x64xf32>
    %swap3A_67 = vector.shape_cast %swap3A_66 : vector<1x10000x64xf32> to vector<10000x64xf32>
    %swap3A_68 = vector.shape_cast %slice3A_62 : vector<10000x64xf32> to vector<1x10000x64xf32>
    tpu.vector_store %arg8[%swap3A_63, %swap3A_64, %swap3A_65], %swap3A_68 {strides = array<i32>} : memref<2x10000x64xf32, #tpu.memory_space<vmem>>, vector<1x10000x64xf32>,
    return
  }
  func.func @transform_0(%arg0: i32) -> (i32, i32) {
    %c0_i32 = arith.constant 0 : i32
    %c0_i32_0 = arith.constant 0 : i32
    return %arg0, %c0_i32 : i32, i32
  }
  func.func @transform_1(%arg0: i32) -> (i32, i32) {
    %c0_i32 = arith.constant 0 : i32
    %c0_i32_0 = arith.constant 0 : i32
    %c0_i32_1 = arith.constant 0 : i32
    return %c0_i32, %c0_i32_0 : i32, i32
  }
  func.func @transform_2(%arg0: i32) -> (i32, i32) {
    %c0_i32 = arith.constant 0 : i32
    %c0_i32_0 = arith.constant 0 : i32
    %c0_i32_1 = arith.constant 0 : i32
    return %c0_i32, %c0_i32_0 : i32, i32
  }
  func.func @transform_3(%arg0: i32) -> (i32, i32) {
    %c0_i32 = arith.constant 0 : i32
    %c0_i32_0 = arith.constant 0 : i32
    %c0_i32_1 = arith.constant 0 : i32
    return %c0_i32, %c0_i32_0 : i32, i32
  }
  func.func @transform_4(%arg0: i32) -> (i32, i32) {
    %c0_i32 = arith.constant 0 : i32
    %c0_i32_0 = arith.constant 0 : i32
    %c0_i32_1 = arith.constant 0 : i32
    return %c0_i32, %c0_i32_0 : i32, i32
  }
  func.func @transform_5(%arg0: i32) -> (i32, i32, i32) {
    %c0_i32 = arith.constant 0 : i32
    %c0_i32_0 = arith.constant 0 : i32
    %c0_i32_1 = arith.constant 0 : i32
    %c0_i32_2 = arith.constant 0 : i32
    return %c0_i32, %c0_i32_0, %c0_i32_1 : i32, i32, i32
  }
  func.func @transform_6(%arg0: i32) -> (i32, i32, i32) {
    %c0_i32 = arith.constant 0 : i32
    %c0_i32_0 = arith.constant 0 : i32
    %c0_i32_1 = arith.constant 0 : i32
    return %c0_i32, %arg0, %c0_i32_0 : i32, i32, i32
  }
  func.func @transform_7(%arg0: i32) -> (i32, i32, i32) {
    %c0_i32 = arith.constant 0 : i32
    %c0_i32_0 = arith.constant 0 : i32
    %c0_i32_1 = arith.constant 0 : i32
    return %c0_i32, %arg0, %c0_i32_0 : i32, i32, i32
  }
}

module attributes {stable_mosaic.version = 14 : i64} {
  func.func @body(%arg0: i32, %arg1: memref<10000x128xf32, #tpu.memory_space<vmem>>, %arg2: memref<2x10000x64xf32, #tpu.memory_space<vmem>>, %arg3: memref<32x2x10000xf32, #tpu.memory_space<vmem>>, %arg4: memref<128x128xf32, #tpu.memory_space<vmem>>, %arg5: memref<1x128xf32, #tpu.memory_space<vmem>>, %arg6: memref<10000x128xf32, #tpu.memory_space<vmem>>) attributes {dimension_semantics = [#tpu.dimension_semantics<arbitrary>], iteration_bounds = array<i64: 1>, scalar_prefetch = 0 : i64, scratch_operands = 0 : i64, tpu.core_type = #tpu.core_type<tc>, window_params = [{transform_indices = @transform_0, window_bounds = array<i64: 10000, 128>}, {transform_indices = @transform_1, window_bounds = array<i64: 2, 10000, 64>}, {pipeline_mode = #tpu.pipeline_mode<synchronous>, transform_indices = @transform_2, window_bounds = array<i64: 32, 2, 10000>}, {pipeline_mode = #tpu.pipeline_mode<synchronous>, transform_indices = @transform_3, window_bounds = array<i64: 128, 128>}, {pipeline_mode = #tpu.pipeline_mode<synchronous>, transform_indices = @transform_4, window_bounds = array<i64: 1, 128>}, {transform_indices = @transform_5, window_bounds = array<i64: 10000, 128>}]} {
    %get3A = arith.constant 0 : index
    %get3A_0 = arith.constant 0 : index
    %get3A_1 = arith.constant 0 : index
    %get3A_2 = vector.load %arg2[%get3A, %get3A_0, %get3A_1] : memref<2x10000x64xf32, #tpu.memory_space<vmem>>, vector<1x10000x64xf32>
    %get3A_3 = vector.shape_cast %get3A_2 : vector<1x10000x64xf32> to vector<10000x64xf32>
    %get3A_4 = arith.constant 1 : index
    %get3A_5 = arith.constant 0 : index
    %get3A_6 = arith.constant 0 : index
    %get3A_7 = vector.load %arg2[%get3A_4, %get3A_5, %get3A_6] : memref<2x10000x64xf32, #tpu.memory_space<vmem>>, vector<1x10000x64xf32>
    %get3A_8 = vector.shape_cast %get3A_7 : vector<1x10000x64xf32> to vector<10000x64xf32>
    %concatenate3A = tpu.concatenate %get3A_3, %get3A_8 in 1 : vector<10000x64xf32>, vector<10000x64xf32> -> vector<10000x128xf32>
    %get3A_9 = arith.constant 0 : index
    %get3A_10 = arith.constant 0 : index
    %get3A_11 = vector.load %arg4[%get3A_9, %get3A_10] : memref<128x128xf32, #tpu.memory_space<vmem>>, vector<128x128xf32>
    %dot_general3A = arith.constant dense<0.000000e+00> : vector<10000x128xf32>
    %dot_general3A_12 = tpu.matmul %concatenate3A, %get3A_11, %dot_general3A {dimension_numbers = #tpu.dot_dimension_numbers<[1], [0], [0], [1], [0, 0, 1, 1], [], []>, transpose_lhs_hint = false} : vector<10000x128xf32>, vector<128x128xf32>, vector<10000x128xf32> -> vector<10000x128xf32>
    %get3A_13 = arith.constant 0 : index
    %get3A_14 = arith.constant 1 : index
    %get3A_15 = arith.constant 0 : index
    %get3A_16 = vector.load %arg3[%get3A_13, %get3A_14, %get3A_15] : memref<32x2x10000xf32, #tpu.memory_space<vmem>>, vector<32x1x10000xf32>
    %get3A_17 = vector.shape_cast %get3A_16 : vector<32x1x10000xf32> to vector<32x10000xf32>
    %reduce_sum3A = arith.constant dense<0.000000e+00> : vector<10000xf32>
    %reduce_sum3A_18 = vector.multi_reduction <add>, %get3A_17, %reduce_sum3A [0] : vector<32x10000xf32> to vector<10000xf32>
    %max3A = arith.constant 1.000000e+00 : f32
    %max3A_19 = vector.broadcast %max3A : f32 to vector<10000xf32>
    %max3A_20 = arith.maximumf %reduce_sum3A_18, %max3A_19 : vector<10000xf32>
    %rsqrt3A = math.rsqrt %max3A_20 : vector<10000xf32>
    %get3A_21 = arith.constant 0 : index
    %get3A_22 = arith.constant 0 : index
    %get3A_23 = vector.load %arg1[%get3A_21, %get3A_22] : memref<10000x128xf32, #tpu.memory_space<vmem>>, vector<10000x128xf32>
    %broadcast_in_dim3A = vector.shape_cast %rsqrt3A : vector<10000xf32> to vector<10000x1xf32>
    %mul3A = vector.broadcast %broadcast_in_dim3A : vector<10000x1xf32> to vector<10000x128xf32>
    %mul3A_24 = arith.mulf %dot_general3A_12, %mul3A : vector<10000x128xf32>
    %add3A = arith.addf %get3A_23, %mul3A_24 : vector<10000x128xf32>
    %get3A_25 = arith.constant 0 : index
    %get3A_26 = arith.constant 0 : index
    %get3A_27 = vector.load %arg5[%get3A_25, %get3A_26] : memref<1x128xf32, #tpu.memory_space<vmem>>, vector<1x128xf32>
    %add3A_28 = vector.broadcast %get3A_27 : vector<1x128xf32> to vector<10000x128xf32>
    %add3A_29 = arith.addf %add3A, %add3A_28 : vector<10000x128xf32>
    %swap3A = arith.constant 0 : index
    %swap3A_30 = arith.constant 0 : index
    %swap3A_31 = vector.load %arg6[%swap3A, %swap3A_30] : memref<10000x128xf32, #tpu.memory_space<vmem>>, vector<10000x128xf32>
    tpu.vector_store %arg6[%swap3A, %swap3A_30], %add3A_29 {strides = array<i32>} : memref<10000x128xf32, #tpu.memory_space<vmem>>, vector<10000x128xf32>,
    return
  }
  func.func @transform_0(%arg0: i32) -> (i32, i32) {
    %c0_i32 = arith.constant 0 : i32
    %c0_i32_0 = arith.constant 0 : i32
    return %arg0, %c0_i32 : i32, i32
  }
  func.func @transform_1(%arg0: i32) -> (i32, i32, i32) {
    %c0_i32 = arith.constant 0 : i32
    %c0_i32_0 = arith.constant 0 : i32
    %c0_i32_1 = arith.constant 0 : i32
    return %c0_i32, %arg0, %c0_i32_0 : i32, i32, i32
  }
  func.func @transform_2(%arg0: i32) -> (i32, i32, i32) {
    %c0_i32 = arith.constant 0 : i32
    %c0_i32_0 = arith.constant 0 : i32
    %c0_i32_1 = arith.constant 0 : i32
    %c0_i32_2 = arith.constant 0 : i32
    return %c0_i32, %c0_i32_0, %c0_i32_1 : i32, i32, i32
  }
  func.func @transform_3(%arg0: i32) -> (i32, i32) {
    %c0_i32 = arith.constant 0 : i32
    %c0_i32_0 = arith.constant 0 : i32
    %c0_i32_1 = arith.constant 0 : i32
    return %c0_i32, %c0_i32_0 : i32, i32
  }
  func.func @transform_4(%arg0: i32) -> (i32, i32) {
    %c0_i32 = arith.constant 0 : i32
    %c0_i32_0 = arith.constant 0 : i32
    %c0_i32_1 = arith.constant 0 : i32
    return %c0_i32, %c0_i32_0 : i32, i32
  }
  func.func @transform_5(%arg0: i32) -> (i32, i32) {
    %c0_i32 = arith.constant 0 : i32
    %c0_i32_0 = arith.constant 0 : i32
    return %arg0, %c0_i32 : i32, i32
  }
}

</mosaic_0001>

<sc_bundles>
// kernel: kernel.10.cloned.1.call-start
scs
__scs_entry_jumppad:
0x0: {  	(pc) =	sbr.rel $0x88, $3  }
0x1: {  	(tag) =	ssettag $0x0;
	lr =	simm.s32 $0x1  }
0x2: {  	[smem:$0x3F96] =	sst lr;
	_ =	strace $0xD0000000  }
0x3: {  	_ = 	snop  }
0x4: {  	_ = 	snop  }
0x5: {  	_ = 	snop  }
0x6: {  	_ = 	snop  }
0x7: {  	_ = 	snop  }
__scs_overlays_trampoline_lowered:
0x8: {  	[smem:$0x3FA5] =	sst s0  }
0x9: {  	[smem:$0x3FA6] =	sst s1  }
0xa: {  	[smem:$0x3FA7] =	sst s2  }
0xb: {  	[smem:$0x3FA8] =	sst s3  }
0xc: {  	[smem:$0x3FA9] =	sst s4  }
0xd: {  	[smem:$0x3FAA] =	sst s5  }
0xe: {  	[smem:$0x3FAB] =	sst s6  }
0xf: {  	[smem:$0x3FAC] =	sst s7  }
0x10: {  	[smem:$0x3FAD] =	sst s8  }
0x11: {  	[smem:$0x3FAE] =	sst s9;
	s0 =	simm.s32 @!p0 $0x0  }
0x12: {  	s1 =	sld [smem:$0x3F94];
	s0 =	simm.s32 @p0 $0x1  }
0x13: {  	[smem:$0x3FAF] =	sst s0;
	s0 =	simm.s32 @!p1 $0x0  }
0x14: {  	s2 =	sld [smem:$0x3F93];
	s0 =	simm.s32 @p1 $0x1  }
0x15: {  	[smem:$0x3FB0] =	sst s0;
	s0 =	simm.s32 @!p2 $0x0  }
0x16: {  	s3 =	sld [smem:$0x3FDB];
	s0 =	simm.s32 @p2 $0x1  }
0x17: {  	s4 =	simm.s32 $0x1BF5;
	[smem:$0x3FB2] =	sst s0  }
0x18: {  	s0 =	sld [smem:$0x3F95];
	_ =	swait.ge [sflag:s4], $0x0  }
0x19: {  	s7 =	sld [smem:$0x3F96]  }
0x1a: {  	s8 =	sadd.s32 $0xFFFFE003, lr  }
0x1b: {  	s9 =	sadd.s32 $0xFFFFFEF7, lr;
	s5 =	simm.s32 $0xFFFFFFFF;
	p2 =	slt.u32 s8, $0xFFFFF086  }
0x1c: {  	p1 =	slt.u32 s9, $0xF7A;
	s5 =	simm.s32 @!p2 $0x0  }
0x1d: {  	s5 =	simm.s32 @p1 $0x1;
	p0 =	seq.s32 s7, s2  }
0x1e: {  	s7 =	smul.u32 @!p0 $0xF7A, s2;
	p2 =	seq.s32 @!p0 s5, $0x0  }
0x1f: {  	s9 =	smul.u32 $0xF7A, s1;
	s8 =	simm.s32 @!p0 $0x1BF5;
	p2 =	por !p2, p0  }
0x20: {  	[sflag:s8] =	ssyncset.s32 @!p0 $0xFFFFF086;
	s6 =	sadd.s32 @!p0 s3, s7;
	s7 =	simm.s32 @!p0 $0x108  }
0x21: {  	s3 =	sadd.s32 s3, s9;
	s6 =	sadd.s32 @!p0 $0x88, s6;
	s7 =	simm.s32 @p2 $0x1082  }
0x22: {  	[simem:s7], [sflag:s8] =	dma.local @!p0 [hbm:s6], $0xF7A  }
0x23: {  	s9 =	sor.u32 $0xD0000000, s2;
	s6 =	simm.s32 $0x108;
	_ =	swait.ge @!p0 [sflag:s8], $0x0  }
0x24: {  	s3 =	sadd.s32 $0x88, s3;
	s6 =	simm.s32 @!p1 $0x1082;
	[sflag:s4] =	ssyncset.s32 $0xFFFFF086  }
0x25: {  	[simem:s6], [sflag:s4] =	dma.local [hbm:s3], $0xF7A  }
0x26: {  	[smem:$0x3F96] =	sst s1;
	(tag) =	ssettag s2;
	_ =	strace s9  }
0x27: {  	s1 =	sld [smem:$0x3FA6]  }
0x28: {  	s2 =	sld [smem:$0x3FA7]  }
0x29: {  	s4 =	sld [smem:$0x3FA9]  }
0x2a: {  	p0 =	seq.s32 s5, $0x0;
	s5 =	sld [smem:$0x3FAA]  }
0x2b: {  	s6 =	sld [smem:$0x3FAB]  }
0x2c: {  	s7 =	sld [smem:$0x3FAC]  }
0x2d: {  	s3 =	simm.s32 $0x108;
	s8 =	sld [smem:$0x3FAD]  }
0x2e: {  	s3 =	simm.s32 @!p0 $0x1082;
	s9 =	sld [smem:$0x3FAE]  }
0x2f: {  	lr =	sadd.s32 s0, s3;
	s0 =	sld [smem:$0x3FA5]  }
0x30: {  	s3 =	sld [smem:$0x3FA8]  }
0x31: {  	[smem:$0x3FB1] =	sst s10  }
0x32: {  	s10 =	sld [smem:$0x3FAF];
	_ =	sdelay $0x3  }
0x33: {  	p0 =	seq.s32 s10, $0x1;
	s10 =	sld [smem:$0x3FB1];
	_ =	sdelay $0x3  }
0x34: {  	[smem:$0x3FB1] =	sst s10  }
0x35: {  	s10 =	sld [smem:$0x3FB0];
	_ =	sdelay $0x3  }
0x36: {  	p1 =	seq.s32 s10, $0x1;
	s10 =	sld [smem:$0x3FB1];
	_ =	sdelay $0x3  }
0x37: {  	[smem:$0x3FB1] =	sst s10  }
0x38: {  	s10 =	sld [smem:$0x3FB2]  }
0x39: {  	_ = 	snop;
	(pc) =	sbr.ind lr, $3  }
0x3a: {  	_ = 	snop  }
0x3b: {  	_ = 	snop  }
0x3c: {  	p2 =	seq.s32 s10, $0x1;
	s10 =	sld [smem:$0x3FB1]  }
0x3d: {  	_ =	shalt  }
0x3e: {  	_ =	shalt  }
0x3f: {  	_ =	shalt  }
0x40: {  	_ =	shalt  }
0x41: {  	_ =	shalt  }
0x42: {  	_ =	shalt  }
0x43: {  	_ =	shalt  }
0x44: {  	_ =	shalt  }
0x45: {  	_ =	shalt  }
0x46: {  	_ =	shalt  }
0x47: {  	_ =	shalt  }
0x48: {  	_ =	shalt  }
0x49: {  	_ =	shalt  }
0x4a: {  	_ =	shalt  }
0x4b: {  	_ =	shalt  }
0x4c: {  	_ =	shalt  }
0x4d: {  	_ =	shalt  }
0x4e: {  	_ =	shalt  }
0x4f: {  	_ =	shalt  }
0x50: {  	_ =	shalt  }
0x51: {  	_ =	shalt  }
0x52: {  	_ =	shalt  }
0x53: {  	_ =	shalt  }
0x54: {  	_ =	shalt  }
0x55: {  	_ =	shalt  }
0x56: {  	_ =	shalt  }
0x57: {  	_ =	shalt  }
0x58: {  	_ =	shalt  }
0x59: {  	_ =	shalt  }
0x5a: {  	_ =	shalt  }
0x5b: {  	_ =	shalt  }
0x5c: {  	_ =	shalt  }
0x5d: {  	_ =	shalt  }
0x5e: {  	_ =	shalt  }
0x5f: {  	_ =	shalt  }
0x60: {  	_ =	shalt  }
0x61: {  	_ =	shalt  }
0x62: {  	_ =	shalt  }
0x63: {  	_ =	shalt  }
0x64: {  	_ =	shalt  }
0x65: {  	_ =	shalt  }
0x66: {  	_ =	shalt  }
0x67: {  	_ =	shalt  }
0x68: {  	_ =	shalt  }
0x69: {  	_ =	shalt  }
0x6a: {  	_ =	shalt  }
0x6b: {  	_ =	shalt  }
0x6c: {  	_ =	shalt  }
0x6d: {  	_ =	shalt  }
0x6e: {  	_ =	shalt  }
0x6f: {  	_ =	shalt  }
0x70: {  	_ =	shalt  }
0x71: {  	_ =	shalt  }
0x72: {  	_ =	shalt  }
0x73: {  	_ =	shalt  }
0x74: {  	_ =	shalt  }
0x75: {  	_ =	shalt  }
0x76: {  	_ =	shalt  }
0x77: {  	_ =	shalt  }
0x78: {  	_ =	shalt  }
0x79: {  	_ =	shalt  }
0x7a: {  	_ =	shalt  }
0x7b: {  	_ =	shalt  }
0x7c: {  	_ =	shalt  }
0x7d: {  	_ =	shalt  }
0x7e: {  	_ =	shalt  }
0x7f: {  	_ =	shalt  }
0x80: {  	_ =	shalt  }
0x81: {  	_ =	shalt  }
0x82: {  	_ =	shalt  }
0x83: {  	_ =	shalt  }
0x84: {  	_ =	shalt  }
0x85: {  	_ =	shalt  }
0x86: {  	_ =	shalt  }
0x87: {  	_ =	shalt  }
.Lfunc_end0:
.L_simem_size_0:
called_computation.1_lowered:
.L_overlay_start_0:
0x88: {  	s2 =	sld [smem:$0x3FD9]  }
0x89: {  	s3 =	sld [smem:$0x3FFE];
	_ =	sdelay $0x1  }
0x8a: {  	s1 =	srdreg.scid  }
0x8b: {  	s0 =	sand.u32 $0x1, s1  }
0x8c: {  	s14 =	sshll.u32 s0, $0xA;
	s2 =	sadd.s32 s3, s2  }
0x8d: {  	s2 =	sadd.s32 s2, s14  }
0x8e: {  	[smem:$0x3FBD] =	sst s2  }
0x8f: {  	_ = 	snop  }
0x90: {  	s2 =	sld [smem:$0x3FD0];
	_ =	sdelay $0x2  }
0x91: {  	s15 =	simm.s32 $0xA;
	s4 =	simm.s32 $0x10  }
0x92: {  	[smem:s4], [sflag:s15] =	dma.local [hbm:s2], $0x1  }
0x93: {  	_ =	swait.eq [sflag:s15], $0x1  }
0x94: {  	[sflag:s15] =	ssyncset.done $0x0  }
0x95: {  	s16 =	sld [smem:$0x10];
	[sflag:s15] =	ssyncadd.s32 $0xFFFFFFFF  }
0x96: {  	s17 =	sld [smem:$0x11];
	(tm) =	ssettm $0x1  }
0x97: {  	s18 =	sld [smem:$0x3FFB];
	_ =	sdelay $0x3  }
0x98: {  	_ =	strace s18  }
0x99: {  	s4 =	sld [smem:$0x3FFC];
	_ =	sdelay $0x3  }
0x9a: {  	_ =	strace s4  }
0x9b: {  	s4 =	sld [smem:$0x3FFD];
	_ =	sdelay $0x3  }
0x9c: {  	_ =	strace s4  }
0x9d: {  	_ =	strace $0x8FFFFFFF  }
0x9e: {  	s19 =	sld [smem:$0x3FDB];
	_ =	sdelay $0x1  }
0x9f: {  	s5 =	simm.s32 $_scs_section_size  }
0xa0: {  	s6 =	simm.s32 $_size__tile_overlayer_lowered;
	s7 =	simm.s32 $_tile_overlayer_lowered  }
0xa1: {  	s22 =	simm.s32 $0x1BFF;
	s21 =	sshll.u32 s7, $0x1;
	s4 =	sadd.s32 s5, s19  }
0xa2: {  	s8 =	simm.s32 $0x0;
	s20 =	sshll.u32 s6, $0x1;
	s6 =	sadd.s32 s21, s4  }
0xa3: {  	[timem:s8], [sflag:s22] =	dma.local [hbm:s6], s20  }
0xa4: {  	_ =	swait.ge [sflag:s22], s20  }
0xa5: {  	s5 =	ssub.s32 $0x0, s20;
	[sflag:s22] =	ssyncset.done $0x0  }
0xa6: {  	[sflag:s22] =	ssyncadd.s32 s5;
	_ =	sdelay $0x1  }
0xa7: {  	s23 =	simm.s32 $0x1B8B  }
0xa8: {  	_ =	swait.ge [sflag:s23], $0x1  }
0xa9: {  	[sflag:s23] =	ssyncset.done $0x0  }
0xaa: {  	s25 =	simm.s32 $0x1B8E;
	s24 =	sld [smem:$0x3FFE];
	[sflag:s23] =	ssyncadd.s32 $0xFFFFFFFF  }
0xab: {  	s26 =	simm.s32 $execute0_lowered;
	[smem:$0x3FD2] =	sst s25  }
0xac: {  	s6 =	sshll.u32 s26, $0x1;
	_ =	strace $0x80000049;
	[dreg:$0x1] =	wrdreg $0xFFFFFFFF  }
0xad: {  	s28 =	simm.s32 $_size_execute0_lowered;
	s4 =	sadd.s32 s4, s6;
	[dreg:$0x0] =	wrdreg $0x0  }
0xae: {  	s6 =	sshll.u32 s28, $0x1;
	[dreg:$0x2] =	wrdreg s4  }
0xaf: {  	[dreg:$0x3] =	wrdreg s6  }
0xb0: {  	[dreg:$0x4] =	wrdreg $0xC0  }
0xb1: {  	_ =	task [dreg:s8], $0x5FFFF  }
0xb2: {  	[dreg:$0x1] =	wrdreg $0xFFFFFFFF  }
0xb3: {  	[dreg:$0x0] =	wrdreg $0x60  }
0xb4: {  	[dreg:$0x2] =	wrdreg s24  }
0xb5: {  	[dreg:$0x3] =	wrdreg s16  }
0xb6: {  	[dreg:$0x4] =	wrdreg s17  }
0xb7: {  	[dreg:$0x5] =	wrdreg $0x125400  }
0xb8: {  	[dreg:$0x6] =	wrdreg $0x9  }
0xb9: {  	_ =	task.clear_ibuf [dreg:s8], $0x7FFFF;
	_ =	strace $0x90000049  }
0xba: {  	s29 =	simm.s32 $0x9;
	_ =	strace $0x8000004B  }
0xbb: {  	_ =	swait.ge [sflag:s29], $0x1  }
0xbc: {  	[sflag:s29] =	ssyncadd.s32 $0xFFFFFFFF  }
0xbd: {  	_ =	strace $0x9000004B  }
0xbe: {  	_ =	sfence  }
0xbf: {  	s30 =	sld [smem:$0x0];
	_ =	sdelay $0x2  }
0xc0: {  	s31 =	sshll.u32 s1, $0xD;
	s1 =	sshrl.u32 s1, $0x2  }
0xc1: {  	s3 =	sand.u32 $0x4000, s31;
	s1 =	sadd.s32 s1, s30  }
0xc2: {  	s0 =	sor.u32 s3, s0;
	s1 =	sshll.u32 s1, $0x11  }
0xc3: {  	s0 =	sor.u32 s1, s0  }
0xc4: {  	s0 =	sadd.s32 $0x8F2B, s0  }
0xc5: {  	[sflag:s0] =	ssyncadd.remote.s32 $0x1  }
0xc6: {  	_ =	sfence.sel $0xFFFF  }
0xc7: {  	[dreg:$0x0] =	wrdreg $0xFFFFFFFF;
	(pc) =	sbr.abs _section_cstart, $3  }
0xc8: {  	[dreg:$0x1] =	wrdreg $0xFFFFFFFF  }
0xc9: {  	_ =	task.clear_ibuf [dreg:s8], $0x2FFFF;
	_ =	strace $0x9FFFFFFF  }
0xca: {  	(tm) =	ssettm $0x7FFFFFFF  }
0xcb: {  	_ =	shalt  }
tec
execute0_lowered:
.L_overlay_start_1:
0x0: {  	(tag) =	ssettag $0x1  }
0x1: {  	s0 =	rddreg [dreg:$0x0]  }
0x2: {  	s1 =	rddreg [dreg:$0x1]  }
0x3: {  	s28 =	rddreg [dreg:$0x2];
	s11 =	stileid.u32  }
0x4: {  	s17 =	rddreg [dreg:$0x3];
	s10 =	simm.s32 $0x0;
	s4 =	smul.u32 $0x9C00, s11  }
0x5: {  	s2 =	srdreg.scid;
	s29 =	simm.s32 $0x50;
	s5 =	smul.u32 $0x27000, s11  }
0x6: {  	s31 =	simm.s32 $0x8;
	[smem:$0x7FF] =	sst s10;
	s8 =	smul.u32 $0x4E20, s11  }
0x7: {  	s12 =	sadd.s32 $0xBE00, s0;
	s13 =	sadd.s32 $0x2000, s0;
	s9 =	smul.u32 $0x9C4, s11  }
0x8: {  	s2 =	sand.u32 $0x1, s2;
	s14 =	sadd.s32 $0x9D9C00, s0;
	s22 =	smul.u32 $0x138800, s11  }
0x9: {  	s19 =	smul.u32 $0xFA, s11;
	_ =	strace $0x8000004A;
	[dreg:$0x6] =	wrdreg s12  }
0xa: {  	s18 =	sadd.s32 $0x9C000, s17;
	s3 =	smul.u32 $0x27100, s2;
	[dreg:$0x7] =	wrdreg s13  }
0xb: {  	p0 =	sne.s32 s11, $0xF;
	s20 =	smul.u32 $0x9C400, s2;
	[dreg:$0x8] =	wrdreg s14  }
0xc: {  	s6 =	ssub.s32 $0x2, s2;
	s21 =	smul.u32 $0x1388000, s2;
	[dreg:$0xd] =	wrdreg s18  }
0xd: {  	s2 =	sshll.u32 s2, $0x6;
	s7 =	sshrl.u32 s6, $0x1;
	[dreg:$0xe] =	wrdreg s19  }
0xe: {  	s5 =	sshrl.u32 s5, $0x2;
	s12 =	sadd.s32 s12, s9;
	[dreg:$0x14] =	wrdreg s2  }
0xf: {  	s15 =	sadd.s32 s4, s17;
	s9 =	sadd.s32 s13, s9;
	[dreg:$0xf] =	wrdreg s12  }
0x10: {  	s3 =	sadd.s32 s3, s0;
	s0 =	sadd.s32 $0x77A00, s0;
	[dreg:$0x10] =	wrdreg s9  }
0x11: {  	s6 =	ssub.s32 s6, s7;
	s5 =	sadd.s32 s5, s17;
	[dreg:$0xb] =	wrdreg s21  }
0x12: {  	s23 =	sshrl.u32 s20, $0x3;
	[dreg:$0x9] =	wrdreg s15;
	s16 =	sadd.s32 $0x3400, s5  }
0x13: {  	s4 =	sadd.s32 s4, s20;
	s5 =	sadd.s32 $0x6800, s5;
	[dreg:$0xa] =	wrdreg s16  }
0x14: {  	s12 =	simm.s32 $0x1;
	s3 =	sadd.s32 $0x29800, s3;
	[dreg:$0xc] =	wrdreg s5  }
0x15: {  	s1 =	sadd.s32 s1, s23;
	s25 =	sshrl.u32 s4, $0x3;
	[dreg:$0x11] =	wrdreg s3  }
0x16: {  	s30 =	smax.u32 s6, $0x1;
	s5 =	sadd.s32 s22, s21;
	[dreg:$0x12] =	wrdreg s1  }
0x17: {  	s3 =	sadd.s32 s0, s23;
	s0 =	sadd.s32 s0, s25;
	[dreg:$0x17] =	wrdreg s30  }
0x18: {  	s24 =	sshrl.u32 s5, $0x3;
	[dreg:$0x15] =	wrdreg s0;
	s26 =	sadd.s32 $0x13800, s3  }
0x19: {  	s3 =	simm.s32 $0x9;
	s1 =	sadd.s32 s14, s24;
	[dreg:$0x16] =	wrdreg s26  }
0x1a: {  	v0 =	vimm.f32 $0.0e+00;
	s5 =	simm.s32 $0xF0;
	s24 =	simm.s32 $0x2;
	[dreg:$0x13] =	wrdreg s1  }
.LBB2_1:
0x1b: {  	[dreg:$0x5] =	wrdreg s10;
	s1 =	simm.s32 $0x100;
	s0 =	simm.s32 $0x0  }
.LBB2_2:
0x1c: {  	p1 =	sne.s32 s1, $0xCF00;
	[tilespmem:s0+$0xF170] =	vst v0;
	s2 =	smov.u32 s1;
	s1 =	sadd.s32 $0x100, s1  }
.Ltmp0:
0x1d: {  	[tilespmem:s0+$0xF160] =	vst v0;
	(pc) =	sbr.rel @p1 .LBB2_2-.Ltmp0, $3  }
0x1e: {  	[tilespmem:s0+$0xF140] =	vst v0  }
0x1f: {  	[tilespmem:s0+$0xF150] =	vst v0;
	_ =	sdelay $0x1  }
0x20: {  	s0 =	sshra.s32 s2, $0x2  }
0x21: {  	[tilespmem:s0+$0xF170] =	vst v0  }
0x22: {  	[tilespmem:s0+$0xF160] =	vst v0  }
0x23: {  	[tilespmem:s0+$0xF140] =	vst v0  }
0x24: {  	[tilespmem:s0+$0xF150] =	vst v0;
	s1 =	simm.s32 $0xF140  }
0x25: {  	[spmem:s15] =	stream.linear.scatter [tilespmem:s1], [sflag:$0x9], $0x3400, $0x38;
	[tilespmem:$0x1C180] =	vst v63  }
0x26: {  	_ =	swait.ge [sflag:s3], $0x3400  }
0x27: {  	[sflag:s3] =	ssyncset.done $0x0  }
0x28: {  	s14 =	rddreg [dreg:$0xa];
	[sflag:s3] =	ssyncadd.s32 $0xFFFFCC00  }
0x29: {  	[spmem:s14] =	stream.linear.scatter [tilespmem:s1], [sflag:$0x9], $0x3400, $0x38;
	[tilespmem:$0x1C180] =	vst v63  }
0x2a: {  	_ =	swait.ge [sflag:s3], $0x3400  }
0x2b: {  	[sflag:s3] =	ssyncset.done $0x0  }
0x2c: {  	s15 =	rddreg [dreg:$0xc];
	[sflag:s3] =	ssyncadd.s32 $0xFFFFCC00  }
0x2d: {  	[spmem:s15] =	stream.linear.scatter [tilespmem:s1], [sflag:$0x9], $0x3400, $0x38;
	[tilespmem:$0x1C180] =	vst v63  }
0x2e: {  	_ =	swait.ge [sflag:s3], $0x3400  }
0x2f: {  	[sflag:s3] =	ssyncset.done $0x0  }
0x30: {  	s0 =	simm.s32 @!p0 $0xF140;
	[sflag:s3] =	ssyncadd.s32 $0xFFFFCC00  }
0x31: {  	[spmem:s18] =	stream.linear.scatter @!p0 [tilespmem:s0], [sflag:$0x9], $0x400, $0x38;
	[tilespmem:$0x1C180] =	vst v63  }
0x32: {  	s0 =	simm.s32 @!p0 $0x9  }
0x33: {  	_ =	swait.ge @!p0 [sflag:s0], $0x400  }
0x34: {  	[sflag:s0] =	ssyncset.done @!p0 $0x0  }
0x35: {  	[sflag:s0] =	ssyncadd.s32 @!p0 $0xFFFFFC00  }
0x36: {  	[bflag:$0x0] =	sbarrier.arrive $0xFFFF  }
0x37: {  	s16 =	simm.s32 $0x0;
	s18 =	rddreg [dreg:$0xf]  }
0x38: {  	[tilespmem:s16], [sflag:$0x7] =	stream.linear.gather [hbm4b:s18+s16], $0x50, $0x38;
	[tilespmem:$0x1C180] =	vst v63  }
0x39: {  	s20 =	simm.s32 $0xA0;
	s21 =	simm.s32 $0x7;
	s19 =	rddreg [dreg:$0x10]  }
0x3a: {  	[tilespmem:s20], [sflag:$0x7] =	stream.linear.gather [hbm4b:s19+s16], $0x50, $0x38;
	[tilespmem:$0x1C180] =	vst v63  }
0x3b: {  	_ =	swait.ge [sflag:s21], $0x50  }
0x3c: {  	[sflag:s21] =	ssyncset.done $0x0  }
0x3d: {  	[sflag:s21] =	ssyncadd.s32 $0xFFFFFFB0  }
0x3e: {  	_ =	swait.ge [sflag:s21], $0x50  }
0x3f: {  	[sflag:s21] =	ssyncset.done $0x0  }
0x40: {  	s2 =	simm.s32 $0x140;
	s22 =	rddreg [dreg:$0x11];
	[sflag:s21] =	ssyncadd.s32 $0xFFFFFFB0  }
0x41: {  	[tilespmem:s2], [sflag:$0x1] =	stream.indirect.gather [hbm4b:s22+s29], $0x80, s16, s29, $0xb8;
	[tilespmem:$0x1C180] =	vst v63  }
0x42: {  	s25 =	simm.s32 $0x5140;
	s23 =	rddreg [dreg:$0x12]  }
0x43: {  	[tilespmem:s25], [sflag:$0x1] =	stream.indirect.gather [hbm4b:s23+s29], $0x40, s20, s29, $0xb8;
	[tilespmem:$0x1C180] =	vst v63  }
0x44: {  	s30 =	simm.s32 $0x7940;
	s3 =	simm.s32 $0x0;
	s26 =	rddreg [dreg:$0x13]  }
0x45: {  	[tilespmem:s30], [sflag:$0x1] =	stream.linear.gather [hbm4b:s26+s16], $0x1400, $0x38;
	[tilespmem:$0x1C180] =	vst v63  }
.LBB2_4:
0x46: {  	p1 =	seq.s32 s3, $0x0  }
0x47: {  	s1 =	simm.s32 @!p1 $0x4  }
0x48: {  	s0 =	sshll.u32 s3, $0x1;
	_ =	swait.ge @!p1 [sflag:s1], $0x1400  }
0x49: {  	s2 =	sor.u32 $0x1, s0;
	[sflag:s1] =	ssyncset.done @!p1 $0x0;
	s4 =	rddreg [dreg:$0xe]  }
0x4a: {  	[sflag:s1] =	ssyncadd.s32 @!p1 $0xFFFFEC00;
	s1 =	simm.s32 @!p1 $0x6;
	s4 =	sadd.s32 s4, s2  }
0x4b: {  	_ =	swait.ge @!p1 [sflag:s1], $0x1400;
	s4 =	smul.u32 $0xA, s4  }
0x4c: {  	s6 =	simm.s32 $0x0;
	[sflag:s1] =	ssyncset.done @!p1 $0x0;
	s11 =	rddreg [dreg:$0x6]  }
0x4d: {  	s13 =	rddreg [dreg:$0x7];
	[sflag:s1] =	ssyncadd.s32 @!p1 $0xFFFFEC00;
	s1 =	sadd.s32 s11, s4  }
0x4e: {  	[tilespmem:s29], [sflag:$0x8] =	stream.linear.gather [hbm4b:s1+s6], $0x50, $0x38;
	[tilespmem:$0x1C180] =	vst v63  }
0x4f: {  	s1 =	sadd.s32 s13, s4  }
0x50: {  	[tilespmem:s5], [sflag:$0x8] =	stream.linear.gather [hbm4b:s1+s6], $0x50, $0x38;
	[tilespmem:$0x1C180] =	vst v63  }
0x51: {  	_ =	swait.ge [sflag:s31], $0x50  }
0x52: {  	[sflag:s31] =	ssyncset.done $0x0  }
0x53: {  	s14 =	smul.u32 $0x50, s2;
	[sflag:s31] =	ssyncadd.s32 $0xFFFFFFB0  }
0x54: {  	_ =	swait.ge [sflag:s31], $0x50  }
0x55: {  	s16 =	simm.s32 $0x2940;
	s25 =	sadd.s32 s8, s14;
	s15 =	rddreg [dreg:$0x11]  }
0x56: {  	s21 =	sshll.u32 s25, $0x6;
	[sflag:s31] =	ssyncset.done $0x0;
	s22 =	rddreg [dreg:$0xb]  }
0x57: {  	s19 =	rddreg [dreg:$0x12];
	[sflag:s31] =	ssyncadd.s32 $0xFFFFFFB0;
	s1 =	sadd.s32 s22, s21  }
0x58: {  	[tilespmem:s16], [sflag:$0x2] =	stream.indirect.gather [hbm4b:s15+s29], $0x80, s29, s29, $0xb8;
	[tilespmem:$0x1C180] =	vst v63  }
0x59: {  	s20 =	simm.s32 $0x6540;
	s23 =	rddreg [dreg:$0x8];
	s1 =	sshrl.u32 s1, $0x3  }
0x5a: {  	[tilespmem:s20], [sflag:$0x2] =	stream.indirect.gather [hbm4b:s19+s29], $0x40, s5, s29, $0xb8;
	[tilespmem:$0x1C180] =	vst v63  }
0x5b: {  	s26 =	simm.s32 $0x8D40;
	s1 =	sadd.s32 s23, s1  }
0x5c: {  	[tilespmem:s26], [sflag:$0x2] =	stream.linear.gather [hbm4b:s1+s6], $0x1400, $0x38;
	[tilespmem:$0x1C180] =	vst v63  }
0x5d: {  	_ =	swait.ge [sflag:s12], $0x2800  }
0x5e: {  	[sflag:s12] =	ssyncset.done $0x0  }
0x5f: {  	[sflag:s12] =	ssyncadd.s32 $0xFFFFD800  }
0x60: {  	_ =	swait.ge [sflag:s12], $0x1400  }
0x61: {  	[sflag:s12] =	ssyncset.done $0x0  }
0x62: {  	[sflag:s12] =	ssyncadd.s32 $0xFFFFEC00  }
0x63: {  	_ =	swait.ge [sflag:s12], $0x1400  }
0x64: {  	[sflag:s12] =	ssyncset.done $0x0  }
0x65: {  	s19 =	simm.s32 $0x180;
	[sflag:s12] =	ssyncadd.s32 $0xFFFFEC00  }
0x66: {  	s4 =	simm.s32 $0x0;
	v1 =	vld [tilespmem:s19+$0xFFFFFFC0]  }
0x67: {  	v2 =	vld [tilespmem:s4+$0x5140];
	_ =	sdelay $0x1  }
0x68: {  	v3 =	vld [tilespmem:s4+$0x7940];
	_ =	sdelay $0x2  }
0x69: {  	v1 =	vadd.f32 v2, v1;
	_ =	sdelay $0x1  }
0x6a: {  	v1 =	vadd.f32 v3, v1;
	_ =	sdelay $0x1  }
0x6b: {  	v2 =	vsub.f32 $0.0e+00, v1;
	_ =	sdelay $0x1  }
0x6c: {  	v2 =	vmul.f32 $1.442695020e+00, v2;
	_ =	sdelay $0x1  }
0x6d: {  	(erf) = vpow2.f32 v2;
	_ =	sdelay $0x1  }
0x6e: {  	s21 =	simm.s32 $0x40  }
0x6f: {  	s9 =	simm.s32 $0x200;
	v3 =	vld [tilespmem:s21+$0x5140]  }
0x70: {  	v2 =	vld [tilespmem:s9+$0xFFFFFFC0];
	_ =	sdelay $0x1  }
0x71: {  	v4 =	vld [tilespmem:s21+$0x7940];
	_ =	sdelay $0x2  }
0x72: {  	v2 =	vadd.f32 v3, v2;
	v3 =	vpop (erf)  }
0x73: {  	v3 =	vadd.f32 $1.000000000e+00, v3  }
0x74: {  	v2 =	vadd.f32 v4, v2  }
0x75: {  	(erf) = vrcp.f32 v3  }
0x76: {  	v4 =	vsub.f32 $0.0e+00, v2;
	_ =	sdelay $0x1  }
0x77: {  	v3 =	vmul.f32 $1.442695020e+00, v4  }
0x78: {  	[tilespmem:s4+$0xA140] =	vst v1  }
0x79: {  	v1 =	vld [tilespmem:s19+$0x0];
	(erf) = vpow2.f32 v3;
	_ =	sdelay $0x1  }
0x7a: {  	s10 =	simm.s32 $0x80  }
0x7b: {  	s13 =	simm.s32 $0x280;
	v4 =	vld [tilespmem:s10+$0x5140]  }
0x7c: {  	v3 =	vld [tilespmem:s13+$0xFFFFFFC0];
	v6 =	vpop (erf)  }
0x7d: {  	v1 =	vmul.f32 v6, v1  }
0x7e: {  	v5 =	vld [tilespmem:s10+$0x7940];
	_ =	sdelay $0x2  }
0x7f: {  	v3 =	vadd.f32 v4, v3;
	[tilespmem:s4+$0xC940] =	vst v1;
	v1 =	vpop (erf)  }
0x80: {  	v4 =	vld [tilespmem:s4+$0x5150];
	v1 =	vadd.f32 $1.000000000e+00, v1  }
0x81: {  	v3 =	vadd.f32 v5, v3;
	v6 =	vld [tilespmem:s19+$0xFFFFFFD0]  }
0x82: {  	(erf) = vrcp.f32 v1  }
0x83: {  	v5 =	vsub.f32 $0.0e+00, v3;
	v1 =	vld [tilespmem:s4+$0x7950];
	_ =	sdelay $0x1  }
0x84: {  	v5 =	vmul.f32 $1.442695020e+00, v5  }
0x85: {  	[tilespmem:s21+$0xA140] =	vst v2;
	v4 =	vadd.f32 v4, v6  }
0x86: {  	v2 =	vld [tilespmem:s9+$0x0];
	(erf) = vpow2.f32 v5  }
0x87: {  	s26 =	simm.s32 $0xC0;
	v1 =	vadd.f32 v1, v4  }
0x88: {  	s1 =	simm.s32 $0x300;
	v6 =	vld [tilespmem:s26+$0x5140]  }
0x89: {  	v4 =	vld [tilespmem:s1+$0xFFFFFFC0];
	v5 =	vsub.f32 $0.0e+00, v1  }
0x8a: {  	v7 =	vpop (erf)  }
0x8b: {  	v5 =	vmul.f32 $1.442695020e+00, v5;
	v2 =	vmul.f32 v7, v2;
	v7 =	vld [tilespmem:s26+$0x7940];
	_ =	sdelay $0x2  }
0x8c: {  	v4 =	vadd.f32 v6, v4;
	(erf) = vpow2.f32 v5  }
0x8d: {  	v5 =	vpop (erf)  }
0x8e: {  	[tilespmem:s21+$0xC940] =	vst v2;
	v2 =	vld [tilespmem:s21+$0x5150];
	v5 =	vadd.f32 $1.000000000e+00, v5;
	v4 =	vadd.f32 v7, v4  }
0x8f: {  	v6 =	vld [tilespmem:s9+$0xFFFFFFD0]  }
0x90: {  	(erf) = vrcp.f32 v5;
	v5 =	vsub.f32 $0.0e+00, v4  }
0x91: {  	v7 =	vld [tilespmem:s21+$0x7950]  }
0x92: {  	v5 =	vmul.f32 $1.442695020e+00, v5;
	_ =	sdelay $0x1  }
0x93: {  	v2 =	vadd.f32 v2, v6;
	(erf) = vpow2.f32 v5  }
0x94: {  	[tilespmem:s10+$0xA140] =	vst v3;
	v6 =	vpop (erf)  }
0x95: {  	s15 =	simm.s32 $0x380;
	v2 =	vadd.f32 v7, v2;
	v3 =	vadd.f32 $1.000000000e+00, v6;
	v5 =	vld [tilespmem:s13+$0x0]  }
0x96: {  	s2 =	simm.s32 $0x100;
	v6 =	vld [tilespmem:s15+$0xFFFFFFC0]  }
0x97: {  	v7 =	vsub.f32 $0.0e+00, v2;
	(erf) = vrcp.f32 v3;
	v3 =	vld [tilespmem:s2+$0x5140];
	_ =	sdelay $0x1  }
0x98: {  	v8 =	vld [tilespmem:s2+$0x7940];
	v7 =	vmul.f32 $1.442695020e+00, v7;
	v9 =	vpop (erf)  }
0x99: {  	[tilespmem:s4+$0xA150] =	vst v1;
	v5 =	vmul.f32 v9, v5  }
0x9a: {  	v1 =	vld [tilespmem:s19+$0x10];
	(erf) = vpow2.f32 v7  }
0x9b: {  	v3 =	vadd.f32 v3, v6;
	[tilespmem:s10+$0xC940] =	vst v5;
	v5 =	vld [tilespmem:s10+$0x5150];
	v6 =	vpop (erf)  }
0x9c: {  	v7 =	vld [tilespmem:s13+$0xFFFFFFD0];
	v6 =	vadd.f32 $1.000000000e+00, v6  }
0x9d: {  	v3 =	vadd.f32 v8, v3  }
0x9e: {  	v8 =	vld [tilespmem:s10+$0x7950];
	(erf) = vrcp.f32 v6  }
0x9f: {  	v10 =	vsub.f32 $0.0e+00, v3  }
0xa0: {  	v9 =	vpop (erf)  }
0xa1: {  	v1 =	vmul.f32 v9, v1;
	v9 =	vmul.f32 $1.442695020e+00, v10;
	v5 =	vadd.f32 v5, v7  }
0xa2: {  	[tilespmem:s26+$0xA140] =	vst v4;
	v6 =	vld [tilespmem:s4+$0x7960]  }
0xa3: {  	v7 =	vpop (erf);
	(erf) = vpow2.f32 v9;
	v4 =	vadd.f32 v8, v5;
	v8 =	vld [tilespmem:s1+$0x0]  }
0xa4: {  	[tilespmem:s4+$0xC950] =	vst v1;
	v1 =	vld [tilespmem:s4+$0x5160];
	v7 =	vadd.f32 $1.000000000e+00, v7  }
0xa5: {  	s16 =	simm.s32 $0x140;
	v5 =	vld [tilespmem:s19+$0xFFFFFFE0]  }
0xa6: {  	s30 =	simm.s32 $0x400;
	v10 =	vld [tilespmem:s16+$0x5140];
	(erf) = vrcp.f32 v7;
	v9 =	vsub.f32 $0.0e+00, v4  }
0xa7: {  	v7 =	vld [tilespmem:s30+$0xFFFFFFC0];
	v12 =	vpop (erf)  }
0xa8: {  	[tilespmem:s21+$0xA150] =	vst v2;
	v9 =	vmul.f32 $1.442695020e+00, v9;
	v2 =	vmul.f32 v12, v8  }
0xa9: {  	v11 =	vld [tilespmem:s16+$0x7940]  }
0xaa: {  	v1 =	vadd.f32 v1, v5;
	(erf) = vpow2.f32 v9  }
0xab: {  	v5 =	vld [tilespmem:s9+$0x10]  }
0xac: {  	v1 =	vadd.f32 v6, v1;
	v6 =	vadd.f32 v10, v7;
	v7 =	vld [tilespmem:s26+$0x5150];
	[tilespmem:s26+$0xC940] =	vst v2;
	v2 =	vpop (erf)  }
0xad: {  	v8 =	vld [tilespmem:s1+$0xFFFFFFD0];
	v2 =	vadd.f32 $1.000000000e+00, v2  }
0xae: {  	v9 =	vsub.f32 $0.0e+00, v1;
	v6 =	vadd.f32 v11, v6  }
0xaf: {  	v11 =	vld [tilespmem:s26+$0x7950];
	v10 =	vpop (erf);
	(erf) = vrcp.f32 v2  }
0xb0: {  	v2 =	vmul.f32 v10, v5;
	v5 =	vmul.f32 $1.442695020e+00, v9;
	v9 =	vsub.f32 $0.0e+00, v6;
	_ =	sdelay $0x1  }
0xb1: {  	v7 =	vadd.f32 v7, v8;
	[tilespmem:s21+$0xC950] =	vst v2;
	v2 =	vmul.f32 $1.442695020e+00, v9  }
0xb2: {  	v8 =	vpop (erf);
	(erf) = vpow2.f32 v5  }
0xb3: {  	v5 =	vld [tilespmem:s21+$0x5160];
	v7 =	vadd.f32 v11, v7;
	(erf) = vpow2.f32 v2;
	v2 =	vadd.f32 $1.000000000e+00, v8  }
0xb4: {  	[tilespmem:s2+$0xA140] =	vst v3;
	v3 =	vld [tilespmem:s9+$0xFFFFFFE0]  }
0xb5: {  	v8 =	vld [tilespmem:s15+$0x0];
	(erf) = vrcp.f32 v2;
	v2 =	vsub.f32 $0.0e+00, v7  }
0xb6: {  	s23 =	simm.s32 $0x480;
	v10 =	vld [tilespmem:s21+$0x7960]  }
0xb7: {  	s22 =	simm.s32 $0x180;
	v9 =	vld [tilespmem:s23+$0xFFFFFFC0];
	v2 =	vmul.f32 $1.442695020e+00, v2  }
0xb8: {  	v11 =	vld [tilespmem:s22+$0x5140]  }
0xb9: {  	v12 =	vpop (erf);
	(erf) = vpow2.f32 v2  }
0xba: {  	v13 =	vld [tilespmem:s22+$0x7940];
	[tilespmem:s10+$0xA150] =	vst v4;
	v3 =	vadd.f32 v5, v3;
	v5 =	vmul.f32 v12, v8  }
0xbb: {  	v4 =	vld [tilespmem:s13+$0x10];
	v2 =	vpop (erf)  }
0xbc: {  	v3 =	vadd.f32 v10, v3;
	v8 =	vld [tilespmem:s2+$0x5150];
	[tilespmem:s2+$0xC940] =	vst v5;
	v2 =	vadd.f32 $1.000000000e+00, v2  }
0xbd: {  	v5 =	vadd.f32 v11, v9;
	v10 =	vld [tilespmem:s15+$0xFFFFFFD0]  }
0xbe: {  	v11 =	vsub.f32 $0.0e+00, v3;
	v9 =	vpop (erf);
	(erf) = vrcp.f32 v2  }
0xbf: {  	v12 =	vld [tilespmem:s2+$0x7950];
	v2 =	vadd.f32 v13, v5;
	v5 =	vadd.f32 $1.000000000e+00, v9;
	v13 =	vpop (erf)  }
0xc0: {  	s18 =	smov.u32 s17;
	s17 =	smov.u32 s28;
	s28 =	simm.s32 $0x1C0;
	v4 =	vmul.f32 v13, v4  }
0xc1: {  	v15 =	vld [tilespmem:s28+$0x5140];
	[tilespmem:s4+$0xA160] =	vst v1;
	v11 =	vmul.f32 $1.442695020e+00, v11;
	v14 =	vsub.f32 $0.0e+00, v2;
	(erf) = vrcp.f32 v5  }
0xc2: {  	v16 =	vld [tilespmem:s28+$0x7940];
	[tilespmem:s10+$0xC950] =	vst v4;
	v4 =	vadd.f32 v8, v10;
	v10 =	vpop (erf)  }
0xc3: {  	[tilespmem:s16+$0xA140] =	vst v6;
	(erf) = vpow2.f32 v11;
	v11 =	vld [tilespmem:s19+$0x20];
	v1 =	vmul.f32 $1.442695020e+00, v14;
	v6 =	vadd.f32 $1.000000000e+00, v10  }
0xc4: {  	v8 =	vld [tilespmem:s10+$0x5160];
	v4 =	vadd.f32 v12, v4  }
0xc5: {  	v10 =	vld [tilespmem:s30+$0x0];
	(erf) = vpow2.f32 v1  }
0xc6: {  	v1 =	vld [tilespmem:s13+$0xFFFFFFE0];
	v14 =	vsub.f32 $0.0e+00, v4  }
0xc7: {  	v9 =	vld [tilespmem:s4+$0x7970];
	(erf) = vrcp.f32 v6;
	v6 =	vpop (erf)  }
0xc8: {  	s5 =	simm.s32 $0x500;
	v13 =	vld [tilespmem:s10+$0x7960];
	v6 =	vmul.f32 v6, v11  }
0xc9: {  	v12 =	vld [tilespmem:s5+$0xFFFFFFC0];
	v11 =	vmul.f32 $1.442695020e+00, v14  }
0xca: {  	v5 =	vld [tilespmem:s4+$0x5170];
	v14 =	vpop (erf);
	[tilespmem:s4+$0xC960] =	vst v6  }
0xcb: {  	[tilespmem:s26+$0xA150] =	vst v7;
	v1 =	vadd.f32 v8, v1;
	v6 =	vmul.f32 v14, v10;
	(erf) = vpow2.f32 v11;
	v8 =	vld [tilespmem:s19+$0xFFFFFFF0]  }
0xcc: {  	v7 =	vpop (erf);
	v10 =	vld [tilespmem:s1+$0x10]  }
0xcd: {  	v11 =	vld [tilespmem:s16+$0x5150];
	v1 =	vadd.f32 v13, v1;
	v7 =	vadd.f32 $1.000000000e+00, v7;
	[tilespmem:s16+$0xC940] =	vst v6  }
0xce: {  	v6 =	vadd.f32 v15, v12;
	v12 =	vpop (erf);
	v13 =	vld [tilespmem:s30+$0xFFFFFFD0]  }
0xcf: {  	v14 =	vsub.f32 $0.0e+00, v1;
	(erf) = vrcp.f32 v7;
	v7 =	vadd.f32 $1.000000000e+00, v12  }
0xd0: {  	v12 =	vadd.f32 v16, v6;
	v6 =	vld [tilespmem:s16+$0x7950];
	v5 =	vadd.f32 v5, v8;
	_ =	sdelay $0x1  }
0xd1: {  	v16 =	vpop (erf);
	v14 =	vmul.f32 $1.442695020e+00, v14;
	(erf) = vrcp.f32 v7;
	v17 =	vadd.f32 v9, v5  }
0xd2: {  	[tilespmem:s21+$0xA160] =	vst v3;
	v7 =	vmul.f32 v16, v10;
	v10 =	vsub.f32 $0.0e+00, v12;
	v3 =	vadd.f32 v11, v13  }
0xd3: {  	[tilespmem:s22+$0xA140] =	vst v2;
	(erf) = vpow2.f32 v14;
	v5 =	vld [tilespmem:s9+$0x20];
	v9 =	vpop (erf);
	v11 =	vsub.f32 $0.0e+00, v17  }
0xd4: {  	[tilespmem:s26+$0xC950] =	vst v7;
	v7 =	vmul.f32 $1.442695020e+00, v10;
	v10 =	vld [tilespmem:s26+$0x5160];
	v2 =	vadd.f32 v6, v3;
	v3 =	vadd.f32 $1.000000000e+00, v9  }
0xd5: {  	v6 =	vld [tilespmem:s23+$0x0]  }
0xd6: {  	(erf) = vpow2.f32 v7;
	v7 =	vld [tilespmem:s1+$0xFFFFFFE0];
	v9 =	vmul.f32 $1.442695020e+00, v11  }
0xd7: {  	s6 =	simm.s32 $0x200  }
0xd8: {  	s7 =	simm.s32 $0x580;
	v14 =	vld [tilespmem:s6+$0x5140];
	(erf) = vrcp.f32 v3;
	v3 =	vpop (erf)  }
0xd9: {  	v11 =	vld [tilespmem:s7+$0xFFFFFFC0];
	v13 =	vsub.f32 $0.0e+00, v2;
	v3 =	vmul.f32 v3, v5  }
0xda: {  	v16 =	vld [tilespmem:s26+$0x7960];
	(erf) = vpow2.f32 v9;
	v9 =	vpop (erf)  }
0xdb: {  	v5 =	vmul.f32 $1.442695020e+00, v13;
	v13 =	vld [tilespmem:s6+$0x7940];
	[tilespmem:s21+$0xC960] =	vst v3;
	v3 =	vmul.f32 v9, v6;
	v6 =	vadd.f32 v10, v7  }
0xdc: {  	v15 =	vld [tilespmem:s21+$0x7970]  }
0xdd: {  	[tilespmem:s2+$0xA150] =	vst v4;
	v8 =	vld [tilespmem:s21+$0x5170];
	v4 =	vpop (erf)  }
0xde: {  	(erf) = vpow2.f32 v5;
	v5 =	vadd.f32 v14, v11;
	v7 =	vld [tilespmem:s9+$0xFFFFFFF0];
	v4 =	vadd.f32 $1.000000000e+00, v4  }
0xdf: {  	v9 =	vld [tilespmem:s15+$0x10];
	[tilespmem:s22+$0xC940] =	vst v3;
	v3 =	vadd.f32 v16, v6;
	v6 =	vpop (erf)  }
0xe0: {  	v10 =	vld [tilespmem:s22+$0x5150];
	(erf) = vrcp.f32 v4;
	v4 =	vadd.f32 v13, v5;
	v13 =	vadd.f32 $1.000000000e+00, v6  }
0xe1: {  	[tilespmem:s28+$0xA140] =	vst v12;
	v11 =	vld [tilespmem:s23+$0xFFFFFFD0];
	v14 =	vsub.f32 $0.0e+00, v3  }
0xe2: {  	v12 =	vld [tilespmem:s5+$0x0]  }
0xe3: {  	v16 =	vld [tilespmem:s22+$0x7950];
	v6 =	vpop (erf);
	v7 =	vadd.f32 v8, v7;
	v14 =	vmul.f32 $1.442695020e+00, v14  }
0xe4: {  	v5 =	vld [tilespmem:s10+$0x7970];
	v18 =	vsub.f32 $0.0e+00, v4;
	v9 =	vmul.f32 v6, v9;
	(erf) = vrcp.f32 v13;
	v13 =	vpop (erf)  }
0xe5: {  	[tilespmem:s10+$0xA160] =	vst v1;
	v6 =	vld [tilespmem:s10+$0x5170];
	v1 =	vadd.f32 v15, v7;
	(erf) = vpow2.f32 v14;
	v7 =	vadd.f32 $1.000000000e+00, v13  }
0xe6: {  	[tilespmem:s2+$0xC950] =	vst v9;
	v9 =	vmul.f32 $1.442695020e+00, v18;
	v11 =	vadd.f32 v10, v11;
	v14 =	vld [tilespmem:s13+$0x20]  }
0xe7: {  	v10 =	vld [tilespmem:s2+$0x5160];
	v13 =	vpop (erf);
	v15 =	vsub.f32 $0.0e+00, v1;
	(erf) = vrcp.f32 v7  }
0xe8: {  	v62 =	vadd.f32 $1.000000000e+00, v13;
	v13 =	vld [tilespmem:s15+$0xFFFFFFE0];
	v7 =	vadd.f32 v16, v11;
	(erf) = vpow2.f32 v9  }
0xe9: {  	s14 =	simm.s32 $0x240;
	v8 =	vld [tilespmem:s2+$0x7960];
	v16 =	vmul.f32 $1.442695020e+00, v15  }
0xea: {  	s11 =	simm.s32 $0x600;
	v63 =	vpop (erf);
	v11 =	vld [tilespmem:s14+$0x5140];
	(erf) = vrcp.f32 v62;
	v15 =	vsub.f32 $0.0e+00, v7  }
0xeb: {  	s20 =	simm.s32 $0xA00;
	[tilespmem:s4+$0xA170] =	vst v17;
	v9 =	vld [tilespmem:s11+$0xFFFFFFC0];
	v14 =	vmul.f32 v63, v14;
	(erf) = vpow2.f32 v16  }
.LBB2_5:
0xec: {  	p1 =	sne.s32 s20, $0x4F00;
	v15 =	vmul.f32 $1.442695020e+00, v15;
	v16 =	vld [tilespmem:s19+$0x30];
	s19 =	smov.u32 s9;
	s9 =	smov.u32 s13  }
0xed: {  	s13 =	smov.u32 s1;
	s1 =	smov.u32 s15;
	s15 =	smov.u32 s30;
	v17 =	vld [tilespmem:s14+$0x7940];
	v18 =	vpop (erf);
	v10 =	vadd.f32 v10, v13;
	[tilespmem:s10+$0xC960] =	vst v14  }
0xee: {  	s30 =	smov.u32 s23;
	s23 =	smov.u32 s5;
	s5 =	smov.u32 s7;
	v18 =	vmul.f32 v18, v12;
	(erf) = vpow2.f32 v15;
	[tilespmem:s16+$0xA150] =	vst v2;
	v13 =	vpop (erf);
	v14 =	vld [tilespmem:s9+$0xFFFFFFF0];
	v2 =	vmov v7  }
0xef: {  	s7 =	smov.u32 s11;
	v7 =	vld [tilespmem:s15+$0x10];
	v10 =	vadd.f32 v8, v10;
	v8 =	vadd.f32 $1.000000000e+00, v13  }
0xf0: {  	v9 =	vadd.f32 v11, v9;
	[tilespmem:s28+$0xC940] =	vst v18;
	v11 =	vld [tilespmem:s28+$0x5150];
	v12 =	vpop (erf)  }
0xf1: {  	v13 =	vpop (erf);
	v15 =	vld [tilespmem:s23+$0xFFFFFFD0];
	v18 =	vsub.f32 $0.0e+00, v10;
	(erf) = vrcp.f32 v8;
	v8 =	vmul.f32 v12, v16  }
0xf2: {  	v9 =	vadd.f32 v17, v9;
	v20 =	vadd.f32 $1.000000000e+00, v13;
	v13 =	vld [tilespmem:s26+$0x7970]  }
0xf3: {  	v16 =	vld [tilespmem:s28+$0x7950];
	v17 =	vpop (erf);
	v18 =	vmul.f32 $1.442695020e+00, v18;
	v14 =	vadd.f32 v6, v14;
	[tilespmem:s4+$0xC970] =	vst v8;
	s4 =	smov.u32 s21;
	s21 =	smov.u32 s10;
	s10 =	smov.u32 s26  }
0xf4: {  	s26 =	smov.u32 s2;
	s2 =	smov.u32 s16;
	s16 =	smov.u32 s22;
	v19 =	vsub.f32 $0.0e+00, v9;
	(erf) = vrcp.f32 v20;
	v7 =	vmul.f32 v17, v7;
	v6 =	vld [tilespmem:s10+$0x5170];
	v12 =	vpop (erf)  }
0xf5: {  	s22 =	smov.u32 s28;
	s28 =	smov.u32 s6;
	s6 =	smov.u32 s14;
	v8 =	vld [tilespmem:s2+$0x7960];
	(erf) = vpow2.f32 v18;
	[tilespmem:s10+$0xA160] =	vst v3;
	v17 =	vadd.f32 v5, v14;
	v20 =	vadd.f32 $1.000000000e+00, v12;
	v3 =	vmovc v10  }
0xf6: {  	v12 =	vmul.f32 $1.442695020e+00, v19;
	v11 =	vadd.f32 v11, v15;
	v14 =	vld [tilespmem:s13+$0x20]  }
.Ltmp1:
0xf7: {  	v15 =	vpop (erf);
	[tilespmem:s2+$0xC950] =	vst v7;
	v10 =	vld [tilespmem:s2+$0x5160];
	v19 =	vsub.f32 $0.0e+00, v17;
	(erf) = vrcp.f32 v20;
	v5 =	vmov v13;
	(pc) =	sbr.rel @p1 .LBB2_5-.Ltmp1, $4  }
0xf8: {  	(erf) = vpow2.f32 v12;
	[tilespmem:s28+$0xA140] =	vst v4;
	v7 =	vadd.f32 v16, v11;
	v11 =	vadd.f32 $1.000000000e+00, v15;
	v13 =	vld [tilespmem:s15+$0xFFFFFFE0];
	v4 =	vmovc v9  }
0xf9: {  	s11 =	sadd.s32 $0x80, s11;
	v12 =	vld [tilespmem:s5+$0x0];
	v16 =	vmul.f32 $1.442695020e+00, v19  }
0xfa: {  	s14 =	sshra.s32 s20, $0x2;
	v9 =	vld [tilespmem:s11+$0xFFFFFFC0];
	v15 =	vsub.f32 $0.0e+00, v7;
	(erf) = vrcp.f32 v11;
	v18 =	vpop (erf)  }
0xfb: {  	s20 =	sadd.s32 $0x100, s20;
	v11 =	vld [tilespmem:s14+$0x5140];
	v14 =	vmul.f32 v18, v14;
	(erf) = vpow2.f32 v16;
	[tilespmem:s4+$0xA170] =	vst v1;
	v1 =	vmov v17  }
0xfc: {  	_ = 	snop  }
0xfd: {  	v10 =	vadd.f32 v10, v13;
	v13 =	vmul.f32 $1.442695020e+00, v15;
	v15 =	vpop (erf)  }
0xfe: {  	v16 =	vld [tilespmem:s14+$0x7940];
	v12 =	vmul.f32 v15, v12;
	_ =	sdelay $0x1  }
0xff: {  	[tilespmem:s10+$0xC960] =	vst v14;
	v14 =	vpop (erf);
	v8 =	vadd.f32 v8, v10  }
0x100: {  	[tilespmem:s16+$0xA150] =	vst v2;
	v10 =	vld [tilespmem:s13+$0xFFFFFFF0];
	v9 =	vadd.f32 v11, v9;
	v11 =	vadd.f32 $1.000000000e+00, v14;
	v2 =	vpop (erf)  }
0x101: {  	v15 =	vld [tilespmem:s28+$0x5150];
	(erf) = vpow2.f32 v13;
	[tilespmem:s28+$0xC940] =	vst v12;
	v14 =	vsub.f32 $0.0e+00, v8;
	v12 =	vpop (erf)  }
0x102: {  	v9 =	vadd.f32 v16, v9;
	(erf) = vrcp.f32 v11;
	v16 =	vld [tilespmem:s5+$0xFFFFFFD0];
	v11 =	vadd.f32 $1.000000000e+00, v12;
	_ =	sdelay $0x1  }
0x103: {  	v13 =	vld [tilespmem:s30+$0x10];
	v12 =	vpop (erf);
	v14 =	vmul.f32 $1.442695020e+00, v14;
	v17 =	vsub.f32 $0.0e+00, v9;
	(erf) = vrcp.f32 v11  }
0x104: {  	[tilespmem:s26+$0xA160] =	vst v3;
	v18 =	vpop (erf);
	v3 =	vadd.f32 v6, v10  }
0x105: {  	v11 =	vadd.f32 $1.000000000e+00, v18;
	(erf) = vpow2.f32 v14;
	v14 =	vmul.f32 $1.442695020e+00, v17;
	v17 =	vld [tilespmem:s28+$0x7950]  }
0x106: {  	v6 =	vld [tilespmem:s1+$0x20];
	v3 =	vadd.f32 v5, v3;
	v5 =	vadd.f32 v15, v16  }
0x107: {  	[tilespmem:s6+$0xA140] =	vst v4;
	(erf) = vrcp.f32 v11  }
0x108: {  	v4 =	vmul.f32 v12, v13;
	v10 =	vld [tilespmem:s7+$0x0];
	(erf) = vpow2.f32 v14  }
0x109: {  	v12 =	vpop (erf)  }
0x10a: {  	[tilespmem:s16+$0xC950] =	vst v4;
	v4 =	vsub.f32 $0.0e+00, v3;
	v14 =	vld [tilespmem:s16+$0x5160];
	v13 =	vadd.f32 v17, v5;
	v5 =	vpop (erf)  }
0x10b: {  	v5 =	vmul.f32 v5, v6;
	v6 =	vld [tilespmem:s30+$0xFFFFFFE0]  }
0x10c: {  	v12 =	vadd.f32 $1.000000000e+00, v12;
	v4 =	vmul.f32 $1.442695020e+00, v4;
	v16 =	vpop (erf)  }
0x10d: {  	v11 =	vld [tilespmem:s16+$0x7960];
	v15 =	vsub.f32 $0.0e+00, v13;
	[tilespmem:s26+$0xC960] =	vst v5;
	v5 =	vmul.f32 v16, v10  }
0x10e: {  	(erf) = vrcp.f32 v12  }
0x10f: {  	v19 =	vld [tilespmem:s26+$0x7970];
	(erf) = vpow2.f32 v4;
	v10 =	vpop (erf);
	v12 =	vmul.f32 $1.442695020e+00, v15  }
0x110: {  	v35 =	vld [tilespmem:s26+$0x5170];
	[tilespmem:s22+$0xA150] =	vst v7;
	v4 =	vpop (erf);
	v6 =	vadd.f32 v14, v6  }
0x111: {  	v7 =	vld [tilespmem:s1+$0xFFFFFFF0];
	v10 =	vadd.f32 $1.000000000e+00, v10;
	[tilespmem:s6+$0xC940] =	vst v5;
	(erf) = vpow2.f32 v12;
	v5 =	vpop (erf)  }
0x112: {  	v12 =	vld [tilespmem:s6+$0x5150];
	v11 =	vadd.f32 v11, v6;
	v5 =	vadd.f32 $1.000000000e+00, v5  }
0x113: {  	v14 =	vld [tilespmem:s7+$0xFFFFFFD0];
	(erf) = vrcp.f32 v10  }
0x114: {  	v15 =	vld [tilespmem:s23+$0x10];
	(erf) = vrcp.f32 v5;
	v5 =	vsub.f32 $0.0e+00, v11  }
0x115: {  	v6 =	vld [tilespmem:s6+$0x7950]  }
0x116: {  	[tilespmem:s14+$0xA140] =	vst v9;
	v7 =	vadd.f32 v35, v7;
	v9 =	vmul.f32 $1.442695020e+00, v5  }
0x117: {  	[tilespmem:s2+$0xA160] =	vst v8;
	v8 =	vpop (erf)  }
0x118: {  	v17 =	vld [tilespmem:s15+$0x20];
	v36 =	vpop (erf);
	v5 =	vadd.f32 v19, v7;
	v7 =	vadd.f32 v12, v14  }
0x119: {  	v8 =	vmul.f32 v8, v15;
	v12 =	vld [tilespmem:s11+$0x0];
	v14 =	vadd.f32 $1.000000000e+00, v36  }
0x11a: {  	v16 =	vld [tilespmem:s2+$0x5170];
	(erf) = vpow2.f32 v9;
	v37 =	vsub.f32 $0.0e+00, v5;
	v38 =	vadd.f32 v6, v7;
	v9 =	vpop (erf)  }
0x11b: {  	[tilespmem:s22+$0xC950] =	vst v8;
	v8 =	vld [tilespmem:s22+$0x5160];
	v6 =	vadd.f32 $1.000000000e+00, v9  }
0x11c: {  	v39 =	vld [tilespmem:s23+$0xFFFFFFE0];
	(erf) = vrcp.f32 v14;
	v14 =	vsub.f32 $0.0e+00, v38;
	v7 =	vpop (erf);
	v9 =	vmul.f32 $1.442695020e+00, v37  }
0x11d: {  	v10 =	vld [tilespmem:s2+$0x7970];
	v7 =	vmul.f32 v7, v17;
	v17 =	vpop (erf);
	(erf) = vrcp.f32 v6  }
0x11e: {  	v15 =	vld [tilespmem:s22+$0x7960];
	v6 =	vmul.f32 v17, v12;
	v12 =	vmul.f32 $1.442695020e+00, v14  }
0x11f: {  	[tilespmem:s2+$0xC960] =	vst v7;
	(erf) = vpow2.f32 v9;
	v9 =	vld [tilespmem:s14+$0x5150]  }
0x120: {  	v7 =	vld [tilespmem:s15+$0xFFFFFFF0];
	[tilespmem:s14+$0xC940] =	vst v6;
	(erf) = vpow2.f32 v12  }
0x121: {  	[tilespmem:s28+$0xA150] =	vst v13;
	v6 =	vadd.f32 v8, v39;
	v12 =	vld [tilespmem:s11+$0xFFFFFFD0]  }
0x122: {  	v8 =	vld [tilespmem:s5+$0x10]  }
0x123: {  	v13 =	vld [tilespmem:s14+$0x7950];
	v15 =	vadd.f32 v15, v6  }
0x124: {  	v14 =	vpop (erf)  }
0x125: {  	v6 =	vpop (erf);
	v7 =	vadd.f32 v16, v7;
	v16 =	vsub.f32 $0.0e+00, v15  }
0x126: {  	v17 =	vpop (erf);
	v9 =	vadd.f32 v9, v12;
	v12 =	vadd.f32 $1.000000000e+00, v14  }
0x127: {  	v7 =	vadd.f32 v10, v7;
	v8 =	vmul.f32 v17, v8  }
0x128: {  	v10 =	vmul.f32 $1.442695020e+00, v16;
	v14 =	vpop (erf);
	v9 =	vadd.f32 v13, v9;
	(erf) = vrcp.f32 v12  }
0x129: {  	v13 =	vadd.f32 $1.000000000e+00, v14;
	v14 =	vpop (erf);
	[tilespmem:s28+$0xC950] =	vst v8;
	v8 =	vsub.f32 $0.0e+00, v7  }
0x12a: {  	(erf) = vpow2.f32 v10;
	v14 =	vadd.f32 $1.000000000e+00, v14  }
0x12b: {  	v10 =	vld [tilespmem:s28+$0x5160];
	v17 =	vsub.f32 $0.0e+00, v9;
	(erf) = vrcp.f32 v13;
	v8 =	vmul.f32 $1.442695020e+00, v8  }
0x12c: {  	[tilespmem:s16+$0xA160] =	vst v11;
	v13 =	vld [tilespmem:s5+$0xFFFFFFE0];
	(erf) = vrcp.f32 v14  }
0x12d: {  	v14 =	vmul.f32 $1.442695020e+00, v17;
	(erf) = vpow2.f32 v8;
	v8 =	vld [tilespmem:s30+$0x20]  }
0x12e: {  	v16 =	vld [tilespmem:s28+$0x7960]  }
0x12f: {  	(erf) = vpow2.f32 v14;
	_ =	sdelay $0x1  }
0x130: {  	v10 =	vadd.f32 v10, v13;
	v11 =	vpop (erf)  }
0x131: {  	[tilespmem:s6+$0xA150] =	vst v38;
	v11 =	vmul.f32 v11, v8  }
0x132: {  	v13 =	vld [tilespmem:s7+$0x10];
	v10 =	vadd.f32 v16, v10;
	v14 =	vpop (erf)  }
0x133: {  	[tilespmem:s16+$0xC960] =	vst v11;
	v11 =	vadd.f32 $1.000000000e+00, v14  }
0x134: {  	v40 =	vld [tilespmem:s16+$0x5170];
	v8 =	vpop (erf);
	v16 =	vsub.f32 $0.0e+00, v10  }
0x135: {  	v14 =	vpop (erf);
	v17 =	vld [tilespmem:s30+$0xFFFFFFF0];
	(erf) = vrcp.f32 v11  }
0x136: {  	[tilespmem:s22+$0xA160] =	vst v15;
	v16 =	vmul.f32 $1.442695020e+00, v16;
	v41 =	vpop (erf)  }
0x137: {  	v15 =	vld [tilespmem:s23+$0x20];
	v13 =	vmul.f32 v14, v13;
	v14 =	vadd.f32 $1.000000000e+00, v41;
	v42 =	vpop (erf)  }
0x138: {  	v12 =	vld [tilespmem:s16+$0x7970];
	(erf) = vpow2.f32 v16;
	v16 =	vadd.f32 $1.000000000e+00, v42  }
0x139: {  	[tilespmem:s6+$0xC950] =	vst v13;
	v13 =	vld [tilespmem:s6+$0x5160];
	(erf) = vrcp.f32 v14  }
0x13a: {  	v14 =	vld [tilespmem:s7+$0xFFFFFFE0];
	(erf) = vrcp.f32 v16;
	v16 =	vadd.f32 v40, v17;
	_ =	sdelay $0x1  }
0x13b: {  	v20 =	vld [tilespmem:s6+$0x7960];
	_ =	sdelay $0x1  }
0x13c: {  	[tilespmem:s14+$0xA150] =	vst v9;
	v9 =	vadd.f32 v12, v16;
	v16 =	vpop (erf)  }
0x13d: {  	v12 =	vld [tilespmem:s11+$0x10];
	v13 =	vadd.f32 v13, v14;
	v15 =	vmul.f32 v16, v15  }
0x13e: {  	v14 =	vsub.f32 $0.0e+00, v9  }
0x13f: {  	v16 =	vpop (erf);
	v13 =	vadd.f32 v20, v13  }
0x140: {  	v14 =	vmul.f32 $1.442695020e+00, v14;
	v17 =	vpop (erf)  }
0x141: {  	v43 =	vld [tilespmem:s22+$0x5170];
	v16 =	vadd.f32 $1.000000000e+00, v16;
	[tilespmem:s22+$0xC960] =	vst v15;
	v20 =	vsub.f32 $0.0e+00, v13;
	v15 =	vpop (erf)  }
0x142: {  	v11 =	vld [tilespmem:s22+$0x7970];
	(erf) = vpow2.f32 v14;
	v12 =	vmul.f32 v15, v12  }
0x143: {  	v44 =	vld [tilespmem:s23+$0xFFFFFFF0];
	(erf) = vrcp.f32 v16;
	v16 =	vmul.f32 $1.442695020e+00, v20  }
0x144: {  	[tilespmem:s14+$0xC950] =	vst v12;
	v12 =	vld [tilespmem:s14+$0x5160]  }
0x145: {  	(erf) = vpow2.f32 v16;
	v16 =	vld [tilespmem:s11+$0xFFFFFFE0];
	_ =	sdelay $0x1  }
0x146: {  	[tilespmem:s28+$0xA160] =	vst v10;
	v14 =	vld [tilespmem:s14+$0x7960]  }
0x147: {  	v46 =	vld [tilespmem:s5+$0x20];
	v10 =	vadd.f32 v43, v44;
	_ =	sdelay $0x1  }
0x148: {  	v10 =	vadd.f32 v11, v10;
	v11 =	vadd.f32 v12, v16  }
0x149: {  	v12 =	vpop (erf)  }
0x14a: {  	v16 =	vsub.f32 $0.0e+00, v10;
	v47 =	vpop (erf);
	v11 =	vadd.f32 v14, v11  }
0x14b: {  	v12 =	vadd.f32 $1.000000000e+00, v12;
	v14 =	vmul.f32 v47, v46  }
0x14c: {  	v16 =	vmul.f32 $1.442695020e+00, v16;
	v48 =	vpop (erf);
	v49 =	vsub.f32 $0.0e+00, v11  }
0x14d: {  	v45 =	vld [tilespmem:s28+$0x5170];
	(erf) = vrcp.f32 v12;
	v12 =	vadd.f32 $1.000000000e+00, v48;
	[tilespmem:s28+$0xC960] =	vst v14  }
0x14e: {  	(erf) = vpow2.f32 v16;
	v14 =	vld [tilespmem:s5+$0xFFFFFFF0];
	v16 =	vmul.f32 $1.442695020e+00, v49  }
0x14f: {  	(erf) = vrcp.f32 v12  }
0x150: {  	v15 =	vld [tilespmem:s28+$0x7970];
	(erf) = vpow2.f32 v16;
	_ =	sdelay $0x2  }
0x151: {  	[tilespmem:s6+$0xA160] =	vst v13;
	v14 =	vadd.f32 v45, v14  }
0x152: {  	v13 =	vld [tilespmem:s7+$0x20]  }
0x153: {  	v14 =	vadd.f32 v15, v14  }
0x154: {  	v15 =	vpop (erf)  }
0x155: {  	v50 =	vpop (erf);
	v51 =	vsub.f32 $0.0e+00, v14  }
0x156: {  	v18 =	vadd.f32 $1.000000000e+00, v50;
	v52 =	vpop (erf)  }
0x157: {  	v13 =	vmul.f32 v52, v13;
	v19 =	vmul.f32 $1.442695020e+00, v51;
	v53 =	vpop (erf)  }
0x158: {  	(erf) = vrcp.f32 v18;
	v54 =	vadd.f32 $1.000000000e+00, v53  }
0x159: {  	v16 =	vld [tilespmem:s6+$0x5170];
	[tilespmem:s6+$0xC960] =	vst v13;
	(erf) = vpow2.f32 v19  }
0x15a: {  	v13 =	vld [tilespmem:s7+$0xFFFFFFF0];
	(erf) = vrcp.f32 v54;
	_ =	sdelay $0x1  }
0x15b: {  	v12 =	vld [tilespmem:s6+$0x7970];
	_ =	sdelay $0x1  }
0x15c: {  	[tilespmem:s14+$0xA160] =	vst v11  }
0x15d: {  	v11 =	vadd.f32 v16, v13;
	v13 =	vld [tilespmem:s11+$0x20];
	_ =	sdelay $0x1  }
0x15e: {  	v16 =	vpop (erf);
	v11 =	vadd.f32 v12, v11  }
0x15f: {  	v12 =	vpop (erf)  }
0x160: {  	v57 =	vsub.f32 $0.0e+00, v11;
	v21 =	vpop (erf)  }
0x161: {  	v12 =	vadd.f32 $1.000000000e+00, v12;
	v13 =	vmul.f32 v21, v13  }
0x162: {  	v20 =	vmul.f32 $1.442695020e+00, v57  }
0x163: {  	v56 =	vld [tilespmem:s14+$0x5170];
	(erf) = vrcp.f32 v12;
	[tilespmem:s14+$0xC960] =	vst v13  }
0x164: {  	(erf) = vpow2.f32 v20;
	v12 =	vld [tilespmem:s11+$0xFFFFFFF0];
	_ =	sdelay $0x1  }
0x165: {  	v55 =	vld [tilespmem:s14+$0x7970];
	_ =	sdelay $0x2  }
0x166: {  	v12 =	vadd.f32 v56, v12;
	_ =	sdelay $0x1  }
0x167: {  	v12 =	vadd.f32 v55, v12  }
0x168: {  	v13 =	vpop (erf)  }
0x169: {  	v58 =	vpop (erf);
	v59 =	vsub.f32 $0.0e+00, v12  }
0x16a: {  	v18 =	vadd.f32 $1.000000000e+00, v58  }
0x16b: {  	v19 =	vmul.f32 $1.442695020e+00, v59  }
0x16c: {  	[tilespmem:s21+$0xA170] =	vst v1;
	v1 =	vld [tilespmem:s19+$0x30];
	(erf) = vrcp.f32 v18  }
0x16d: {  	v60 =	vld [tilespmem:s9+$0x30];
	(erf) = vpow2.f32 v19;
	_ =	sdelay $0x3  }
0x16e: {  	v1 =	vmul.f32 v2, v1  }
0x16f: {  	v2 =	vmul.f32 v4, v60  }
0x170: {  	[tilespmem:s10+$0xA170] =	vst v3  }
0x171: {  	v3 =	vld [tilespmem:s13+$0x30];
	[tilespmem:s26+$0xA170] =	vst v5  }
0x172: {  	[tilespmem:s4+$0xC970] =	vst v1;
	v4 =	vld [tilespmem:s1+$0x30];
	v1 =	vpop (erf)  }
0x173: {  	[tilespmem:s21+$0xC970] =	vst v2;
	v2 =	vpop (erf)  }
0x174: {  	[tilespmem:s2+$0xA170] =	vst v7;
	v2 =	vadd.f32 $1.000000000e+00, v2  }
0x175: {  	v5 =	vld [tilespmem:s15+$0x30];
	[tilespmem:s16+$0xA170] =	vst v9  }
0x176: {  	v3 =	vmul.f32 v6, v3;
	[tilespmem:s22+$0xA170] =	vst v10;
	(erf) = vrcp.f32 v2;
	v2 =	vld [tilespmem:s30+$0x30]  }
0x177: {  	v4 =	vmul.f32 v8, v4;
	v7 =	vld [tilespmem:s23+$0x30];
	[tilespmem:s28+$0xA170] =	vst v14  }
0x178: {  	[tilespmem:s10+$0xC970] =	vst v3;
	v6 =	vld [tilespmem:s5+$0x30]  }
0x179: {  	[tilespmem:s26+$0xC970] =	vst v4  }
0x17a: {  	v3 =	vmul.f32 v17, v5;
	[tilespmem:s6+$0xA170] =	vst v11  }
0x17b: {  	v8 =	vld [tilespmem:s7+$0x30];
	[tilespmem:s14+$0xA170] =	vst v12;
	v2 =	vmul.f32 v15, v2  }
0x17c: {  	[tilespmem:s2+$0xC970] =	vst v3;
	v3 =	vmul.f32 v16, v7;
	v5 =	vld [tilespmem:s11+$0x30]  }
0x17d: {  	s15 =	smul.u32 $0xA0, s3;
	[tilespmem:s16+$0xC970] =	vst v2;
	v2 =	vmul.f32 v13, v6  }
0x17e: {  	[tilespmem:s22+$0xC970] =	vst v3  }
0x17f: {  	s1 =	sadd.s32 s8, s15;
	[tilespmem:s28+$0xC970] =	vst v2  }
0x180: {  	s1 =	sshll.u32 s1, $0x7;
	v1 =	vmul.f32 v1, v8;
	v3 =	vpop (erf);
	s2 =	rddreg [dreg:$0x14]  }
0x181: {  	v2 =	vmul.f32 v3, v5;
	s1 =	sor.u32 s2, s1  }
0x182: {  	s19 =	simm.s32 $0x80;
	s20 =	simm.s32 $0xA140;
	[tilespmem:s6+$0xC970] =	vst v1;
	s1 =	sshrl.u32 s1, $0x3  }
0x183: {  	s28 =	smov.u32 s17;
	[tilespmem:s14+$0xC970] =	vst v2;
	s1 =	sadd.s32 s17, s1;
	s17 =	simm.s32 $0x40  }
0x184: {  	[hbm4b:s1+s17] =	stream.strided.scatter [tilespmem:s20], [sflag:$0x3], $0x1400, s19, s17, $0x38;
	[tilespmem:$0x1C180] =	vst v63  }
0x185: {  	s21 =	simm.s32 $0xA0;
	s23 =	simm.s32 $0x3;
	s22 =	simm.s32 $0xC940  }
0x186: {  	[spmem:s18] =	stream.indirect.scatter.add.f32 [tilespmem:s22], [sflag:$0x5], $0x40, s21, s29, $0xb8;
	[tilespmem:$0x1C180] =	vst v63  }
0x187: {  	p1 =	seq.s32 s3, $0x7C;
	_ =	swait.ge [sflag:s23], $0x1400  }
0x188: {  	s0 =	sadd.s32 @!p1 $0x2, s0;
	[sflag:s23] =	ssyncset.done $0x0;
	s1 =	rddreg [dreg:$0xe]  }
0x189: {  	s26 =	simm.s32 $0x5;
	[sflag:s23] =	ssyncadd.s32 $0xFFFFEC00;
	s1 =	sadd.s32 @!p1 s1, s0  }
0x18a: {  	_ =	swait.ge [sflag:s26], $0x1400;
	s1 =	smul.u32 @!p1 $0xA, s1  }
0x18b: {  	[sflag:s26] =	ssyncset.done $0x0;
	s2 =	rddreg [dreg:$0x6]  }
0x18c: {  	s4 =	simm.s32 @!p1 $0x0;
	[sflag:s26] =	ssyncadd.s32 $0xFFFFEC00;
	s2 =	sadd.s32 @!p1 s2, s1  }
0x18d: {  	[tilespmem:s4], [sflag:$0x7] =	stream.linear.gather @!p1 [hbm4b:s2+s4], $0x50, $0x38;
	[tilespmem:$0x1C180] =	vst v63  }
0x18e: {  	s2 =	rddreg [dreg:$0x7]  }
0x18f: {  	s1 =	sadd.s32 @!p1 s2, s1;
	s2 =	simm.s32 @!p1 $0xA0  }
0x190: {  	[tilespmem:s2], [sflag:$0x7] =	stream.linear.gather @!p1 [hbm4b:s1+s4], $0x50, $0x38;
	[tilespmem:$0x1C180] =	vst v63  }
0x191: {  	s1 =	simm.s32 @!p1 $0x7  }
0x192: {  	_ =	swait.ge @!p1 [sflag:s1], $0x50  }
0x193: {  	[sflag:s1] =	ssyncset.done @!p1 $0x0  }
0x194: {  	[sflag:s1] =	ssyncadd.s32 @!p1 $0xFFFFFFB0  }
0x195: {  	_ =	swait.ge @!p1 [sflag:s1], $0x50  }
0x196: {  	s5 =	simm.s32 @!p1 $0x140;
	s0 =	smul.u32 @!p1 $0x50, s0;
	[sflag:s1] =	ssyncset.done @!p1 $0x0  }
0x197: {  	s6 =	rddreg [dreg:$0x11];
	[sflag:s1] =	ssyncadd.s32 @!p1 $0xFFFFFFB0;
	s1 =	simm.s32 @!p1 $0x50  }
0x198: {  	[tilespmem:s5], [sflag:$0x1] =	stream.indirect.gather @!p1 [hbm4b:s6+s1], $0x80, s4, s1, $0xb8;
	[tilespmem:$0x1C180] =	vst v63  }
0x199: {  	s0 =	sadd.s32 @!p1 s8, s0;
	s5 =	simm.s32 @!p1 $0x5140;
	s6 =	rddreg [dreg:$0x12]  }
0x19a: {  	[tilespmem:s5], [sflag:$0x1] =	stream.indirect.gather @!p1 [hbm4b:s6+s1], $0x40, s2, s1, $0xb8;
	[tilespmem:$0x1C180] =	vst v63  }
0x19b: {  	s0 =	sshll.u32 @!p1 s0, $0x6;
	s1 =	rddreg [dreg:$0xb]  }
0x19c: {  	s0 =	sadd.s32 @!p1 s1, s0  }
0x19d: {  	s1 =	rddreg [dreg:$0x8];
	s0 =	sshrl.u32 @!p1 s0, $0x3  }
0x19e: {  	s0 =	sadd.s32 @!p1 s1, s0;
	s1 =	simm.s32 @!p1 $0x7940  }
0x19f: {  	[tilespmem:s1], [sflag:$0x1] =	stream.linear.gather @!p1 [hbm4b:s0+s4], $0x1400, $0x38;
	[tilespmem:$0x1C180] =	vst v63  }
0x1a0: {  	_ =	swait.ge [sflag:s24], $0x2800  }
0x1a1: {  	[sflag:s24] =	ssyncset.done $0x0  }
0x1a2: {  	[sflag:s24] =	ssyncadd.s32 $0xFFFFD800  }
0x1a3: {  	_ =	swait.ge [sflag:s24], $0x1400  }
0x1a4: {  	[sflag:s24] =	ssyncset.done $0x0  }
0x1a5: {  	[sflag:s24] =	ssyncadd.s32 $0xFFFFEC00  }
0x1a6: {  	_ =	swait.ge [sflag:s24], $0x1400  }
0x1a7: {  	[sflag:s24] =	ssyncset.done $0x0  }
0x1a8: {  	s10 =	simm.s32 $0x2980;
	[sflag:s24] =	ssyncadd.s32 $0xFFFFEC00  }
0x1a9: {  	s0 =	simm.s32 $0x0;
	v1 =	vld [tilespmem:s10+$0xFFFFFFC0]  }
0x1aa: {  	v2 =	vld [tilespmem:s0+$0x6540];
	_ =	sdelay $0x1  }
0x1ab: {  	v3 =	vld [tilespmem:s0+$0x8D40];
	_ =	sdelay $0x2  }
0x1ac: {  	v1 =	vadd.f32 v2, v1;
	_ =	sdelay $0x1  }
0x1ad: {  	v1 =	vadd.f32 v3, v1;
	_ =	sdelay $0x1  }
0x1ae: {  	v2 =	vsub.f32 $0.0e+00, v1;
	_ =	sdelay $0x1  }
0x1af: {  	v2 =	vmul.f32 $1.442695020e+00, v2;
	_ =	sdelay $0x1  }
0x1b0: {  	(erf) = vpow2.f32 v2;
	_ =	sdelay $0x1  }
0x1b1: {  	s19 =	simm.s32 $0x40  }
0x1b2: {  	s21 =	simm.s32 $0x2A00;
	v3 =	vld [tilespmem:s19+$0x6540]  }
0x1b3: {  	v2 =	vld [tilespmem:s21+$0xFFFFFFC0];
	_ =	sdelay $0x1  }
0x1b4: {  	v4 =	vld [tilespmem:s19+$0x8D40];
	_ =	sdelay $0x2  }
0x1b5: {  	v2 =	vadd.f32 v3, v2;
	v3 =	vpop (erf)  }
0x1b6: {  	v3 =	vadd.f32 $1.000000000e+00, v3  }
0x1b7: {  	v2 =	vadd.f32 v4, v2  }
0x1b8: {  	(erf) = vrcp.f32 v3  }
0x1b9: {  	v4 =	vsub.f32 $0.0e+00, v2;
	_ =	sdelay $0x1  }
0x1ba: {  	v3 =	vmul.f32 $1.442695020e+00, v4  }
0x1bb: {  	[tilespmem:s0+$0xB540] =	vst v1  }
0x1bc: {  	v1 =	vld [tilespmem:s10+$0x0];
	(erf) = vpow2.f32 v3;
	_ =	sdelay $0x1  }
0x1bd: {  	s4 =	simm.s32 $0x80  }
0x1be: {  	s9 =	simm.s32 $0x2A80;
	v4 =	vld [tilespmem:s4+$0x6540]  }
0x1bf: {  	v3 =	vld [tilespmem:s9+$0xFFFFFFC0];
	v6 =	vpop (erf)  }
0x1c0: {  	v1 =	vmul.f32 v6, v1  }
0x1c1: {  	v5 =	vld [tilespmem:s4+$0x8D40];
	_ =	sdelay $0x2  }
0x1c2: {  	v3 =	vadd.f32 v4, v3;
	[tilespmem:s0+$0xDD40] =	vst v1;
	v1 =	vpop (erf)  }
0x1c3: {  	v4 =	vld [tilespmem:s0+$0x6550];
	v1 =	vadd.f32 $1.000000000e+00, v1  }
0x1c4: {  	v3 =	vadd.f32 v5, v3;
	v6 =	vld [tilespmem:s10+$0xFFFFFFD0]  }
0x1c5: {  	(erf) = vrcp.f32 v1  }
0x1c6: {  	v5 =	vsub.f32 $0.0e+00, v3;
	v1 =	vld [tilespmem:s0+$0x8D50];
	_ =	sdelay $0x1  }
0x1c7: {  	v5 =	vmul.f32 $1.442695020e+00, v5  }
0x1c8: {  	[tilespmem:s19+$0xB540] =	vst v2;
	v4 =	vadd.f32 v4, v6  }
0x1c9: {  	v2 =	vld [tilespmem:s21+$0x0];
	(erf) = vpow2.f32 v5  }
0x1ca: {  	s13 =	simm.s32 $0xC0;
	v1 =	vadd.f32 v1, v4  }
0x1cb: {  	s26 =	simm.s32 $0x2B00;
	v6 =	vld [tilespmem:s13+$0x6540]  }
0x1cc: {  	v4 =	vld [tilespmem:s26+$0xFFFFFFC0];
	v5 =	vsub.f32 $0.0e+00, v1  }
0x1cd: {  	v7 =	vpop (erf)  }
0x1ce: {  	v5 =	vmul.f32 $1.442695020e+00, v5;
	v2 =	vmul.f32 v7, v2;
	v7 =	vld [tilespmem:s13+$0x8D40];
	_ =	sdelay $0x2  }
0x1cf: {  	v4 =	vadd.f32 v6, v4;
	(erf) = vpow2.f32 v5  }
0x1d0: {  	v5 =	vpop (erf)  }
0x1d1: {  	[tilespmem:s19+$0xDD40] =	vst v2;
	v2 =	vld [tilespmem:s19+$0x6550];
	v5 =	vadd.f32 $1.000000000e+00, v5;
	v4 =	vadd.f32 v7, v4  }
0x1d2: {  	v6 =	vld [tilespmem:s21+$0xFFFFFFD0]  }
0x1d3: {  	(erf) = vrcp.f32 v5;
	v5 =	vsub.f32 $0.0e+00, v4  }
0x1d4: {  	v7 =	vld [tilespmem:s19+$0x8D50]  }
0x1d5: {  	v5 =	vmul.f32 $1.442695020e+00, v5;
	_ =	sdelay $0x1  }
0x1d6: {  	v2 =	vadd.f32 v2, v6;
	(erf) = vpow2.f32 v5  }
0x1d7: {  	[tilespmem:s4+$0xB540] =	vst v3;
	v6 =	vpop (erf)  }
0x1d8: {  	s2 =	simm.s32 $0x2B80;
	v2 =	vadd.f32 v7, v2;
	v3 =	vadd.f32 $1.000000000e+00, v6;
	v5 =	vld [tilespmem:s9+$0x0]  }
0x1d9: {  	s1 =	simm.s32 $0x100;
	v6 =	vld [tilespmem:s2+$0xFFFFFFC0]  }
0x1da: {  	v7 =	vsub.f32 $0.0e+00, v2;
	(erf) = vrcp.f32 v3;
	v3 =	vld [tilespmem:s1+$0x6540];
	_ =	sdelay $0x1  }
0x1db: {  	v8 =	vld [tilespmem:s1+$0x8D40];
	v7 =	vmul.f32 $1.442695020e+00, v7;
	v9 =	vpop (erf)  }
0x1dc: {  	[tilespmem:s0+$0xB550] =	vst v1;
	v5 =	vmul.f32 v9, v5  }
0x1dd: {  	v1 =	vld [tilespmem:s10+$0x10];
	(erf) = vpow2.f32 v7  }
0x1de: {  	v3 =	vadd.f32 v3, v6;
	[tilespmem:s4+$0xDD40] =	vst v5;
	v5 =	vld [tilespmem:s4+$0x6550];
	v6 =	vpop (erf)  }
0x1df: {  	v7 =	vld [tilespmem:s9+$0xFFFFFFD0];
	v6 =	vadd.f32 $1.000000000e+00, v6  }
0x1e0: {  	v3 =	vadd.f32 v8, v3  }
0x1e1: {  	v8 =	vld [tilespmem:s4+$0x8D50];
	(erf) = vrcp.f32 v6  }
0x1e2: {  	v10 =	vsub.f32 $0.0e+00, v3  }
0x1e3: {  	v9 =	vpop (erf)  }
0x1e4: {  	v1 =	vmul.f32 v9, v1;
	v9 =	vmul.f32 $1.442695020e+00, v10;
	v5 =	vadd.f32 v5, v7  }
0x1e5: {  	[tilespmem:s13+$0xB540] =	vst v4;
	v6 =	vld [tilespmem:s0+$0x8D60]  }
0x1e6: {  	v7 =	vpop (erf);
	(erf) = vpow2.f32 v9;
	v4 =	vadd.f32 v8, v5;
	v8 =	vld [tilespmem:s26+$0x0]  }
0x1e7: {  	[tilespmem:s0+$0xDD50] =	vst v1;
	v1 =	vld [tilespmem:s0+$0x6560];
	v7 =	vadd.f32 $1.000000000e+00, v7  }
0x1e8: {  	s15 =	simm.s32 $0x140;
	v5 =	vld [tilespmem:s10+$0xFFFFFFE0]  }
0x1e9: {  	s16 =	simm.s32 $0x2C00;
	v10 =	vld [tilespmem:s15+$0x6540];
	(erf) = vrcp.f32 v7;
	v9 =	vsub.f32 $0.0e+00, v4  }
0x1ea: {  	v7 =	vld [tilespmem:s16+$0xFFFFFFC0];
	v12 =	vpop (erf)  }
0x1eb: {  	[tilespmem:s19+$0xB550] =	vst v2;
	v9 =	vmul.f32 $1.442695020e+00, v9;
	v2 =	vmul.f32 v12, v8  }
0x1ec: {  	v11 =	vld [tilespmem:s15+$0x8D40]  }
0x1ed: {  	v1 =	vadd.f32 v1, v5;
	(erf) = vpow2.f32 v9  }
0x1ee: {  	v5 =	vld [tilespmem:s21+$0x10]  }
0x1ef: {  	v1 =	vadd.f32 v6, v1;
	v6 =	vadd.f32 v10, v7;
	v7 =	vld [tilespmem:s13+$0x6550];
	[tilespmem:s13+$0xDD40] =	vst v2;
	v2 =	vpop (erf)  }
0x1f0: {  	v8 =	vld [tilespmem:s26+$0xFFFFFFD0];
	v2 =	vadd.f32 $1.000000000e+00, v2  }
0x1f1: {  	v9 =	vsub.f32 $0.0e+00, v1;
	v6 =	vadd.f32 v11, v6  }
0x1f2: {  	v11 =	vld [tilespmem:s13+$0x8D50];
	v10 =	vpop (erf);
	(erf) = vrcp.f32 v2  }
0x1f3: {  	v2 =	vmul.f32 v10, v5;
	v5 =	vmul.f32 $1.442695020e+00, v9;
	v9 =	vsub.f32 $0.0e+00, v6;
	_ =	sdelay $0x1  }
0x1f4: {  	v7 =	vadd.f32 v7, v8;
	[tilespmem:s19+$0xDD50] =	vst v2;
	v2 =	vmul.f32 $1.442695020e+00, v9  }
0x1f5: {  	v8 =	vpop (erf);
	(erf) = vpow2.f32 v5  }
0x1f6: {  	v5 =	vld [tilespmem:s19+$0x6560];
	v7 =	vadd.f32 v11, v7;
	(erf) = vpow2.f32 v2;
	v2 =	vadd.f32 $1.000000000e+00, v8  }
0x1f7: {  	[tilespmem:s1+$0xB540] =	vst v3;
	v3 =	vld [tilespmem:s21+$0xFFFFFFE0]  }
0x1f8: {  	v8 =	vld [tilespmem:s2+$0x0];
	(erf) = vrcp.f32 v2;
	v2 =	vsub.f32 $0.0e+00, v7  }
0x1f9: {  	s30 =	simm.s32 $0x2C80;
	v10 =	vld [tilespmem:s19+$0x8D60]  }
0x1fa: {  	s22 =	simm.s32 $0x180;
	v9 =	vld [tilespmem:s30+$0xFFFFFFC0];
	v2 =	vmul.f32 $1.442695020e+00, v2  }
0x1fb: {  	v11 =	vld [tilespmem:s22+$0x6540]  }
0x1fc: {  	v12 =	vpop (erf);
	(erf) = vpow2.f32 v2  }
0x1fd: {  	v13 =	vld [tilespmem:s22+$0x8D40];
	[tilespmem:s4+$0xB550] =	vst v4;
	v3 =	vadd.f32 v5, v3;
	v5 =	vmul.f32 v12, v8  }
0x1fe: {  	v4 =	vld [tilespmem:s9+$0x10];
	v2 =	vpop (erf)  }
0x1ff: {  	v3 =	vadd.f32 v10, v3;
	v8 =	vld [tilespmem:s1+$0x6550];
	[tilespmem:s1+$0xDD40] =	vst v5;
	v2 =	vadd.f32 $1.000000000e+00, v2  }
0x200: {  	v5 =	vadd.f32 v11, v9;
	v10 =	vld [tilespmem:s2+$0xFFFFFFD0]  }
0x201: {  	v11 =	vsub.f32 $0.0e+00, v3;
	v9 =	vpop (erf);
	(erf) = vrcp.f32 v2  }
0x202: {  	v12 =	vld [tilespmem:s1+$0x8D50];
	v2 =	vadd.f32 v13, v5;
	v5 =	vadd.f32 $1.000000000e+00, v9;
	v13 =	vpop (erf)  }
0x203: {  	s23 =	simm.s32 $0x1C0;
	v4 =	vmul.f32 v13, v4  }
0x204: {  	v15 =	vld [tilespmem:s23+$0x6540];
	[tilespmem:s0+$0xB560] =	vst v1;
	v11 =	vmul.f32 $1.442695020e+00, v11;
	v14 =	vsub.f32 $0.0e+00, v2;
	(erf) = vrcp.f32 v5  }
0x205: {  	v16 =	vld [tilespmem:s23+$0x8D40];
	[tilespmem:s4+$0xDD50] =	vst v4;
	v4 =	vadd.f32 v8, v10;
	v10 =	vpop (erf)  }
0x206: {  	[tilespmem:s15+$0xB540] =	vst v6;
	(erf) = vpow2.f32 v11;
	v11 =	vld [tilespmem:s10+$0x20];
	v1 =	vmul.f32 $1.442695020e+00, v14;
	v6 =	vadd.f32 $1.000000000e+00, v10  }
0x207: {  	v8 =	vld [tilespmem:s4+$0x6560];
	v4 =	vadd.f32 v12, v4  }
0x208: {  	v10 =	vld [tilespmem:s16+$0x0];
	(erf) = vpow2.f32 v1  }
0x209: {  	v1 =	vld [tilespmem:s9+$0xFFFFFFE0];
	v14 =	vsub.f32 $0.0e+00, v4  }
0x20a: {  	v9 =	vld [tilespmem:s0+$0x8D70];
	(erf) = vrcp.f32 v6;
	v6 =	vpop (erf)  }
0x20b: {  	s5 =	simm.s32 $0x2D00;
	v13 =	vld [tilespmem:s4+$0x8D60];
	v6 =	vmul.f32 v6, v11  }
0x20c: {  	v12 =	vld [tilespmem:s5+$0xFFFFFFC0];
	v11 =	vmul.f32 $1.442695020e+00, v14  }
0x20d: {  	v5 =	vld [tilespmem:s0+$0x6570];
	v14 =	vpop (erf);
	[tilespmem:s0+$0xDD60] =	vst v6  }
0x20e: {  	[tilespmem:s13+$0xB550] =	vst v7;
	v1 =	vadd.f32 v8, v1;
	v6 =	vmul.f32 v14, v10;
	(erf) = vpow2.f32 v11;
	v8 =	vld [tilespmem:s10+$0xFFFFFFF0]  }
0x20f: {  	v7 =	vpop (erf);
	v10 =	vld [tilespmem:s26+$0x10]  }
0x210: {  	v11 =	vld [tilespmem:s15+$0x6550];
	v1 =	vadd.f32 v13, v1;
	v7 =	vadd.f32 $1.000000000e+00, v7;
	[tilespmem:s15+$0xDD40] =	vst v6  }
0x211: {  	v6 =	vadd.f32 v15, v12;
	v12 =	vpop (erf);
	v13 =	vld [tilespmem:s16+$0xFFFFFFD0]  }
0x212: {  	v14 =	vsub.f32 $0.0e+00, v1;
	(erf) = vrcp.f32 v7;
	v7 =	vadd.f32 $1.000000000e+00, v12  }
0x213: {  	v12 =	vadd.f32 v16, v6;
	v6 =	vld [tilespmem:s15+$0x8D50];
	v5 =	vadd.f32 v5, v8;
	_ =	sdelay $0x1  }
0x214: {  	v16 =	vpop (erf);
	v14 =	vmul.f32 $1.442695020e+00, v14;
	(erf) = vrcp.f32 v7;
	v17 =	vadd.f32 v9, v5  }
0x215: {  	[tilespmem:s19+$0xB560] =	vst v3;
	v7 =	vmul.f32 v16, v10;
	v10 =	vsub.f32 $0.0e+00, v12;
	v3 =	vadd.f32 v11, v13  }
0x216: {  	[tilespmem:s22+$0xB540] =	vst v2;
	(erf) = vpow2.f32 v14;
	v5 =	vld [tilespmem:s21+$0x20];
	v9 =	vpop (erf);
	v11 =	vsub.f32 $0.0e+00, v17  }
0x217: {  	[tilespmem:s13+$0xDD50] =	vst v7;
	v7 =	vmul.f32 $1.442695020e+00, v10;
	v10 =	vld [tilespmem:s13+$0x6560];
	v2 =	vadd.f32 v6, v3;
	v3 =	vadd.f32 $1.000000000e+00, v9  }
0x218: {  	v6 =	vld [tilespmem:s30+$0x0]  }
0x219: {  	(erf) = vpow2.f32 v7;
	v7 =	vld [tilespmem:s26+$0xFFFFFFE0];
	v9 =	vmul.f32 $1.442695020e+00, v11  }
0x21a: {  	s6 =	simm.s32 $0x200  }
0x21b: {  	s7 =	simm.s32 $0x2D80;
	v14 =	vld [tilespmem:s6+$0x6540];
	(erf) = vrcp.f32 v3;
	v3 =	vpop (erf)  }
0x21c: {  	v11 =	vld [tilespmem:s7+$0xFFFFFFC0];
	v13 =	vsub.f32 $0.0e+00, v2;
	v3 =	vmul.f32 v3, v5  }
0x21d: {  	v16 =	vld [tilespmem:s13+$0x8D60];
	(erf) = vpow2.f32 v9;
	v9 =	vpop (erf)  }
0x21e: {  	v5 =	vmul.f32 $1.442695020e+00, v13;
	v13 =	vld [tilespmem:s6+$0x8D40];
	[tilespmem:s19+$0xDD60] =	vst v3;
	v3 =	vmul.f32 v9, v6;
	v6 =	vadd.f32 v10, v7  }
0x21f: {  	v15 =	vld [tilespmem:s19+$0x8D70]  }
0x220: {  	[tilespmem:s1+$0xB550] =	vst v4;
	v8 =	vld [tilespmem:s19+$0x6570];
	v4 =	vpop (erf)  }
0x221: {  	(erf) = vpow2.f32 v5;
	v5 =	vadd.f32 v14, v11;
	v7 =	vld [tilespmem:s21+$0xFFFFFFF0];
	v4 =	vadd.f32 $1.000000000e+00, v4  }
0x222: {  	v9 =	vld [tilespmem:s2+$0x10];
	[tilespmem:s22+$0xDD40] =	vst v3;
	v3 =	vadd.f32 v16, v6;
	v6 =	vpop (erf)  }
0x223: {  	v10 =	vld [tilespmem:s22+$0x6550];
	(erf) = vrcp.f32 v4;
	v4 =	vadd.f32 v13, v5;
	v13 =	vadd.f32 $1.000000000e+00, v6  }
0x224: {  	[tilespmem:s23+$0xB540] =	vst v12;
	v11 =	vld [tilespmem:s30+$0xFFFFFFD0];
	v14 =	vsub.f32 $0.0e+00, v3  }
0x225: {  	v12 =	vld [tilespmem:s5+$0x0]  }
0x226: {  	v16 =	vld [tilespmem:s22+$0x8D50];
	v6 =	vpop (erf);
	v7 =	vadd.f32 v8, v7;
	v14 =	vmul.f32 $1.442695020e+00, v14  }
0x227: {  	v5 =	vld [tilespmem:s4+$0x8D70];
	v61 =	vsub.f32 $0.0e+00, v4;
	v9 =	vmul.f32 v6, v9;
	(erf) = vrcp.f32 v13;
	v13 =	vpop (erf)  }
0x228: {  	[tilespmem:s4+$0xB560] =	vst v1;
	v6 =	vld [tilespmem:s4+$0x6570];
	v1 =	vadd.f32 v15, v7;
	(erf) = vpow2.f32 v14;
	v7 =	vadd.f32 $1.000000000e+00, v13  }
0x229: {  	[tilespmem:s1+$0xDD50] =	vst v9;
	v9 =	vmul.f32 $1.442695020e+00, v61;
	v11 =	vadd.f32 v10, v11;
	v14 =	vld [tilespmem:s9+$0x20]  }
0x22a: {  	v10 =	vld [tilespmem:s1+$0x6560];
	v13 =	vpop (erf);
	v15 =	vsub.f32 $0.0e+00, v1;
	(erf) = vrcp.f32 v7  }
0x22b: {  	v62 =	vadd.f32 $1.000000000e+00, v13;
	v13 =	vld [tilespmem:s2+$0xFFFFFFE0];
	v7 =	vadd.f32 v16, v11;
	(erf) = vpow2.f32 v9  }
0x22c: {  	s14 =	simm.s32 $0x240;
	v8 =	vld [tilespmem:s1+$0x8D60];
	v16 =	vmul.f32 $1.442695020e+00, v15  }
0x22d: {  	s11 =	simm.s32 $0x2E00;
	v63 =	vpop (erf);
	v11 =	vld [tilespmem:s14+$0x6540];
	(erf) = vrcp.f32 v62;
	v15 =	vsub.f32 $0.0e+00, v7  }
0x22e: {  	s3 =	sadd.s32 $0x1, s3;
	s17 =	smov.u32 s18;
	s20 =	simm.s32 $0xA00;
	[tilespmem:s0+$0xB570] =	vst v17;
	v9 =	vld [tilespmem:s11+$0xFFFFFFC0];
	v14 =	vmul.f32 v63, v14;
	(erf) = vpow2.f32 v16  }
.LBB2_7:
0x22f: {  	p1 =	sne.s32 s20, $0x4F00;
	v15 =	vmul.f32 $1.442695020e+00, v15;
	v16 =	vld [tilespmem:s10+$0x30];
	s10 =	smov.u32 s21;
	s21 =	smov.u32 s9  }
0x230: {  	s9 =	smov.u32 s26;
	s26 =	smov.u32 s2;
	s2 =	smov.u32 s16;
	v17 =	vld [tilespmem:s14+$0x8D40];
	v18 =	vpop (erf);
	v10 =	vadd.f32 v10, v13;
	[tilespmem:s4+$0xDD60] =	vst v14  }
0x231: {  	s16 =	smov.u32 s30;
	s30 =	smov.u32 s5;
	s5 =	smov.u32 s7;
	v18 =	vmul.f32 v18, v12;
	(erf) = vpow2.f32 v15;
	[tilespmem:s15+$0xB550] =	vst v2;
	v13 =	vpop (erf);
	v14 =	vld [tilespmem:s21+$0xFFFFFFF0];
	v2 =	vmov v7  }
0x232: {  	s7 =	smov.u32 s11;
	v7 =	vld [tilespmem:s2+$0x10];
	v10 =	vadd.f32 v8, v10;
	v8 =	vadd.f32 $1.000000000e+00, v13  }
0x233: {  	v9 =	vadd.f32 v11, v9;
	[tilespmem:s23+$0xDD40] =	vst v18;
	v11 =	vld [tilespmem:s23+$0x6550];
	v12 =	vpop (erf)  }
0x234: {  	v13 =	vpop (erf);
	v15 =	vld [tilespmem:s30+$0xFFFFFFD0];
	v18 =	vsub.f32 $0.0e+00, v10;
	(erf) = vrcp.f32 v8;
	v8 =	vmul.f32 v12, v16  }
0x235: {  	v9 =	vadd.f32 v17, v9;
	v20 =	vadd.f32 $1.000000000e+00, v13;
	v13 =	vld [tilespmem:s13+$0x8D70]  }
0x236: {  	v16 =	vld [tilespmem:s23+$0x8D50];
	v17 =	vpop (erf);
	v18 =	vmul.f32 $1.442695020e+00, v18;
	v14 =	vadd.f32 v6, v14;
	[tilespmem:s0+$0xDD70] =	vst v8;
	s0 =	smov.u32 s19;
	s19 =	smov.u32 s4;
	s4 =	smov.u32 s13  }
0x237: {  	s13 =	smov.u32 s1;
	s1 =	smov.u32 s15;
	s15 =	smov.u32 s22;
	v19 =	vsub.f32 $0.0e+00, v9;
	(erf) = vrcp.f32 v20;
	v7 =	vmul.f32 v17, v7;
	v6 =	vld [tilespmem:s4+$0x6570];
	v12 =	vpop (erf)  }
0x238: {  	s22 =	smov.u32 s23;
	s23 =	smov.u32 s6;
	s6 =	smov.u32 s14;
	v8 =	vld [tilespmem:s1+$0x8D60];
	(erf) = vpow2.f32 v18;
	[tilespmem:s4+$0xB560] =	vst v3;
	v17 =	vadd.f32 v5, v14;
	v20 =	vadd.f32 $1.000000000e+00, v12;
	v3 =	vmovc v10  }
0x239: {  	v12 =	vmul.f32 $1.442695020e+00, v19;
	v11 =	vadd.f32 v11, v15;
	v14 =	vld [tilespmem:s9+$0x20]  }
.Ltmp2:
0x23a: {  	v15 =	vpop (erf);
	[tilespmem:s1+$0xDD50] =	vst v7;
	v10 =	vld [tilespmem:s1+$0x6560];
	v19 =	vsub.f32 $0.0e+00, v17;
	(erf) = vrcp.f32 v20;
	v5 =	vmov v13;
	(pc) =	sbr.rel @p1 .LBB2_7-.Ltmp2, $4  }
0x23b: {  	(erf) = vpow2.f32 v12;
	[tilespmem:s23+$0xB540] =	vst v4;
	v7 =	vadd.f32 v16, v11;
	v11 =	vadd.f32 $1.000000000e+00, v15;
	v13 =	vld [tilespmem:s2+$0xFFFFFFE0];
	v4 =	vmovc v9  }
0x23c: {  	s11 =	sadd.s32 $0x80, s11;
	v12 =	vld [tilespmem:s5+$0x0];
	v16 =	vmul.f32 $1.442695020e+00, v19  }
0x23d: {  	s14 =	sshra.s32 s20, $0x2;
	v9 =	vld [tilespmem:s11+$0xFFFFFFC0];
	v15 =	vsub.f32 $0.0e+00, v7;
	(erf) = vrcp.f32 v11;
	v18 =	vpop (erf)  }
0x23e: {  	s20 =	sadd.s32 $0x100, s20;
	v11 =	vld [tilespmem:s14+$0x6540];
	v14 =	vmul.f32 v18, v14;
	(erf) = vpow2.f32 v16;
	[tilespmem:s0+$0xB570] =	vst v1;
	v1 =	vmov v17  }
0x23f: {  	_ = 	snop  }
0x240: {  	v16 =	vld [tilespmem:s14+$0x8D40]  }
0x241: {  	v10 =	vadd.f32 v10, v13  }
0x242: {  	v47 =	vpop (erf)  }
0x243: {  	v46 =	vmul.f32 $1.442695020e+00, v15;
	[tilespmem:s4+$0xDD60] =	vst v14;
	v48 =	vpop (erf);
	v8 =	vadd.f32 v8, v10;
	v9 =	vadd.f32 v11, v9  }
0x244: {  	[tilespmem:s15+$0xB550] =	vst v2;
	v12 =	vmul.f32 v47, v12;
	v49 =	vld [tilespmem:s9+$0xFFFFFFF0];
	v50 =	vadd.f32 $1.000000000e+00, v48;
	v2 =	vpop (erf)  }
0x245: {  	(erf) = vpow2.f32 v46;
	v52 =	vpop (erf);
	v53 =	vsub.f32 $0.0e+00, v8;
	v9 =	vadd.f32 v16, v9  }
0x246: {  	v54 =	vld [tilespmem:s23+$0x6550];
	[tilespmem:s23+$0xDD40] =	vst v12;
	v55 =	vadd.f32 $1.000000000e+00, v52;
	v56 =	vpop (erf)  }
0x247: {  	(erf) = vrcp.f32 v50;
	v57 =	vld [tilespmem:s5+$0xFFFFFFD0];
	v14 =	vmul.f32 $1.442695020e+00, v53;
	v17 =	vsub.f32 $0.0e+00, v9;
	v18 =	vpop (erf)  }
0x248: {  	v61 =	vld [tilespmem:s23+$0x8D50];
	(erf) = vrcp.f32 v55;
	v58 =	vadd.f32 $1.000000000e+00, v18  }
0x249: {  	[tilespmem:s13+$0xB560] =	vst v3;
	v51 =	vld [tilespmem:s16+$0x10];
	v3 =	vadd.f32 v6, v49;
	(erf) = vpow2.f32 v14;
	v60 =	vmul.f32 $1.442695020e+00, v17  }
0x24a: {  	(erf) = vrcp.f32 v58  }
0x24b: {  	v3 =	vadd.f32 v5, v3;
	(erf) = vpow2.f32 v60  }
0x24c: {  	v62 =	vld [tilespmem:s26+$0x20];
	v16 =	vadd.f32 v54, v57  }
0x24d: {  	[tilespmem:s6+$0xB540] =	vst v4;
	v23 =	vsub.f32 $0.0e+00, v3  }
0x24e: {  	v20 =	vld [tilespmem:s7+$0x0];
	v63 =	vmul.f32 v56, v51;
	v22 =	vpop (erf);
	v24 =	vadd.f32 v61, v16  }
0x24f: {  	v19 =	vld [tilespmem:s13+$0x8D70];
	v12 =	vadd.f32 $1.000000000e+00, v22;
	v4 =	vmul.f32 $1.442695020e+00, v23  }
0x250: {  	v26 =	vld [tilespmem:s15+$0x6560];
	[tilespmem:s15+$0xDD50] =	vst v63;
	v25 =	vpop (erf);
	v28 =	vsub.f32 $0.0e+00, v24  }
0x251: {  	v27 =	vld [tilespmem:s16+$0xFFFFFFE0];
	(erf) = vrcp.f32 v12;
	v5 =	vmul.f32 v25, v62;
	v29 =	vpop (erf)  }
0x252: {  	v59 =	vld [tilespmem:s13+$0x6570];
	v32 =	vmul.f32 $1.442695020e+00, v28;
	(erf) = vpow2.f32 v4;
	v31 =	vpop (erf)  }
0x253: {  	v21 =	vld [tilespmem:s15+$0x8D60];
	[tilespmem:s13+$0xDD60] =	vst v5;
	v30 =	vmul.f32 v29, v20;
	v4 =	vpop (erf)  }
0x254: {  	v33 =	vld [tilespmem:s26+$0xFFFFFFF0];
	(erf) = vpow2.f32 v32;
	v10 =	vadd.f32 $1.000000000e+00, v31;
	v35 =	vpop (erf)  }
0x255: {  	v36 =	vld [tilespmem:s6+$0x6550];
	[tilespmem:s6+$0xDD40] =	vst v30;
	v5 =	vadd.f32 $1.000000000e+00, v35  }
0x256: {  	v6 =	vadd.f32 v26, v27;
	v37 =	vld [tilespmem:s7+$0xFFFFFFD0];
	(erf) = vrcp.f32 v10  }
0x257: {  	[tilespmem:s22+$0xB550] =	vst v7;
	v39 =	vld [tilespmem:s6+$0x8D50];
	(erf) = vrcp.f32 v5  }
0x258: {  	v34 =	vld [tilespmem:s30+$0x10];
	v11 =	vadd.f32 v21, v6  }
0x259: {  	v7 =	vadd.f32 v59, v33  }
0x25a: {  	[tilespmem:s1+$0xB560] =	vst v8;
	v41 =	vsub.f32 $0.0e+00, v11;
	v42 =	vpop (erf)  }
0x25b: {  	v43 =	vld [tilespmem:s2+$0x20];
	[tilespmem:s14+$0xB540] =	vst v9;
	v5 =	vadd.f32 v19, v7;
	v45 =	vpop (erf);
	v46 =	vadd.f32 v36, v37  }
0x25c: {  	v47 =	vld [tilespmem:s11+$0x0];
	v44 =	vmul.f32 $1.442695020e+00, v41;
	v48 =	vadd.f32 $1.000000000e+00, v45  }
0x25d: {  	v38 =	vld [tilespmem:s1+$0x8D70];
	v8 =	vmul.f32 v42, v34;
	v50 =	vpop (erf);
	v51 =	vsub.f32 $0.0e+00, v5;
	v52 =	vadd.f32 v39, v46  }
0x25e: {  	v40 =	vld [tilespmem:s1+$0x6570];
	(erf) = vpow2.f32 v44;
	v53 =	vadd.f32 $1.000000000e+00, v50  }
0x25f: {  	v55 =	vld [tilespmem:s22+$0x6560];
	[tilespmem:s22+$0xDD50] =	vst v8;
	(erf) = vrcp.f32 v48;
	v56 =	vmul.f32 $1.442695020e+00, v51;
	v54 =	vpop (erf);
	v57 =	vsub.f32 $0.0e+00, v52  }
0x260: {  	v59 =	vld [tilespmem:s30+$0xFFFFFFE0];
	(erf) = vrcp.f32 v53;
	v7 =	vmul.f32 v54, v43;
	v58 =	vpop (erf)  }
0x261: {  	v49 =	vld [tilespmem:s22+$0x8D60];
	v61 =	vmul.f32 $1.442695020e+00, v57;
	v60 =	vmul.f32 v58, v47  }
0x262: {  	v62 =	vld [tilespmem:s14+$0x6550];
	(erf) = vpow2.f32 v56;
	[tilespmem:s1+$0xDD60] =	vst v7  }
0x263: {  	v7 =	vld [tilespmem:s2+$0xFFFFFFF0];
	(erf) = vpow2.f32 v61;
	[tilespmem:s14+$0xDD40] =	vst v60  }
0x264: {  	[tilespmem:s23+$0xB550] =	vst v24;
	v63 =	vld [tilespmem:s11+$0xFFFFFFD0]  }
0x265: {  	v20 =	vld [tilespmem:s5+$0x10];
	v18 =	vadd.f32 v55, v59  }
0x266: {  	v21 =	vld [tilespmem:s14+$0x8D50]  }
0x267: {  	v15 =	vadd.f32 v49, v18  }
0x268: {  	v22 =	vpop (erf);
	v7 =	vadd.f32 v40, v7  }
0x269: {  	v23 =	vsub.f32 $0.0e+00, v15;
	v6 =	vpop (erf);
	v9 =	vadd.f32 v62, v63  }
0x26a: {  	v25 =	vadd.f32 $1.000000000e+00, v22;
	v24 =	vpop (erf);
	v7 =	vadd.f32 v38, v7  }
0x26b: {  	v26 =	vmul.f32 $1.442695020e+00, v23;
	v8 =	vmul.f32 v24, v20;
	v27 =	vpop (erf);
	v9 =	vadd.f32 v21, v9  }
0x26c: {  	(erf) = vrcp.f32 v25;
	v30 =	vadd.f32 $1.000000000e+00, v27;
	v31 =	vpop (erf);
	v32 =	vsub.f32 $0.0e+00, v7  }
0x26d: {  	v33 =	vld [tilespmem:s23+$0x6560];
	(erf) = vpow2.f32 v26;
	[tilespmem:s23+$0xDD50] =	vst v8;
	v14 =	vadd.f32 $1.000000000e+00, v31;
	v34 =	vsub.f32 $0.0e+00, v9  }
0x26e: {  	(erf) = vrcp.f32 v30;
	v35 =	vld [tilespmem:s5+$0xFFFFFFE0];
	v8 =	vmul.f32 $1.442695020e+00, v32  }
0x26f: {  	(erf) = vrcp.f32 v14;
	v37 =	vmul.f32 $1.442695020e+00, v34  }
0x270: {  	v28 =	vld [tilespmem:s23+$0x8D60];
	(erf) = vpow2.f32 v8  }
0x271: {  	[tilespmem:s15+$0xB560] =	vst v11;
	(erf) = vpow2.f32 v37  }
0x272: {  	v38 =	vld [tilespmem:s16+$0x20]  }
0x273: {  	v10 =	vadd.f32 v33, v35  }
0x274: {  	[tilespmem:s6+$0xB550] =	vst v52  }
0x275: {  	v40 =	vld [tilespmem:s7+$0x10];
	v39 =	vpop (erf);
	v10 =	vadd.f32 v28, v10  }
0x276: {  	v41 =	vpop (erf)  }
0x277: {  	v11 =	vmul.f32 v39, v38;
	v8 =	vpop (erf);
	v16 =	vsub.f32 $0.0e+00, v10  }
0x278: {  	v42 =	vadd.f32 $1.000000000e+00, v41;
	v43 =	vpop (erf)  }
0x279: {  	v36 =	vld [tilespmem:s15+$0x6570];
	[tilespmem:s15+$0xDD60] =	vst v11;
	v16 =	vmul.f32 $1.442695020e+00, v16;
	v45 =	vpop (erf)  }
0x27a: {  	v44 =	vld [tilespmem:s16+$0xFFFFFFF0];
	(erf) = vrcp.f32 v42;
	v13 =	vmul.f32 v43, v40;
	v47 =	vadd.f32 $1.000000000e+00, v45;
	v48 =	vpop (erf)  }
0x27b: {  	v29 =	vld [tilespmem:s15+$0x8D70];
	(erf) = vpow2.f32 v16;
	v49 =	vadd.f32 $1.000000000e+00, v48  }
0x27c: {  	v51 =	vld [tilespmem:s6+$0x6560];
	[tilespmem:s6+$0xDD50] =	vst v13;
	(erf) = vrcp.f32 v47  }
0x27d: {  	v52 =	vld [tilespmem:s7+$0xFFFFFFE0];
	(erf) = vrcp.f32 v49;
	_ =	sdelay $0x1  }
0x27e: {  	[tilespmem:s22+$0xB560] =	vst v15;
	v20 =	vld [tilespmem:s6+$0x8D60];
	v53 =	vadd.f32 v36, v44  }
0x27f: {  	v15 =	vld [tilespmem:s30+$0x20]  }
0x280: {  	[tilespmem:s14+$0xB550] =	vst v9;
	v9 =	vadd.f32 v29, v53  }
0x281: {  	v54 =	vld [tilespmem:s11+$0x10];
	v13 =	vadd.f32 v51, v52  }
0x282: {  	v56 =	vsub.f32 $0.0e+00, v9;
	v55 =	vpop (erf)  }
0x283: {  	v57 =	vpop (erf);
	v13 =	vadd.f32 v20, v13  }
0x284: {  	v14 =	vmul.f32 $1.442695020e+00, v56;
	v15 =	vmul.f32 v55, v15;
	v17 =	vpop (erf)  }
0x285: {  	v46 =	vld [tilespmem:s22+$0x8D70];
	v16 =	vadd.f32 $1.000000000e+00, v57;
	v20 =	vsub.f32 $0.0e+00, v13;
	v58 =	vpop (erf)  }
0x286: {  	v50 =	vld [tilespmem:s22+$0x6570];
	[tilespmem:s22+$0xDD60] =	vst v15;
	(erf) = vpow2.f32 v14;
	v12 =	vmul.f32 v58, v54  }
0x287: {  	v59 =	vld [tilespmem:s30+$0xFFFFFFF0];
	(erf) = vrcp.f32 v16;
	v62 =	vmul.f32 $1.442695020e+00, v20  }
0x288: {  	v63 =	vld [tilespmem:s14+$0x6560];
	[tilespmem:s14+$0xDD50] =	vst v12  }
0x289: {  	(erf) = vpow2.f32 v62;
	v24 =	vld [tilespmem:s11+$0xFFFFFFE0];
	_ =	sdelay $0x1  }
0x28a: {  	v60 =	vld [tilespmem:s14+$0x8D60];
	[tilespmem:s23+$0xB560] =	vst v10  }
0x28b: {  	v27 =	vld [tilespmem:s5+$0x20];
	v26 =	vadd.f32 v50, v59;
	_ =	sdelay $0x1  }
0x28c: {  	v10 =	vadd.f32 v46, v26;
	v28 =	vadd.f32 v63, v24  }
0x28d: {  	v29 =	vpop (erf)  }
0x28e: {  	v30 =	vsub.f32 $0.0e+00, v10;
	v31 =	vpop (erf);
	v11 =	vadd.f32 v60, v28  }
0x28f: {  	v12 =	vadd.f32 $1.000000000e+00, v29;
	v32 =	vmul.f32 v31, v27  }
0x290: {  	v16 =	vmul.f32 $1.442695020e+00, v30;
	v33 =	vpop (erf);
	v34 =	vsub.f32 $0.0e+00, v11  }
0x291: {  	v25 =	vld [tilespmem:s23+$0x6570];
	(erf) = vrcp.f32 v12;
	[tilespmem:s23+$0xDD60] =	vst v32;
	v35 =	vadd.f32 $1.000000000e+00, v33  }
0x292: {  	(erf) = vpow2.f32 v16;
	v14 =	vld [tilespmem:s5+$0xFFFFFFF0];
	v36 =	vmul.f32 $1.442695020e+00, v34  }
0x293: {  	(erf) = vrcp.f32 v35  }
0x294: {  	v61 =	vld [tilespmem:s23+$0x8D70];
	(erf) = vpow2.f32 v36;
	_ =	sdelay $0x2  }
0x295: {  	[tilespmem:s6+$0xB560] =	vst v13;
	v14 =	vadd.f32 v25, v14  }
0x296: {  	v13 =	vld [tilespmem:s7+$0x20]  }
0x297: {  	v14 =	vadd.f32 v61, v14  }
0x298: {  	v39 =	vpop (erf)  }
0x299: {  	v40 =	vpop (erf);
	v41 =	vsub.f32 $0.0e+00, v14  }
0x29a: {  	v18 =	vadd.f32 $1.000000000e+00, v40;
	v42 =	vpop (erf)  }
0x29b: {  	v19 =	vmul.f32 $1.442695020e+00, v41;
	v13 =	vmul.f32 v42, v13;
	v43 =	vpop (erf)  }
0x29c: {  	(erf) = vrcp.f32 v18;
	v44 =	vadd.f32 $1.000000000e+00, v43  }
0x29d: {  	v38 =	vld [tilespmem:s6+$0x6570];
	(erf) = vpow2.f32 v19;
	[tilespmem:s6+$0xDD60] =	vst v13  }
0x29e: {  	v13 =	vld [tilespmem:s7+$0xFFFFFFF0];
	(erf) = vrcp.f32 v44;
	_ =	sdelay $0x1  }
0x29f: {  	v37 =	vld [tilespmem:s6+$0x8D70];
	_ =	sdelay $0x1  }
0x2a0: {  	[tilespmem:s14+$0xB560] =	vst v11  }
0x2a1: {  	v48 =	vld [tilespmem:s11+$0x20];
	v47 =	vadd.f32 v38, v13;
	_ =	sdelay $0x1  }
0x2a2: {  	v49 =	vpop (erf);
	v11 =	vadd.f32 v37, v47  }
0x2a3: {  	v50 =	vpop (erf)  }
0x2a4: {  	v51 =	vsub.f32 $0.0e+00, v11;
	v21 =	vpop (erf)  }
0x2a5: {  	v12 =	vadd.f32 $1.000000000e+00, v50;
	v13 =	vmul.f32 v21, v48  }
0x2a6: {  	v20 =	vmul.f32 $1.442695020e+00, v51  }
0x2a7: {  	v46 =	vld [tilespmem:s14+$0x6570];
	(erf) = vrcp.f32 v12;
	[tilespmem:s14+$0xDD60] =	vst v13  }
0x2a8: {  	(erf) = vpow2.f32 v20;
	v52 =	vld [tilespmem:s11+$0xFFFFFFF0];
	_ =	sdelay $0x1  }
0x2a9: {  	v45 =	vld [tilespmem:s14+$0x8D70];
	_ =	sdelay $0x2  }
0x2aa: {  	v12 =	vadd.f32 v46, v52;
	_ =	sdelay $0x1  }
0x2ab: {  	v12 =	vadd.f32 v45, v12  }
0x2ac: {  	v53 =	vpop (erf)  }
0x2ad: {  	v54 =	vpop (erf);
	v55 =	vsub.f32 $0.0e+00, v12  }
0x2ae: {  	v18 =	vadd.f32 $1.000000000e+00, v54  }
0x2af: {  	[tilespmem:s19+$0xB570] =	vst v1;
	v19 =	vmul.f32 $1.442695020e+00, v55  }
0x2b0: {  	v1 =	vld [tilespmem:s21+$0x30];
	(erf) = vrcp.f32 v18  }
0x2b1: {  	v56 =	vld [tilespmem:s10+$0x30];
	(erf) = vpow2.f32 v19;
	_ =	sdelay $0x3  }
0x2b2: {  	v1 =	vmul.f32 v4, v1  }
0x2b3: {  	v2 =	vmul.f32 v2, v56  }
0x2b4: {  	[tilespmem:s4+$0xB570] =	vst v3  }
0x2b5: {  	v3 =	vld [tilespmem:s9+$0x30];
	[tilespmem:s13+$0xB570] =	vst v5  }
0x2b6: {  	[tilespmem:s19+$0xDD70] =	vst v1;
	v57 =	vld [tilespmem:s26+$0x30];
	v1 =	vpop (erf)  }
0x2b7: {  	[tilespmem:s0+$0xDD70] =	vst v2;
	v2 =	vpop (erf)  }
0x2b8: {  	[tilespmem:s1+$0xB570] =	vst v7;
	v2 =	vadd.f32 $1.000000000e+00, v2  }
0x2b9: {  	[tilespmem:s15+$0xB570] =	vst v9;
	v58 =	vld [tilespmem:s2+$0x30]  }
0x2ba: {  	v3 =	vmul.f32 v6, v3;
	[tilespmem:s22+$0xB570] =	vst v10;
	(erf) = vrcp.f32 v2;
	v2 =	vld [tilespmem:s16+$0x30]  }
0x2bb: {  	v4 =	vmul.f32 v8, v57;
	v59 =	vld [tilespmem:s30+$0x30];
	[tilespmem:s23+$0xB570] =	vst v14  }
0x2bc: {  	[tilespmem:s4+$0xDD70] =	vst v3;
	v60 =	vld [tilespmem:s5+$0x30]  }
0x2bd: {  	[tilespmem:s13+$0xDD70] =	vst v4  }
0x2be: {  	v5 =	vmul.f32 v17, v58;
	[tilespmem:s6+$0xB570] =	vst v11  }
0x2bf: {  	v61 =	vld [tilespmem:s7+$0x30];
	[tilespmem:s14+$0xB570] =	vst v12;
	v2 =	vmul.f32 v39, v2  }
0x2c0: {  	[tilespmem:s1+$0xDD70] =	vst v5;
	v62 =	vmul.f32 v49, v59;
	v3 =	vld [tilespmem:s11+$0x30]  }
0x2c1: {  	[tilespmem:s15+$0xDD70] =	vst v2;
	v2 =	vmul.f32 v53, v60  }
0x2c2: {  	[tilespmem:s22+$0xDD70] =	vst v62  }
0x2c3: {  	[tilespmem:s23+$0xDD70] =	vst v2  }
0x2c4: {  	s22 =	sshll.u32 s25, $0x7;
	v1 =	vmul.f32 v1, v61;
	v63 =	vpop (erf);
	s1 =	rddreg [dreg:$0x14]  }
0x2c5: {  	p1 =	sne.s32 s3, $0x7D;
	v2 =	vmul.f32 v63, v3;
	s0 =	sor.u32 s1, s22  }
.Ltmp3:
0x2c6: {  	s26 =	simm.s32 $0xB540;
	[tilespmem:s6+$0xDD70] =	vst v1;
	s0 =	sshrl.u32 s0, $0x3;
	(pc) =	sbr.rel @p1 .LBB2_4-.Ltmp3, $4  }
0x2c7: {  	s25 =	simm.s32 $0x80;
	s23 =	simm.s32 $0x40;
	[tilespmem:s14+$0xDD70] =	vst v2;
	s0 =	sadd.s32 s28, s0  }
0x2c8: {  	[hbm4b:s0+s23] =	stream.strided.scatter [tilespmem:s26], [sflag:$0x4], $0x1400, s25, s23, $0x38;
	[tilespmem:$0x1C180] =	vst v63  }
0x2c9: {  	s30 =	simm.s32 $0xDD40;
	s5 =	simm.s32 $0xF0  }
0x2ca: {  	[spmem:s17] =	stream.indirect.scatter.add.f32 [tilespmem:s30], [sflag:$0x6], $0x40, s5, s29, $0xb8;
	[tilespmem:$0x1C180] =	vst v63  }
0x2cb: {  	s0 =	simm.s32 $0x4  }
0x2cc: {  	_ =	swait.ge [sflag:s0], $0x1400  }
0x2cd: {  	[sflag:s0] =	ssyncset.done $0x0  }
0x2ce: {  	s25 =	simm.s32 $0x6;
	[sflag:s0] =	ssyncadd.s32 $0xFFFFEC00  }
0x2cf: {  	_ =	swait.ge [sflag:s25], $0x1400  }
0x2d0: {  	[sflag:s25] =	ssyncset.done $0x0  }
0x2d1: {  	[sflag:s25] =	ssyncadd.s32 $0xFFFFEC00  }
0x2d2: {  	s26 =	stileid.u32;
	[bflag:$0x0] =	sbarrier.arrive $0xFFFF  }
0x2d3: {  	s3 =	simm.s32 $0x9;
	s0 =	sshll.u32 s26, $0x6;
	s15 =	rddreg [dreg:$0x9]  }
0x2d4: {  	s0 =	sor.u32 $0x1C09, s0;
	s2 =	rddreg [dreg:$0x15];
	s1 =	sshrl.u32 s15, $0x3  }
0x2d5: {  	[hbm:s2], [sflag:s0] =	dma.local [spmem:s1], $0x1380  }
0x2d6: {  	_ =	swait.ge [sflag:s3], $0x1380  }
0x2d7: {  	[sflag:s3] =	ssyncset.done $0x0;
	s18 =	rddreg [dreg:$0xd]  }
0x2d8: {  	s2 =	rddreg [dreg:$0x16];
	[sflag:s3] =	ssyncadd.s32 $0xFFFFEC80;
	s1 =	sshrl.u32 @!p0 s18, $0x3  }
0x2d9: {  	[hbm:s2], [sflag:s0] =	dma.local @!p0 [spmem:s1], $0x80  }
0x2da: {  	s0 =	simm.s32 @!p0 $0x9  }
0x2db: {  	_ =	swait.ge @!p0 [sflag:s0], $0x80  }
0x2dc: {  	s10 =	rddreg [dreg:$0x5]  }
0x2dd: {  	s30 =	rddreg [dreg:$0x17];
	s10 =	sadd.s32 $0x1, s10  }
0x2de: {  	p1 =	sne.s32 s10, s30  }
.Ltmp4:
0x2df: {  	_ = 	snop;
	(pc) =	sbr.rel @p1 .LBB2_1-.Ltmp4, $3  }
0x2e0: {  	_ =	sdelay $0x1  }
0x2e1: {  	[sflag:s0] =	ssyncset.done @!p0 $0x0  }
0x2e2: {  	[sflag:s0] =	ssyncadd.s32 @!p0 $0xFFFFFF80  }
0x2e3: {  	_ =	sfence.sel $0x180000  }
0x2e4: {  	[bflag:$0x0] =	sbarrier.arrive $0xFFFF  }
0x2e5: {  	_ =	strace $0x9000004A  }
0x2e6: {  	s0 =	stileid.u32;
	[bflag:$0x2] =	sbarrier.arrive $0xFFFF  }
0x2e7: {  	p0 =	sne.s32 s0, $0x0;
	s0 =	rddreg [dreg:$0x4]  }
0x2e8: {  	s0 =	sadd.s32 @!p0 $0x100000, s0  }
0x2e9: {  	[sflag:s0] =	ssyncadd.tile.s32 @!p0 $0x1;
	_ =	shalt  }
.Lfunc_end2:
_tile_overlayer_lowered:
.L_overlay_start_2:
0x2ea: {  	(tag) =	ssettag $0x2  }
0x2eb: {  	s0 =	rddreg [dreg:$0x0];
	s2 =	stileid.u32  }
0x2ec: {  	s1 =	rddreg [dreg:$0x1];
	p0 =	sne.s32 s2, $0x0  }
0x2ed: {  	s3 =	rddreg [dreg:$0x2];
	[bflag:$0x3] =	sbarrier.arrive $0xFFFF;
	s2 =	simm.s32 @!p0 $0x1C09  }
0x2ee: {  	[timem:s3], [sflag:s2] =	dma.local @!p0 [hbm:s0], s1  }
0x2ef: {  	s0 =	simm.s32 @!p0 $0x9  }
0x2f0: {  	_ =	swait.ge @!p0 [sflag:s0], s1  }
0x2f1: {  	s1 =	ssub.s32 @!p0 $0x0, s1;
	[sflag:s0] =	ssyncset.done @!p0 $0x0  }
0x2f2: {  	[sflag:s0] =	ssyncadd.s32 @!p0 s1  }
0x2f3: {  	[bflag:$0x3] =	sbarrier.arrive $0xFFFF  }
0x2f4: {  	_ =	shalt  }

// kernel: kernel.7.cloned.1.call-start
scs
__scs_entry_jumppad:
0x0: {  	(pc) =	sbr.rel $0x88, $3  }
0x1: {  	(tag) =	ssettag $0x0;
	lr =	simm.s32 $0x1  }
0x2: {  	[smem:$0x3F96] =	sst lr;
	_ =	strace $0xD0000000  }
0x3: {  	_ = 	snop  }
0x4: {  	_ = 	snop  }
0x5: {  	_ = 	snop  }
0x6: {  	_ = 	snop  }
0x7: {  	_ = 	snop  }
__scs_overlays_trampoline_lowered:
0x8: {  	[smem:$0x3FA5] =	sst s0  }
0x9: {  	[smem:$0x3FA6] =	sst s1  }
0xa: {  	[smem:$0x3FA7] =	sst s2  }
0xb: {  	[smem:$0x3FA8] =	sst s3  }
0xc: {  	[smem:$0x3FA9] =	sst s4  }
0xd: {  	[smem:$0x3FAA] =	sst s5  }
0xe: {  	[smem:$0x3FAB] =	sst s6  }
0xf: {  	[smem:$0x3FAC] =	sst s7  }
0x10: {  	[smem:$0x3FAD] =	sst s8  }
0x11: {  	[smem:$0x3FAE] =	sst s9;
	s0 =	simm.s32 @!p0 $0x0  }
0x12: {  	s1 =	sld [smem:$0x3F94];
	s0 =	simm.s32 @p0 $0x1  }
0x13: {  	[smem:$0x3FAF] =	sst s0;
	s0 =	simm.s32 @!p1 $0x0  }
0x14: {  	s2 =	sld [smem:$0x3F93];
	s0 =	simm.s32 @p1 $0x1  }
0x15: {  	[smem:$0x3FB0] =	sst s0;
	s0 =	simm.s32 @!p2 $0x0  }
0x16: {  	s3 =	sld [smem:$0x3FDB];
	s0 =	simm.s32 @p2 $0x1  }
0x17: {  	s4 =	simm.s32 $0x1BF5;
	[smem:$0x3FB2] =	sst s0  }
0x18: {  	s0 =	sld [smem:$0x3F95];
	_ =	swait.ge [sflag:s4], $0x0  }
0x19: {  	s7 =	sld [smem:$0x3F96]  }
0x1a: {  	s8 =	sadd.s32 $0xFFFFE003, lr  }
0x1b: {  	s9 =	sadd.s32 $0xFFFFFEF7, lr;
	s5 =	simm.s32 $0xFFFFFFFF;
	p2 =	slt.u32 s8, $0xFFFFF086  }
0x1c: {  	p1 =	slt.u32 s9, $0xF7A;
	s5 =	simm.s32 @!p2 $0x0  }
0x1d: {  	s5 =	simm.s32 @p1 $0x1;
	p0 =	seq.s32 s7, s2  }
0x1e: {  	s7 =	smul.u32 @!p0 $0xF7A, s2;
	p2 =	seq.s32 @!p0 s5, $0x0  }
0x1f: {  	s9 =	smul.u32 $0xF7A, s1;
	s8 =	simm.s32 @!p0 $0x1BF5;
	p2 =	por !p2, p0  }
0x20: {  	[sflag:s8] =	ssyncset.s32 @!p0 $0xFFFFF086;
	s6 =	sadd.s32 @!p0 s3, s7;
	s7 =	simm.s32 @!p0 $0x108  }
0x21: {  	s3 =	sadd.s32 s3, s9;
	s6 =	sadd.s32 @!p0 $0x88, s6;
	s7 =	simm.s32 @p2 $0x1082  }
0x22: {  	[simem:s7], [sflag:s8] =	dma.local @!p0 [hbm:s6], $0xF7A  }
0x23: {  	s9 =	sor.u32 $0xD0000000, s2;
	s6 =	simm.s32 $0x108;
	_ =	swait.ge @!p0 [sflag:s8], $0x0  }
0x24: {  	s3 =	sadd.s32 $0x88, s3;
	s6 =	simm.s32 @!p1 $0x1082;
	[sflag:s4] =	ssyncset.s32 $0xFFFFF086  }
0x25: {  	[simem:s6], [sflag:s4] =	dma.local [hbm:s3], $0xF7A  }
0x26: {  	[smem:$0x3F96] =	sst s1;
	(tag) =	ssettag s2;
	_ =	strace s9  }
0x27: {  	s1 =	sld [smem:$0x3FA6]  }
0x28: {  	s2 =	sld [smem:$0x3FA7]  }
0x29: {  	s4 =	sld [smem:$0x3FA9]  }
0x2a: {  	p0 =	seq.s32 s5, $0x0;
	s5 =	sld [smem:$0x3FAA]  }
0x2b: {  	s6 =	sld [smem:$0x3FAB]  }
0x2c: {  	s7 =	sld [smem:$0x3FAC]  }
0x2d: {  	s3 =	simm.s32 $0x108;
	s8 =	sld [smem:$0x3FAD]  }
0x2e: {  	s3 =	simm.s32 @!p0 $0x1082;
	s9 =	sld [smem:$0x3FAE]  }
0x2f: {  	lr =	sadd.s32 s0, s3;
	s0 =	sld [smem:$0x3FA5]  }
0x30: {  	s3 =	sld [smem:$0x3FA8]  }
0x31: {  	[smem:$0x3FB1] =	sst s10  }
0x32: {  	s10 =	sld [smem:$0x3FAF];
	_ =	sdelay $0x3  }
0x33: {  	p0 =	seq.s32 s10, $0x1;
	s10 =	sld [smem:$0x3FB1];
	_ =	sdelay $0x3  }
0x34: {  	[smem:$0x3FB1] =	sst s10  }
0x35: {  	s10 =	sld [smem:$0x3FB0];
	_ =	sdelay $0x3  }
0x36: {  	p1 =	seq.s32 s10, $0x1;
	s10 =	sld [smem:$0x3FB1];
	_ =	sdelay $0x3  }
0x37: {  	[smem:$0x3FB1] =	sst s10  }
0x38: {  	s10 =	sld [smem:$0x3FB2]  }
0x39: {  	_ = 	snop;
	(pc) =	sbr.ind lr, $3  }
0x3a: {  	_ = 	snop  }
0x3b: {  	_ = 	snop  }
0x3c: {  	p2 =	seq.s32 s10, $0x1;
	s10 =	sld [smem:$0x3FB1]  }
0x3d: {  	_ =	shalt  }
0x3e: {  	_ =	shalt  }
0x3f: {  	_ =	shalt  }
0x40: {  	_ =	shalt  }
0x41: {  	_ =	shalt  }
0x42: {  	_ =	shalt  }
0x43: {  	_ =	shalt  }
0x44: {  	_ =	shalt  }
0x45: {  	_ =	shalt  }
0x46: {  	_ =	shalt  }
0x47: {  	_ =	shalt  }
0x48: {  	_ =	shalt  }
0x49: {  	_ =	shalt  }
0x4a: {  	_ =	shalt  }
0x4b: {  	_ =	shalt  }
0x4c: {  	_ =	shalt  }
0x4d: {  	_ =	shalt  }
0x4e: {  	_ =	shalt  }
0x4f: {  	_ =	shalt  }
0x50: {  	_ =	shalt  }
0x51: {  	_ =	shalt  }
0x52: {  	_ =	shalt  }
0x53: {  	_ =	shalt  }
0x54: {  	_ =	shalt  }
0x55: {  	_ =	shalt  }
0x56: {  	_ =	shalt  }
0x57: {  	_ =	shalt  }
0x58: {  	_ =	shalt  }
0x59: {  	_ =	shalt  }
0x5a: {  	_ =	shalt  }
0x5b: {  	_ =	shalt  }
0x5c: {  	_ =	shalt  }
0x5d: {  	_ =	shalt  }
0x5e: {  	_ =	shalt  }
0x5f: {  	_ =	shalt  }
0x60: {  	_ =	shalt  }
0x61: {  	_ =	shalt  }
0x62: {  	_ =	shalt  }
0x63: {  	_ =	shalt  }
0x64: {  	_ =	shalt  }
0x65: {  	_ =	shalt  }
0x66: {  	_ =	shalt  }
0x67: {  	_ =	shalt  }
0x68: {  	_ =	shalt  }
0x69: {  	_ =	shalt  }
0x6a: {  	_ =	shalt  }
0x6b: {  	_ =	shalt  }
0x6c: {  	_ =	shalt  }
0x6d: {  	_ =	shalt  }
0x6e: {  	_ =	shalt  }
0x6f: {  	_ =	shalt  }
0x70: {  	_ =	shalt  }
0x71: {  	_ =	shalt  }
0x72: {  	_ =	shalt  }
0x73: {  	_ =	shalt  }
0x74: {  	_ =	shalt  }
0x75: {  	_ =	shalt  }
0x76: {  	_ =	shalt  }
0x77: {  	_ =	shalt  }
0x78: {  	_ =	shalt  }
0x79: {  	_ =	shalt  }
0x7a: {  	_ =	shalt  }
0x7b: {  	_ =	shalt  }
0x7c: {  	_ =	shalt  }
0x7d: {  	_ =	shalt  }
0x7e: {  	_ =	shalt  }
0x7f: {  	_ =	shalt  }
0x80: {  	_ =	shalt  }
0x81: {  	_ =	shalt  }
0x82: {  	_ =	shalt  }
0x83: {  	_ =	shalt  }
0x84: {  	_ =	shalt  }
0x85: {  	_ =	shalt  }
0x86: {  	_ =	shalt  }
0x87: {  	_ =	shalt  }
.Lfunc_end0:
.L_simem_size_0:
called_computation_lowered:
.L_overlay_start_0:
0x88: {  	s2 =	sld [smem:$0x3FD9]  }
0x89: {  	s3 =	sld [smem:$0x3FFE];
	_ =	sdelay $0x1  }
0x8a: {  	s1 =	srdreg.scid  }
0x8b: {  	s0 =	sand.u32 $0x1, s1  }
0x8c: {  	s14 =	sshll.u32 s0, $0xA;
	s2 =	sadd.s32 s3, s2  }
0x8d: {  	s2 =	sadd.s32 s2, s14  }
0x8e: {  	[smem:$0x3FBD] =	sst s2  }
0x8f: {  	_ = 	snop  }
0x90: {  	s2 =	sld [smem:$0x3FD0];
	_ =	sdelay $0x2  }
0x91: {  	s15 =	simm.s32 $0xA;
	s4 =	simm.s32 $0x10  }
0x92: {  	[smem:s4], [sflag:s15] =	dma.local [hbm:s2], $0x1  }
0x93: {  	_ =	swait.eq [sflag:s15], $0x1  }
0x94: {  	[sflag:s15] =	ssyncset.done $0x0  }
0x95: {  	[sflag:s15] =	ssyncadd.s32 $0xFFFFFFFF  }
0x96: {  	s16 =	sld [smem:$0x10];
	(tm) =	ssettm $0x1  }
0x97: {  	s17 =	sld [smem:$0x3FFB];
	_ =	sdelay $0x3  }
0x98: {  	_ =	strace s17  }
0x99: {  	s3 =	sld [smem:$0x3FFC];
	_ =	sdelay $0x3  }
0x9a: {  	_ =	strace s3  }
0x9b: {  	s3 =	sld [smem:$0x3FFD];
	_ =	sdelay $0x3  }
0x9c: {  	_ =	strace s3  }
0x9d: {  	_ =	strace $0x8FFFFFFF  }
0x9e: {  	s18 =	sld [smem:$0x3FDB];
	_ =	sdelay $0x1  }
0x9f: {  	s19 =	simm.s32 $_scs_section_size  }
0xa0: {  	s5 =	simm.s32 $_size__tile_overlayer_lowered;
	s6 =	simm.s32 $_tile_overlayer_lowered  }
0xa1: {  	s22 =	simm.s32 $0x1BFF;
	s21 =	sshll.u32 s6, $0x1;
	s3 =	sadd.s32 s19, s18  }
0xa2: {  	s7 =	simm.s32 $0x0;
	s20 =	sshll.u32 s5, $0x1;
	s5 =	sadd.s32 s21, s3  }
0xa3: {  	[timem:s7], [sflag:s22] =	dma.local [hbm:s5], s20  }
0xa4: {  	_ =	swait.ge [sflag:s22], s20  }
0xa5: {  	s4 =	ssub.s32 $0x0, s20;
	[sflag:s22] =	ssyncset.done $0x0  }
0xa6: {  	[sflag:s22] =	ssyncadd.s32 s4;
	_ =	sdelay $0x1  }
0xa7: {  	s23 =	simm.s32 $0x1B8B  }
0xa8: {  	_ =	swait.ge [sflag:s23], $0x1  }
0xa9: {  	[sflag:s23] =	ssyncset.done $0x0  }
0xaa: {  	s25 =	simm.s32 $0x1B8E;
	s24 =	sld [smem:$0x3FFE];
	[sflag:s23] =	ssyncadd.s32 $0xFFFFFFFF  }
0xab: {  	s26 =	simm.s32 $execute0_lowered;
	[smem:$0x3FD2] =	sst s25  }
0xac: {  	s5 =	sshll.u32 s26, $0x1;
	_ =	strace $0x80000046;
	[dreg:$0x1] =	wrdreg $0xFFFFFFFF  }
0xad: {  	s28 =	simm.s32 $_size_execute0_lowered;
	s3 =	sadd.s32 s3, s5;
	[dreg:$0x0] =	wrdreg $0x0  }
0xae: {  	s5 =	sshll.u32 s28, $0x1;
	[dreg:$0x2] =	wrdreg s3  }
0xaf: {  	[dreg:$0x3] =	wrdreg s5  }
0xb0: {  	[dreg:$0x4] =	wrdreg $0xC0  }
0xb1: {  	_ =	task [dreg:s7], $0x5FFFF  }
0xb2: {  	[dreg:$0x1] =	wrdreg $0xFFFFFFFF  }
0xb3: {  	[dreg:$0x0] =	wrdreg $0x60  }
0xb4: {  	[dreg:$0x2] =	wrdreg s24  }
0xb5: {  	[dreg:$0x3] =	wrdreg s16  }
0xb6: {  	[dreg:$0x4] =	wrdreg $0x9  }
0xb7: {  	_ =	task.clear_ibuf [dreg:s7], $0x5FFFF;
	_ =	strace $0x90000046  }
0xb8: {  	s29 =	simm.s32 $0x9;
	_ =	strace $0x80000048  }
0xb9: {  	_ =	swait.ge [sflag:s29], $0x1  }
0xba: {  	[sflag:s29] =	ssyncadd.s32 $0xFFFFFFFF  }
0xbb: {  	_ =	strace $0x90000048  }
0xbc: {  	_ =	sfence  }
0xbd: {  	s30 =	sld [smem:$0x0];
	_ =	sdelay $0x2  }
0xbe: {  	s31 =	sshll.u32 s1, $0xD;
	s1 =	sshrl.u32 s1, $0x2  }
0xbf: {  	s3 =	sand.u32 $0x4000, s31;
	s1 =	sadd.s32 s1, s30  }
0xc0: {  	s0 =	sor.u32 s3, s0;
	s1 =	sshll.u32 s1, $0x11  }
0xc1: {  	s0 =	sor.u32 s1, s0  }
0xc2: {  	s0 =	sadd.s32 $0x8F2B, s0  }
0xc3: {  	[sflag:s0] =	ssyncadd.remote.s32 $0x1  }
0xc4: {  	_ =	sfence.sel $0xFFFF  }
0xc5: {  	[dreg:$0x0] =	wrdreg $0xFFFFFFFF;
	(pc) =	sbr.abs _section_cstart, $3  }
0xc6: {  	[dreg:$0x1] =	wrdreg $0xFFFFFFFF  }
0xc7: {  	_ =	task.clear_ibuf [dreg:s7], $0x2FFFF;
	_ =	strace $0x9FFFFFFF  }
0xc8: {  	(tm) =	ssettm $0x7FFFFFFF  }
0xc9: {  	_ =	shalt  }
tec
execute0_lowered:
.L_overlay_start_1:
0x0: {  	(tag) =	ssettag $0x1  }
0x1: {  	s0 =	srdreg.scid;
	s4 =	rddreg [dreg:$0x0]  }
0x2: {  	s6 =	rddreg [dreg:$0x1];
	s1 =	stileid.u32;
	s5 =	sand.u32 $0x1, s0  }
0x3: {  	s2 =	simm.s32 $0x0;
	s10 =	simm.s32 $0x7D0;
	s3 =	sshll.u32 s5, $0x4  }
0x4: {  	s11 =	simm.s32 $0x2EE0;
	s0 =	rddreg [dreg:$0x2];
	s7 =	sor.u32 s1, s3  }
0x5: {  	s12 =	simm.s32 $0x0;
	[smem:$0x7FF] =	sst s2;
	s8 =	smul.u32 $0x4E20, s7  }
0x6: {  	_ =	strace $0x80000047;
	s5 =	ssub.s32 $0x2, s5;
	s3 =	sadd.s32 $0xBE00, s4  }
0x7: {  	s4 =	sadd.s32 $0x2000, s4;
	s9 =	sshrl.u32 s5, $0x1;
	s8 =	sshrl.u32 s8, $0x3  }
0x8: {  	s9 =	ssub.s32 s5, s9;
	s5 =	smul.u32 $0x2710, s7;
	s6 =	sadd.s32 s6, s8  }
0x9: {  	v0 =	vimm.f32 $0.0e+00;
	v1 =	vimm.f32 $1.000000000e+00;
	s8 =	smax.u32 s9, $0x1;
	s9 =	simm.s32 $0x1;
	s7 =	sadd.s32 $0x4E2, s6  }
.LBB2_1:
0xa: {  	s13 =	simm.s32 $0x40;
	s14 =	simm.s32 $0x0  }
.LBB2_2:
0xb: {  	p0 =	sne.s32 s13, $0x9C00;
	[tilespmem:s14+$0x7D0] =	vst v0;
	s15 =	smov.u32 s13;
	s13 =	sadd.s32 $0x40, s13  }
.Ltmp0:
0xc: {  	[tilespmem:s14+$0x2EE0] =	vst v0;
	(pc) =	sbr.rel @p0 .LBB2_2-.Ltmp0, $2  }
0xd: {  	_ =	sdelay $0x2  }
0xe: {  	s14 =	sshra.s32 s15, $0x2  }
0xf: {  	[tilespmem:s14+$0x7D0] =	vst v0  }
0x10: {  	s13 =	simm.s32 $0x0;
	[tilespmem:s14+$0x2EE0] =	vst v0;
	s14 =	simm.s32 $0x0  }
.LBB2_4:
0x11: {  	s15 =	smul.u32 $0x7D0, s14;
	_ =	sdelay $0x1  }
0x12: {  	s15 =	sadd.s32 s5, s15  }
0x13: {  	s15 =	sshrl.u32 s15, $0x3  }
0x14: {  	s16 =	sadd.s32 s3, s15  }
0x15: {  	[tilespmem:s13], [sflag:$0x1] =	stream.linear.gather [hbm4b:s16+s13], $0x7D0, $0x38;
	[tilespmem:$0x55F0] =	vst v63  }
0x16: {  	_ =	swait.ge [sflag:s9], $0x7D0  }
0x17: {  	[sflag:s9] =	ssyncset.done $0x0  }
0x18: {  	s17 =	simm.s32 $0x0;
	s16 =	simm.s32 $0x40;
	[sflag:s9] =	ssyncadd.s32 $0xFFFFF830  }
.LBB2_5:
0x19: {  	p0 =	sne.s32 s16, $0x1F00;
	v2 =	vld [tilespmem:s17+$0x0];
	_ =	sdelay $0x3  }
.Ltmp1:
0x1a: {  	(pc) =	sbr.rel @p0 .LBB2_5-.Ltmp1, $2  }
0x1b: {  	_ =	sdelay $0x2  }
0x1c: {  	s17 =	sshra.s32 s16, $0x2;
	s16 =	sadd.s32 $0x40, s16;
	[tilespmem:v2+s10+$0x0] =	vst.idx.add.f32.msk $0xffff, v1  }
0x1d: {  	v2 =	vld [tilespmem:s17+$0x0];
	_ =	sdelay $0x7  }
0x1e: {  	s15 =	sadd.s32 s4, s15;
	s16 =	simm.s32 $0x0;
	[tilespmem:v2+s10+$0x0] =	vst.idx.add.f32.msk $0xffff, v1  }
0x1f: {  	[tilespmem:s16], [sflag:$0x1] =	stream.linear.gather [hbm4b:s15+s16], $0x7D0, $0x38;
	[tilespmem:$0x55F0] =	vst v63  }
0x20: {  	_ =	swait.ge [sflag:s9], $0x7D0  }
0x21: {  	[sflag:s9] =	ssyncset.done $0x0  }
0x22: {  	s16 =	simm.s32 $0x0;
	s15 =	simm.s32 $0x40;
	[sflag:s9] =	ssyncadd.s32 $0xFFFFF830  }
.LBB2_7:
0x23: {  	p0 =	sne.s32 s15, $0x1F00;
	v2 =	vld [tilespmem:s16+$0x0];
	_ =	sdelay $0x3  }
.Ltmp2:
0x24: {  	(pc) =	sbr.rel @p0 .LBB2_7-.Ltmp2, $2  }
0x25: {  	_ =	sdelay $0x2  }
0x26: {  	s16 =	sshra.s32 s15, $0x2;
	s15 =	sadd.s32 $0x40, s15;
	[tilespmem:v2+s11+$0x0] =	vst.idx.add.f32.msk $0xffff, v1  }
0x27: {  	v2 =	vld [tilespmem:s16+$0x0];
	_ =	sdelay $0x1  }
0x28: {  	s14 =	sadd.s32 $0x1, s14  }
0x29: {  	p0 =	sne.s32 s14, $0x5  }
.Ltmp3:
0x2a: {  	_ = 	snop;
	(pc) =	sbr.rel @p0 .LBB2_4-.Ltmp3, $2  }
0x2b: {  	_ =	sdelay $0x2  }
0x2c: {  	[tilespmem:v2+s11+$0x0] =	vst.idx.add.f32.msk $0xffff, v1  }
0x2d: {  	[hbm4b:s6+s2] =	stream.linear.scatter [tilespmem:s10], [sflag:$0x1], $0x2710, $0x38;
	[tilespmem:$0x55F0] =	vst v63  }
0x2e: {  	s12 =	sadd.s32 $0x1, s12;
	_ =	swait.ge [sflag:s9], $0x2710  }
0x2f: {  	p0 =	sne.s32 s12, s8;
	[sflag:s9] =	ssyncset.done $0x0  }
.Ltmp4:
0x30: {  	[sflag:s9] =	ssyncadd.s32 $0xFFFFD8F0;
	(pc) =	sbr.rel @p0 .LBB2_1-.Ltmp4, $4  }
0x31: {  	[hbm4b:s7+s2] =	stream.linear.scatter [tilespmem:s11], [sflag:$0x1], $0x2710, $0x38;
	[tilespmem:$0x55F0] =	vst v63  }
0x32: {  	_ =	swait.ge [sflag:s9], $0x2710  }
0x33: {  	[sflag:s9] =	ssyncset.done $0x0  }
0x34: {  	[sflag:s9] =	ssyncadd.s32 $0xFFFFD8F0  }
0x35: {  	_ =	sfence.sel $0x180000  }
0x36: {  	[bflag:$0x0] =	sbarrier.arrive $0xFFFF  }
0x37: {  	p0 =	sne.s32 s1, $0x0;
	_ =	strace $0x90000047  }
0x38: {  	s0 =	sadd.s32 @!p0 $0x100000, s0;
	[bflag:$0x2] =	sbarrier.arrive $0xFFFF  }
0x39: {  	[sflag:s0] =	ssyncadd.tile.s32 @!p0 $0x1;
	_ =	shalt  }
.Lfunc_end2:
_tile_overlayer_lowered:
.L_overlay_start_2:
0x3a: {  	(tag) =	ssettag $0x2  }
0x3b: {  	s0 =	rddreg [dreg:$0x0];
	s2 =	stileid.u32  }
0x3c: {  	s1 =	rddreg [dreg:$0x1];
	p0 =	sne.s32 s2, $0x0  }
0x3d: {  	s3 =	rddreg [dreg:$0x2];
	[bflag:$0x3] =	sbarrier.arrive $0xFFFF;
	s2 =	simm.s32 @!p0 $0x1C01  }
0x3e: {  	[timem:s3], [sflag:s2] =	dma.local @!p0 [hbm:s0], s1  }
0x3f: {  	s0 =	simm.s32 @!p0 $0x1  }
0x40: {  	_ =	swait.ge @!p0 [sflag:s0], s1  }
0x41: {  	s1 =	ssub.s32 @!p0 $0x0, s1;
	[sflag:s0] =	ssyncset.done @!p0 $0x0  }
0x42: {  	[sflag:s0] =	ssyncadd.s32 @!p0 s1  }
0x43: {  	[bflag:$0x3] =	sbarrier.arrive $0xFFFF  }
0x44: {  	_ =	shalt  }

</sc_bundles>
